<compile_context>
chip_gen: v7x
topology: tpu7x:2x2x1
jax: 0.10.2.dev20260603
libtpu: 0.0.44.dev20260713+nightly
codegen_flags: <defaults>
</compile_context>

<pallas_src>
import functools

import jax
import jax.numpy as jnp
from jax import lax
from jax.experimental import pallas as pl
from jax.experimental.pallas import tpu as pltpu
from jax.experimental.pallas import tpu_sc as plsc

_TOPK = 1024
_ROWS = 64
_COLS = 32768
_NW = 32
_NV = _COLS // 16
_UNROLL = 8

_SC_ROWS = 32
_TC_ROWS = _ROWS - _SC_ROWS
_TC_BLOCK = 8


def _find_bucket(hist, tot, k):
    lane = lax.iota(jnp.int32, 16)

    @plsc.parallel_loop(0, 16, unroll=4)
    def _(c):
        acc = jnp.zeros((16,), jnp.int32)
        for l in range(16):
            acc = acc + hist[pl.ds(l * 256 + c * 16, 16)]
        tot[pl.ds(c * 16, 16)] = acc

    def cond(st):
        return (st[0] >= 0) & jnp.logical_not(st[1])

    def body(st):
        c, _, acc, _, _, _ = st
        tv = tot[pl.ds(c * 16, 16)]
        rv = lax.rev(tv, (0,))
        cs = plsc.cumsum(rv) + acc
        hit = cs >= k
        nhit = plsc.cumsum(hit.astype(jnp.int32))
        first = hit & (nhit == 1)
        s_b = jnp.sum(jnp.where(first, cs, 0))
        c_b = jnp.sum(jnp.where(first, rv, 0))
        l_b = jnp.sum(jnp.where(first, lane, 0))
        found = jnp.sum(hit.astype(jnp.int32)) > 0
        chunk_total = jnp.sum(tv)
        bucket = jnp.where(found, c * 16 + 15 - l_b, 0)
        rank = jnp.where(found, k - (s_b - c_b), k)
        return (c - 1, found, acc + chunk_total, bucket, rank, c_b)

    _, _, _, bucket, rank, cnt = lax.while_loop(
        cond,
        body,
        (
            jnp.int32(15),
            jnp.bool_(False),
            jnp.int32(0),
            jnp.int32(0),
            k,
            jnp.int32(0),
        ),
    )
    return bucket, rank, cnt


def _sc_body(x_hbm, out_hbm, xv, kv, cand, hist, tot):
    c = lax.axis_index("c")
    s = lax.axis_index("s")
    wid = s * 2 + c
    lane = lax.iota(jnp.int32, 16)
    lane256 = lane * 256
    ones = jnp.ones((16,), jnp.int32)
    zeros16 = jnp.zeros((16,), jnp.int32)

    def zero_hist():
        @plsc.parallel_loop(0, 256, unroll=_UNROLL)
        def _(i):
            hist[pl.ds(i * 16, 16)] = zeros16

    base = wid * _COLS
    pltpu.sync_copy(x_hbm.at[pl.ds(base, _COLS)], xv)

    zero_hist()

    @plsc.parallel_loop(0, _NV, unroll=_UNROLL)
    def _(i):
        xc = xv[pl.ds(i * 16, 16)]
        u = lax.bitcast_convert_type(xc, jnp.uint32)
        sign = u >> jnp.uint32(31)
        key = u ^ (jnp.uint32(0x80000000) + sign * jnp.uint32(0x7FFFFFFF))
        kv[pl.ds(i * 16, 16)] = key
        b = (key >> jnp.uint32(24)).astype(jnp.int32)
        plsc.addupdate_scatter(hist, [lane256 + b], ones)

    b1, k, cnt1 = _find_bucket(hist, tot, jnp.int32(_TOPK))
    b1u = b1.astype(jnp.uint32)
    zero_hist()

    @plsc.parallel_loop(
        0, _NV, unroll=_UNROLL, carry=jnp.zeros((16,), jnp.int32)
    )
    def _(i, ofs):
        key = kv[pl.ds(i * 16, 16)]
        elig = (key >> jnp.uint32(24)) == b1u
        b = ((key >> jnp.uint32(16)) & jnp.uint32(0xFF)).astype(jnp.int32)
        plsc.addupdate_scatter(hist, [lane256 + b], ones, mask=elig)
        pos = plsc.cumsum(elig.astype(jnp.int32))
        plsc.store_scatter(
            cand,
            [ofs + pos - 1],
            lax.bitcast_convert_type(key, jnp.int32),
            mask=elig,
        )
        return ofs + plsc.all_reduce_population_count(elig)

    b2, k, _ = _find_bucket(hist, tot, k)
    b2u = b2.astype(jnp.uint32)
    nv1 = (cnt1 + 15) >> 4
    zero_hist()

    @plsc.parallel_loop(0, nv1, unroll=4)
    def _(i):
        kc = lax.bitcast_convert_type(cand[pl.ds(i * 16, 16)], jnp.uint32)
        valid = (i * 16 + lane) < cnt1
        elig = valid & (((kc >> jnp.uint32(16)) & jnp.uint32(0xFF)) == b2u)
        b = ((kc >> jnp.uint32(8)) & jnp.uint32(0xFF)).astype(jnp.int32)
        plsc.addupdate_scatter(hist, [lane256 + b], ones, mask=elig)

    b3, k, _ = _find_bucket(hist, tot, k)
    p23 = (b2u << jnp.uint32(8)) | b3.astype(jnp.uint32)
    zero_hist()

    @plsc.parallel_loop(0, nv1, unroll=4)
    def _(i):
        kc = lax.bitcast_convert_type(cand[pl.ds(i * 16, 16)], jnp.uint32)
        valid = (i * 16 + lane) < cnt1
        elig = valid & (((kc >> jnp.uint32(8)) & jnp.uint32(0xFFFF)) == p23)
        b = (kc & jnp.uint32(0xFF)).astype(jnp.int32)
        plsc.addupdate_scatter(hist, [lane256 + b], ones, mask=elig)

    b4, k, _ = _find_bucket(hist, tot, k)
    thresh = (
        (b1u << jnp.uint32(24))
        | (p23 << jnp.uint32(8))
        | b4.astype(jnp.uint32)
    )

    @plsc.parallel_loop(0, _NV, unroll=_UNROLL)
    def _(i):
        key = kv[pl.ds(i * 16, 16)]
        xc = xv[pl.ds(i * 16, 16)]
        xv[pl.ds(i * 16, 16)] = jnp.where(key >= thresh, xc, jnp.float32(0.0))

    pltpu.sync_copy(xv, out_hbm.at[pl.ds(base, _COLS)])


_sc_kernel = functools.partial(
    pl.kernel,
    out_type=jax.ShapeDtypeStruct((_SC_ROWS * _COLS,), jnp.float32),
    mesh=plsc.VectorSubcoreMesh(core_axis_name="c", subcore_axis_name="s"),
    scratch_types=[
        pltpu.VMEM((_COLS,), jnp.float32),
        pltpu.VMEM((_COLS,), jnp.uint32),
        pltpu.VMEM((_COLS,), jnp.int32),
        pltpu.VMEM((16 * 256,), jnp.int32),
        pltpu.VMEM((256,), jnp.int32),
    ],
    compiler_params=pltpu.CompilerParams(needs_layout_passes=False),
)(_sc_body)


def _tc_body(x_ref, o_ref):
    x = x_ref[...]
    u = lax.bitcast_convert_type(x, jnp.uint32)
    sign = u >> jnp.uint32(31)
    key = u ^ (jnp.uint32(0x80000000) + sign * jnp.uint32(0x7FFFFFFF))

    def step(i, p):
        bit = jnp.uint32(31) - i.astype(jnp.uint32)
        cand = p | (jnp.uint32(1) << bit)
        cnt = jnp.sum((key >= cand).astype(jnp.int32), axis=1, keepdims=True)
        return jnp.where(cnt >= _TOPK, cand, p)

    p0 = jnp.zeros((x.shape[0], 1), jnp.uint32)
    thresh = lax.fori_loop(0, 32, step, p0)
    o_ref[...] = jnp.where(key >= thresh, x, jnp.float32(0.0))


def _tc_kernel(x):
    return pl.pallas_call(
        _tc_body,
        out_shape=jax.ShapeDtypeStruct((_TC_ROWS, _COLS), jnp.float32),
        grid=(_TC_ROWS // _TC_BLOCK,),
        in_specs=[pl.BlockSpec((_TC_BLOCK, _COLS), lambda i: (i, 0))],
        out_specs=pl.BlockSpec((_TC_BLOCK, _COLS), lambda i: (i, 0)),
    )(x)


def kernel(x):
    sc_out = _sc_kernel(x[:_SC_ROWS].reshape(-1)).reshape(_SC_ROWS, _COLS)
    tc_out = _tc_kernel(x[_SC_ROWS:])
    return jnp.concatenate([sc_out, tc_out], axis=0)

# --- scband reference (transcript-rebuilt; emitter-appended) ---
"""Pipeline reference for scband-sparse-representation-59399397704021 (READ-ONLY COPY).

The authoritative reference and input builder live on the scoring server;
editing this copy changes nothing except your own understanding.
"""

import jax, jax.numpy as jnp
import numpy as np

TOPK = 1024

def setup_inputs(seed: int = 0) -> dict:
    key = jax.random.key(seed)
    x = jax.random.normal(key, (64, 32768), dtype=jnp.float32)
    return {"x": x}

def reference(x):
    b = x.shape[0]
    flat = x.reshape(b, -1)
    values, indices = jax.lax.top_k(flat, TOPK)
    mask = jnp.zeros_like(flat).at[jnp.arange(b)[:, None], indices].set(1.0)
    mask = mask.reshape(x.shape)
    sparse_x = x * mask
    return sparse_x

if __name__ == "__main__":
    import jax
    _d = setup_inputs()
    print(jax.jit(kernel)(*tuple(_d.values())))

</pallas_src>

<mosaic_0001>
#map = affine_map<(d0, d1) -> (0)>
module attributes {stable_mosaic.version = 14 : i64} {
  func.func @_sc_body(%arg0: i32, %arg1: i32, %arg2: memref<1048576xf32, #tpu.memory_space<hbm>>, %arg3: memref<1048576xf32, #tpu.memory_space<hbm>>, %arg4: memref<32768xf32, #tpu.memory_space<vmem>>, %arg5: memref<32768xi32, #tpu.memory_space<vmem>>, %arg6: memref<32768xi32, #tpu.memory_space<vmem>>, %arg7: memref<4096xi32, #tpu.memory_space<vmem>>, %arg8: memref<256xi32, #tpu.memory_space<vmem>>) attributes {dimension_semantics = [#tpu.dimension_semantics<core_parallel>, #tpu.dimension_semantics<subcore_parallel>], iteration_bounds = array<i64: 2, 16>, scalar_prefetch = 0 : i64, scratch_operands = 5 : i64, tpu.core_type = #tpu.core_type<sc_vector_subcore>, window_params = [{transform_indices = #map}, {transform_indices = #map}]} {
    %mul3A = arith.constant 2 : i32
    %mul3A_0 = arith.muli %arg1, %mul3A : i32
    %add3A = arith.addi %mul3A_0, %arg0 : i32
    %iota3A = tpu.iota {dimensions = array<i32: 0>} : vector<16xi32>
    %mul3A_1 = arith.constant 256 : i32
    %mul3A_2 = vector.broadcast %mul3A_1 : i32 to vector<16xi32>
    %mul3A_3 = arith.muli %iota3A, %mul3A_2 : vector<16xi32>
    %broadcast_in_dim3A = arith.constant 1 : i32
    %broadcast_in_dim3A_4 = vector.broadcast %broadcast_in_dim3A : i32 to vector<16xi32>
    %broadcast_in_dim3A_5 = arith.constant 0 : i32
    %broadcast_in_dim3A_6 = vector.broadcast %broadcast_in_dim3A_5 : i32 to vector<16xi32>
    %mul3A_7 = arith.constant 32768 : i32
    %mul3A_8 = arith.muli %add3A, %mul3A_7 : i32
    "tpu.region"() ({
      %run_scoped3A = tpu.sem_alloc : memref<!tpu.dma_semaphore, #tpu.memory_space<semaphore_mem>>
      %dma_start3A = tpu.memref_slice %arg2[%mul3A_8] : memref<1048576xf32, #tpu.memory_space<hbm>> -> memref<32768xf32, #tpu.memory_space<hbm>>
      %dma_start3A_87 = tpu.memref_slice %arg2[%mul3A_8] : memref<1048576xf32, #tpu.memory_space<hbm>> -> memref<32768xf32, #tpu.memory_space<hbm>>
      tpu.enqueue_dma source(%dma_start3A_87 : memref<32768xf32, #tpu.memory_space<hbm>>) target(%arg4 : memref<32768xf32, #tpu.memory_space<vmem>>) target_semaphore(%run_scoped3A : memref<!tpu.dma_semaphore, #tpu.memory_space<semaphore_mem>>)
      %dma_wait3A = tpu.memref_slice %arg2[%mul3A_8] : memref<1048576xf32, #tpu.memory_space<hbm>> -> memref<32768xf32, #tpu.memory_space<hbm>>
      %dma_wait3A_88 = tpu.memref_slice %arg2[%mul3A_8] : memref<1048576xf32, #tpu.memory_space<hbm>> -> memref<32768xf32, #tpu.memory_space<hbm>>
      tpu.wait_dma2 semaphore(%run_scoped3A : memref<!tpu.dma_semaphore, #tpu.memory_space<semaphore_mem>>) src(%dma_wait3A_88 : memref<32768xf32, #tpu.memory_space<hbm>>) dst(%arg4 : memref<32768xf32, #tpu.memory_space<vmem>>)
      tpu.yield
    }) : () -> ()
    %parallel_loop3A = arith.constant 0 : i32
    %parallel_loop3A_9 = arith.constant 256 : i32
    %parallel_loop3A_10 = arith.constant 1 : i32
    scf.for %parallel_loop3A_87 = %parallel_loop3A to %parallel_loop3A_9 step %parallel_loop3A_10  : i32 {
      %parallel_loop3A_88 = arith.constant 16 : i32
      %parallel_loop3A_89 = arith.muli %parallel_loop3A_87, %parallel_loop3A_88 : i32
      %parallel_loop3A_90 = arith.index_cast %parallel_loop3A_89 : i32 to index
      %parallel_loop3A_91 = tpu.vector_load %arg7[%parallel_loop3A_90] {strides = array<i32>} : memref<4096xi32, #tpu.memory_space<vmem>>, vector<16xi32>,
      tpu.vector_store %arg7[%parallel_loop3A_90], %broadcast_in_dim3A_6 {strides = array<i32>} : memref<4096xi32, #tpu.memory_space<vmem>>, vector<16xi32>,
    } {sc.loop_unroll_factor = 8 : i64, sc.parallel_access}
    %parallel_loop3A_11 = arith.constant 0 : i32
    %parallel_loop3A_12 = arith.constant 2048 : i32
    %parallel_loop3A_13 = arith.constant 1 : i32
    scf.for %parallel_loop3A_87 = %parallel_loop3A_11 to %parallel_loop3A_12 step %parallel_loop3A_13  : i32 {
      %parallel_loop3A_88 = arith.constant 16 : i32
      %parallel_loop3A_89 = arith.muli %parallel_loop3A_87, %parallel_loop3A_88 : i32
      %parallel_loop3A_90 = arith.index_cast %parallel_loop3A_89 : i32 to index
      %parallel_loop3A_91 = tpu.vector_load %arg4[%parallel_loop3A_90] {strides = array<i32>} : memref<32768xf32, #tpu.memory_space<vmem>>, vector<16xf32>,
      %parallel_loop3A_92 = tpu.bitcast %parallel_loop3A_91 : vector<16xf32> -> vector<16xi32>
      %parallel_loop3A_93 = arith.constant 31 : i32
      %parallel_loop3A_94 = vector.broadcast %parallel_loop3A_93 : i32 to vector<16xi32>
      %parallel_loop3A_95 = arith.shrui %parallel_loop3A_92, %parallel_loop3A_94 : vector<16xi32>
      %parallel_loop3A_96 = arith.constant 2147483647 : i32
      %parallel_loop3A_97 = vector.broadcast %parallel_loop3A_96 : i32 to vector<16xi32>
      %parallel_loop3A_98 = arith.muli %parallel_loop3A_95, %parallel_loop3A_97 : vector<16xi32>
      %parallel_loop3A_99 = arith.constant -2147483648 : i32
      %parallel_loop3A_100 = vector.broadcast %parallel_loop3A_99 : i32 to vector<16xi32>
      %parallel_loop3A_101 = arith.addi %parallel_loop3A_100, %parallel_loop3A_98 : vector<16xi32>
      %parallel_loop3A_102 = arith.xori %parallel_loop3A_92, %parallel_loop3A_101 : vector<16xi32>
      %parallel_loop3A_103 = arith.constant 16 : i32
      %parallel_loop3A_104 = arith.muli %parallel_loop3A_87, %parallel_loop3A_103 : i32
      %parallel_loop3A_105 = arith.index_cast %parallel_loop3A_104 : i32 to index
      %parallel_loop3A_106 = tpu.vector_load %arg5[%parallel_loop3A_105] {strides = array<i32>} : memref<32768xi32, #tpu.memory_space<vmem>>, vector<16xi32>,
      tpu.vector_store %arg5[%parallel_loop3A_105], %parallel_loop3A_102 {strides = array<i32>} : memref<32768xi32, #tpu.memory_space<vmem>>, vector<16xi32>,
      %parallel_loop3A_107 = arith.constant 24 : i32
      %parallel_loop3A_108 = vector.broadcast %parallel_loop3A_107 : i32 to vector<16xi32>
      %parallel_loop3A_109 = arith.shrui %parallel_loop3A_102, %parallel_loop3A_108 : vector<16xi32>
      %parallel_loop3A_110 = arith.addi %mul3A_3, %parallel_loop3A_109 : vector<16xi32>
      tpu.vector_store_idx %arg7[%parallel_loop3A_110], %broadcast_in_dim3A_4 {add = true} : memref<4096xi32, #tpu.memory_space<vmem>>[vector<16xi32>], vector<16xi32>,
    } {sc.loop_unroll_factor = 8 : i64, sc.parallel_access}
    %iota3A_14 = tpu.iota {dimensions = array<i32: 0>} : vector<16xi32>
    %parallel_loop3A_15 = arith.constant 0 : i32
    %parallel_loop3A_16 = arith.constant 16 : i32
    %parallel_loop3A_17 = arith.constant 1 : i32
    scf.for %parallel_loop3A_87 = %parallel_loop3A_15 to %parallel_loop3A_16 step %parallel_loop3A_17  : i32 {
      %parallel_loop3A_88 = arith.constant 0 : i32
      %parallel_loop3A_89 = vector.broadcast %parallel_loop3A_88 : i32 to vector<16xi32>
      %parallel_loop3A_90 = arith.constant 16 : i32
      %parallel_loop3A_91 = arith.muli %parallel_loop3A_87, %parallel_loop3A_90 : i32
      %parallel_loop3A_92 = arith.constant 0 : i32
      %parallel_loop3A_93 = arith.addi %parallel_loop3A_92, %parallel_loop3A_91 : i32
      %parallel_loop3A_94 = arith.index_cast %parallel_loop3A_93 : i32 to index
      %parallel_loop3A_95 = tpu.vector_load %arg7[%parallel_loop3A_94] {strides = array<i32>} : memref<4096xi32, #tpu.memory_space<vmem>>, vector<16xi32>,
      %parallel_loop3A_96 = arith.addi %parallel_loop3A_89, %parallel_loop3A_95 : vector<16xi32>
      %parallel_loop3A_97 = arith.constant 16 : i32
      %parallel_loop3A_98 = arith.muli %parallel_loop3A_87, %parallel_loop3A_97 : i32
      %parallel_loop3A_99 = arith.constant 256 : i32
      %parallel_loop3A_100 = arith.addi %parallel_loop3A_99, %parallel_loop3A_98 : i32
      %parallel_loop3A_101 = arith.index_cast %parallel_loop3A_100 : i32 to index
      %parallel_loop3A_102 = tpu.vector_load %arg7[%parallel_loop3A_101] {strides = array<i32>} : memref<4096xi32, #tpu.memory_space<vmem>>, vector<16xi32>,
      %parallel_loop3A_103 = arith.addi %parallel_loop3A_96, %parallel_loop3A_102 : vector<16xi32>
      %parallel_loop3A_104 = arith.constant 16 : i32
      %parallel_loop3A_105 = arith.muli %parallel_loop3A_87, %parallel_loop3A_104 : i32
      %parallel_loop3A_106 = arith.constant 512 : i32
      %parallel_loop3A_107 = arith.addi %parallel_loop3A_106, %parallel_loop3A_105 : i32
      %parallel_loop3A_108 = arith.index_cast %parallel_loop3A_107 : i32 to index
      %parallel_loop3A_109 = tpu.vector_load %arg7[%parallel_loop3A_108] {strides = array<i32>} : memref<4096xi32, #tpu.memory_space<vmem>>, vector<16xi32>,
      %parallel_loop3A_110 = arith.addi %parallel_loop3A_103, %parallel_loop3A_109 : vector<16xi32>
      %parallel_loop3A_111 = arith.constant 16 : i32
      %parallel_loop3A_112 = arith.muli %parallel_loop3A_87, %parallel_loop3A_111 : i32
      %parallel_loop3A_113 = arith.constant 768 : i32
      %parallel_loop3A_114 = arith.addi %parallel_loop3A_113, %parallel_loop3A_112 : i32
      %parallel_loop3A_115 = arith.index_cast %parallel_loop3A_114 : i32 to index
      %parallel_loop3A_116 = tpu.vector_load %arg7[%parallel_loop3A_115] {strides = array<i32>} : memref<4096xi32, #tpu.memory_space<vmem>>, vector<16xi32>,
      %parallel_loop3A_117 = arith.addi %parallel_loop3A_110, %parallel_loop3A_116 : vector<16xi32>
      %parallel_loop3A_118 = arith.constant 16 : i32
      %parallel_loop3A_119 = arith.muli %parallel_loop3A_87, %parallel_loop3A_118 : i32
      %parallel_loop3A_120 = arith.constant 1024 : i32
      %parallel_loop3A_121 = arith.addi %parallel_loop3A_120, %parallel_loop3A_119 : i32
      %parallel_loop3A_122 = arith.index_cast %parallel_loop3A_121 : i32 to index
      %parallel_loop3A_123 = tpu.vector_load %arg7[%parallel_loop3A_122] {strides = array<i32>} : memref<4096xi32, #tpu.memory_space<vmem>>, vector<16xi32>,
      %parallel_loop3A_124 = arith.addi %parallel_loop3A_117, %parallel_loop3A_123 : vector<16xi32>
      %parallel_loop3A_125 = arith.constant 16 : i32
      %parallel_loop3A_126 = arith.muli %parallel_loop3A_87, %parallel_loop3A_125 : i32
      %parallel_loop3A_127 = arith.constant 1280 : i32
      %parallel_loop3A_128 = arith.addi %parallel_loop3A_127, %parallel_loop3A_126 : i32
      %parallel_loop3A_129 = arith.index_cast %parallel_loop3A_128 : i32 to index
      %parallel_loop3A_130 = tpu.vector_load %arg7[%parallel_loop3A_129] {strides = array<i32>} : memref<4096xi32, #tpu.memory_space<vmem>>, vector<16xi32>,
      %parallel_loop3A_131 = arith.addi %parallel_loop3A_124, %parallel_loop3A_130 : vector<16xi32>
      %parallel_loop3A_132 = arith.constant 16 : i32
      %parallel_loop3A_133 = arith.muli %parallel_loop3A_87, %parallel_loop3A_132 : i32
      %parallel_loop3A_134 = arith.constant 1536 : i32
      %parallel_loop3A_135 = arith.addi %parallel_loop3A_134, %parallel_loop3A_133 : i32
      %parallel_loop3A_136 = arith.index_cast %parallel_loop3A_135 : i32 to index
      %parallel_loop3A_137 = tpu.vector_load %arg7[%parallel_loop3A_136] {strides = array<i32>} : memref<4096xi32, #tpu.memory_space<vmem>>, vector<16xi32>,
      %parallel_loop3A_138 = arith.addi %parallel_loop3A_131, %parallel_loop3A_137 : vector<16xi32>
      %parallel_loop3A_139 = arith.constant 16 : i32
      %parallel_loop3A_140 = arith.muli %parallel_loop3A_87, %parallel_loop3A_139 : i32
      %parallel_loop3A_141 = arith.constant 1792 : i32
      %parallel_loop3A_142 = arith.addi %parallel_loop3A_141, %parallel_loop3A_140 : i32
      %parallel_loop3A_143 = arith.index_cast %parallel_loop3A_142 : i32 to index
      %parallel_loop3A_144 = tpu.vector_load %arg7[%parallel_loop3A_143] {strides = array<i32>} : memref<4096xi32, #tpu.memory_space<vmem>>, vector<16xi32>,
      %parallel_loop3A_145 = arith.addi %parallel_loop3A_138, %parallel_loop3A_144 : vector<16xi32>
      %parallel_loop3A_146 = arith.constant 16 : i32
      %parallel_loop3A_147 = arith.muli %parallel_loop3A_87, %parallel_loop3A_146 : i32
      %parallel_loop3A_148 = arith.constant 2048 : i32
      %parallel_loop3A_149 = arith.addi %parallel_loop3A_148, %parallel_loop3A_147 : i32
      %parallel_loop3A_150 = arith.index_cast %parallel_loop3A_149 : i32 to index
      %parallel_loop3A_151 = tpu.vector_load %arg7[%parallel_loop3A_150] {strides = array<i32>} : memref<4096xi32, #tpu.memory_space<vmem>>, vector<16xi32>,
      %parallel_loop3A_152 = arith.addi %parallel_loop3A_145, %parallel_loop3A_151 : vector<16xi32>
      %parallel_loop3A_153 = arith.constant 16 : i32
      %parallel_loop3A_154 = arith.muli %parallel_loop3A_87, %parallel_loop3A_153 : i32
      %parallel_loop3A_155 = arith.constant 2304 : i32
      %parallel_loop3A_156 = arith.addi %parallel_loop3A_155, %parallel_loop3A_154 : i32
      %parallel_loop3A_157 = arith.index_cast %parallel_loop3A_156 : i32 to index
      %parallel_loop3A_158 = tpu.vector_load %arg7[%parallel_loop3A_157] {strides = array<i32>} : memref<4096xi32, #tpu.memory_space<vmem>>, vector<16xi32>,
      %parallel_loop3A_159 = arith.addi %parallel_loop3A_152, %parallel_loop3A_158 : vector<16xi32>
      %parallel_loop3A_160 = arith.constant 16 : i32
      %parallel_loop3A_161 = arith.muli %parallel_loop3A_87, %parallel_loop3A_160 : i32
      %parallel_loop3A_162 = arith.constant 2560 : i32
      %parallel_loop3A_163 = arith.addi %parallel_loop3A_162, %parallel_loop3A_161 : i32
      %parallel_loop3A_164 = arith.index_cast %parallel_loop3A_163 : i32 to index
      %parallel_loop3A_165 = tpu.vector_load %arg7[%parallel_loop3A_164] {strides = array<i32>} : memref<4096xi32, #tpu.memory_space<vmem>>, vector<16xi32>,
      %parallel_loop3A_166 = arith.addi %parallel_loop3A_159, %parallel_loop3A_165 : vector<16xi32>
      %parallel_loop3A_167 = arith.constant 16 : i32
      %parallel_loop3A_168 = arith.muli %parallel_loop3A_87, %parallel_loop3A_167 : i32
      %parallel_loop3A_169 = arith.constant 2816 : i32
      %parallel_loop3A_170 = arith.addi %parallel_loop3A_169, %parallel_loop3A_168 : i32
      %parallel_loop3A_171 = arith.index_cast %parallel_loop3A_170 : i32 to index
      %parallel_loop3A_172 = tpu.vector_load %arg7[%parallel_loop3A_171] {strides = array<i32>} : memref<4096xi32, #tpu.memory_space<vmem>>, vector<16xi32>,
      %parallel_loop3A_173 = arith.addi %parallel_loop3A_166, %parallel_loop3A_172 : vector<16xi32>
      %parallel_loop3A_174 = arith.constant 16 : i32
      %parallel_loop3A_175 = arith.muli %parallel_loop3A_87, %parallel_loop3A_174 : i32
      %parallel_loop3A_176 = arith.constant 3072 : i32
      %parallel_loop3A_177 = arith.addi %parallel_loop3A_176, %parallel_loop3A_175 : i32
      %parallel_loop3A_178 = arith.index_cast %parallel_loop3A_177 : i32 to index
      %parallel_loop3A_179 = tpu.vector_load %arg7[%parallel_loop3A_178] {strides = array<i32>} : memref<4096xi32, #tpu.memory_space<vmem>>, vector<16xi32>,
      %parallel_loop3A_180 = arith.addi %parallel_loop3A_173, %parallel_loop3A_179 : vector<16xi32>
      %parallel_loop3A_181 = arith.constant 16 : i32
      %parallel_loop3A_182 = arith.muli %parallel_loop3A_87, %parallel_loop3A_181 : i32
      %parallel_loop3A_183 = arith.constant 3328 : i32
      %parallel_loop3A_184 = arith.addi %parallel_loop3A_183, %parallel_loop3A_182 : i32
      %parallel_loop3A_185 = arith.index_cast %parallel_loop3A_184 : i32 to index
      %parallel_loop3A_186 = tpu.vector_load %arg7[%parallel_loop3A_185] {strides = array<i32>} : memref<4096xi32, #tpu.memory_space<vmem>>, vector<16xi32>,
      %parallel_loop3A_187 = arith.addi %parallel_loop3A_180, %parallel_loop3A_186 : vector<16xi32>
      %parallel_loop3A_188 = arith.constant 16 : i32
      %parallel_loop3A_189 = arith.muli %parallel_loop3A_87, %parallel_loop3A_188 : i32
      %parallel_loop3A_190 = arith.constant 3584 : i32
      %parallel_loop3A_191 = arith.addi %parallel_loop3A_190, %parallel_loop3A_189 : i32
      %parallel_loop3A_192 = arith.index_cast %parallel_loop3A_191 : i32 to index
      %parallel_loop3A_193 = tpu.vector_load %arg7[%parallel_loop3A_192] {strides = array<i32>} : memref<4096xi32, #tpu.memory_space<vmem>>, vector<16xi32>,
      %parallel_loop3A_194 = arith.addi %parallel_loop3A_187, %parallel_loop3A_193 : vector<16xi32>
      %parallel_loop3A_195 = arith.constant 16 : i32
      %parallel_loop3A_196 = arith.muli %parallel_loop3A_87, %parallel_loop3A_195 : i32
      %parallel_loop3A_197 = arith.constant 3840 : i32
      %parallel_loop3A_198 = arith.addi %parallel_loop3A_197, %parallel_loop3A_196 : i32
      %parallel_loop3A_199 = arith.index_cast %parallel_loop3A_198 : i32 to index
      %parallel_loop3A_200 = tpu.vector_load %arg7[%parallel_loop3A_199] {strides = array<i32>} : memref<4096xi32, #tpu.memory_space<vmem>>, vector<16xi32>,
      %parallel_loop3A_201 = arith.addi %parallel_loop3A_194, %parallel_loop3A_200 : vector<16xi32>
      %parallel_loop3A_202 = arith.constant 16 : i32
      %parallel_loop3A_203 = arith.muli %parallel_loop3A_87, %parallel_loop3A_202 : i32
      %parallel_loop3A_204 = arith.index_cast %parallel_loop3A_203 : i32 to index
      %parallel_loop3A_205 = tpu.vector_load %arg8[%parallel_loop3A_204] {strides = array<i32>} : memref<256xi32, #tpu.memory_space<vmem>>, vector<16xi32>,
      tpu.vector_store %arg8[%parallel_loop3A_204], %parallel_loop3A_201 {strides = array<i32>} : memref<256xi32, #tpu.memory_space<vmem>>, vector<16xi32>,
    } {sc.loop_unroll_factor = 4 : i64, sc.parallel_access}
    %while3A = arith.constant 1024 : i32
    %while3A_18 = arith.constant 15 : i32
    %while3A_19 = arith.constant false
    %while3A_20 = arith.constant 0 : i32
    %while3A_21 = arith.constant 0 : i32
    %while3A_22 = arith.constant 1024 : i32
    %while3A_23 = arith.constant 0 : i32
    %while3A_24:6 = scf.while (%while3A_87 = %while3A_18, %while3A_88 = %while3A_19, %while3A_89 = %while3A_20, %while3A_90 = %while3A_21, %while3A_91 = %while3A_22, %while3A_92 = %while3A_23) : (i32, i1, i32, i32, i32, i32) -> (i32, i1, i32, i32, i32, i32) {
      %ge3A = arith.constant 0 : i32
      %ge3A_93 = arith.cmpi sge, %while3A_87, %ge3A : i32
      %not3A = arith.constant true
      %not3A_94 = arith.xori %while3A_88, %not3A : i1
      %and3A = arith.andi %ge3A_93, %not3A_94 : i1
      scf.condition(%and3A) %while3A_87, %while3A_88, %while3A_89, %while3A_90, %while3A_91, %while3A_92 : i32, i1, i32, i32, i32, i32
    } do {
    ^bb0(%while3A_87: i32, %while3A_88: i1, %while3A_89: i32, %while3A_90: i32, %while3A_91: i32, %while3A_92: i32):
      %mul3A_93 = arith.constant 16 : i32
      %mul3A_94 = arith.muli %while3A_87, %mul3A_93 : i32
      %get3A = arith.index_cast %mul3A_94 : i32 to index
      %get3A_95 = tpu.vector_load %arg8[%get3A] {strides = array<i32>} : memref<256xi32, #tpu.memory_space<vmem>>, vector<16xi32>,
      %rev3A = arith.constant 15 : i32
      %rev3A_96 = vector.broadcast %rev3A : i32 to vector<16xi32>
      %rev3A_97 = tpu.iota {dimensions = array<i32: 0>} : vector<16xi32>
      %rev3A_98 = arith.subi %rev3A_96, %rev3A_97 : vector<16xi32>
      %rev3A_99 = tpu.dynamic_gather %get3A_95[%rev3A_98] in [0] : vector<16xi32>, vector<16xi32> -> vector<16xi32>
      %broadcast_in_dim3A_100 = arith.constant true
      %broadcast_in_dim3A_101 = vector.broadcast %broadcast_in_dim3A_100 : i1 to vector<16xi1>
      %masked_cumsum3A = tpu.scan <sum>, %rev3A_99 masked %broadcast_in_dim3A_101 : vector<16xi32>, vector<16xi1> -> vector<16xi32>
      %add3A_102 = vector.broadcast %while3A_89 : i32 to vector<16xi32>
      %add3A_103 = arith.addi %masked_cumsum3A, %add3A_102 : vector<16xi32>
      %ge3A = vector.broadcast %while3A : i32 to vector<16xi32>
      %ge3A_104 = arith.cmpi sge, %add3A_103, %ge3A : vector<16xi32>
      %convert_element_type3A = arith.extui %ge3A_104 : vector<16xi1> to vector<16xi32>
      %broadcast_in_dim3A_105 = arith.constant true
      %broadcast_in_dim3A_106 = vector.broadcast %broadcast_in_dim3A_105 : i1 to vector<16xi1>
      %masked_cumsum3A_107 = tpu.scan <sum>, %convert_element_type3A masked %broadcast_in_dim3A_106 : vector<16xi32>, vector<16xi1> -> vector<16xi32>
      %eq3A = arith.constant 1 : i32
      %eq3A_108 = vector.broadcast %eq3A : i32 to vector<16xi32>
      %eq3A_109 = arith.cmpi eq, %masked_cumsum3A_107, %eq3A_108 : vector<16xi32>
      %and3A = arith.andi %ge3A_104, %eq3A_109 : vector<16xi1>
      %jit3A = arith.constant 0 : i32
      %broadcast_in_dim3A_110 = vector.broadcast %jit3A : i32 to vector<16xi32>
      %select_n3A = arith.select %and3A, %add3A_103, %broadcast_in_dim3A_110 : vector<16xi1>, vector<16xi32>
      %reduce_sum3A = arith.constant true
      %reduce_sum3A_111 = vector.broadcast %reduce_sum3A : i1 to vector<16xi1>
      %reduce_sum3A_112 = tpu.scan <sum>, %select_n3A masked %reduce_sum3A_111 : vector<16xi32>, vector<16xi1> -> vector<16xi32>
      %reduce_sum3A_113 = vector.extract %reduce_sum3A_112[15] : i32 from vector<16xi32>
      %jit3A_114 = arith.constant 0 : i32
      %broadcast_in_dim3A_115 = vector.broadcast %jit3A_114 : i32 to vector<16xi32>
      %select_n3A_116 = arith.select %and3A, %rev3A_99, %broadcast_in_dim3A_115 : vector<16xi1>, vector<16xi32>
      %reduce_sum3A_117 = arith.constant true
      %reduce_sum3A_118 = vector.broadcast %reduce_sum3A_117 : i1 to vector<16xi1>
      %reduce_sum3A_119 = tpu.scan <sum>, %select_n3A_116 masked %reduce_sum3A_118 : vector<16xi32>, vector<16xi1> -> vector<16xi32>
      %reduce_sum3A_120 = vector.extract %reduce_sum3A_119[15] : i32 from vector<16xi32>
      %jit3A_121 = arith.constant 0 : i32
      %broadcast_in_dim3A_122 = vector.broadcast %jit3A_121 : i32 to vector<16xi32>
      %select_n3A_123 = arith.select %and3A, %iota3A_14, %broadcast_in_dim3A_122 : vector<16xi1>, vector<16xi32>
      %reduce_sum3A_124 = arith.constant true
      %reduce_sum3A_125 = vector.broadcast %reduce_sum3A_124 : i1 to vector<16xi1>
      %reduce_sum3A_126 = tpu.scan <sum>, %select_n3A_123 masked %reduce_sum3A_125 : vector<16xi32>, vector<16xi1> -> vector<16xi32>
      %reduce_sum3A_127 = vector.extract %reduce_sum3A_126[15] : i32 from vector<16xi32>
      %convert_element_type3A_128 = arith.extui %ge3A_104 : vector<16xi1> to vector<16xi32>
      %reduce_sum3A_129 = arith.constant true
      %reduce_sum3A_130 = vector.broadcast %reduce_sum3A_129 : i1 to vector<16xi1>
      %reduce_sum3A_131 = tpu.scan <sum>, %convert_element_type3A_128 masked %reduce_sum3A_130 : vector<16xi32>, vector<16xi1> -> vector<16xi32>
      %reduce_sum3A_132 = vector.extract %reduce_sum3A_131[15] : i32 from vector<16xi32>
      %gt3A = arith.constant 0 : i32
      %gt3A_133 = arith.cmpi sgt, %reduce_sum3A_132, %gt3A : i32
      %reduce_sum3A_134 = arith.constant true
      %reduce_sum3A_135 = vector.broadcast %reduce_sum3A_134 : i1 to vector<16xi1>
      %reduce_sum3A_136 = tpu.scan <sum>, %get3A_95 masked %reduce_sum3A_135 : vector<16xi32>, vector<16xi1> -> vector<16xi32>
      %reduce_sum3A_137 = vector.extract %reduce_sum3A_136[15] : i32 from vector<16xi32>
      %mul3A_138 = arith.constant 16 : i32
      %mul3A_139 = arith.muli %while3A_87, %mul3A_138 : i32
      %add3A_140 = arith.constant 15 : i32
      %add3A_141 = arith.addi %mul3A_139, %add3A_140 : i32
      %sub3A = arith.subi %add3A_141, %reduce_sum3A_127 : i32
      %jit3A_142 = arith.constant 0 : i32
      %select_n3A_143 = arith.select %gt3A_133, %sub3A, %jit3A_142 : i32
      %sub3A_144 = arith.subi %reduce_sum3A_113, %reduce_sum3A_120 : i32
      %sub3A_145 = arith.subi %while3A, %sub3A_144 : i32
      %select_n3A_146 = arith.select %gt3A_133, %sub3A_145, %while3A : i32
      %sub3A_147 = arith.constant 1 : i32
      %sub3A_148 = arith.subi %while3A_87, %sub3A_147 : i32
      %add3A_149 = arith.addi %while3A_89, %reduce_sum3A_137 : i32
      scf.yield %sub3A_148, %gt3A_133, %add3A_149, %select_n3A_143, %select_n3A_146, %reduce_sum3A_120 : i32, i1, i32, i32, i32, i32
    }
    %parallel_loop3A_25 = arith.constant 0 : i32
    %parallel_loop3A_26 = arith.constant 256 : i32
    %parallel_loop3A_27 = arith.constant 1 : i32
    scf.for %parallel_loop3A_87 = %parallel_loop3A_25 to %parallel_loop3A_26 step %parallel_loop3A_27  : i32 {
      %parallel_loop3A_88 = arith.constant 16 : i32
      %parallel_loop3A_89 = arith.muli %parallel_loop3A_87, %parallel_loop3A_88 : i32
      %parallel_loop3A_90 = arith.index_cast %parallel_loop3A_89 : i32 to index
      %parallel_loop3A_91 = tpu.vector_load %arg7[%parallel_loop3A_90] {strides = array<i32>} : memref<4096xi32, #tpu.memory_space<vmem>>, vector<16xi32>,
      tpu.vector_store %arg7[%parallel_loop3A_90], %broadcast_in_dim3A_6 {strides = array<i32>} : memref<4096xi32, #tpu.memory_space<vmem>>, vector<16xi32>,
    } {sc.loop_unroll_factor = 8 : i64, sc.parallel_access}
    %broadcast_in_dim3A_28 = arith.constant 0 : i32
    %broadcast_in_dim3A_29 = vector.broadcast %broadcast_in_dim3A_28 : i32 to vector<16xi32>
    %parallel_loop3A_30 = arith.constant 0 : i32
    %parallel_loop3A_31 = arith.constant 2048 : i32
    %parallel_loop3A_32 = arith.constant 1 : i32
    %parallel_loop3A_33 = scf.for %parallel_loop3A_87 = %parallel_loop3A_30 to %parallel_loop3A_31 step %parallel_loop3A_32 iter_args(%parallel_loop3A_88 = %broadcast_in_dim3A_29) -> (vector<16xi32>)  : i32 {
      %parallel_loop3A_89 = arith.constant 16 : i32
      %parallel_loop3A_90 = arith.muli %parallel_loop3A_87, %parallel_loop3A_89 : i32
      %parallel_loop3A_91 = arith.index_cast %parallel_loop3A_90 : i32 to index
      %parallel_loop3A_92 = tpu.vector_load %arg5[%parallel_loop3A_91] {strides = array<i32>} : memref<32768xi32, #tpu.memory_space<vmem>>, vector<16xi32>,
      %parallel_loop3A_93 = arith.constant 24 : i32
      %parallel_loop3A_94 = vector.broadcast %parallel_loop3A_93 : i32 to vector<16xi32>
      %parallel_loop3A_95 = arith.shrui %parallel_loop3A_92, %parallel_loop3A_94 : vector<16xi32>
      %parallel_loop3A_96 = vector.broadcast %while3A_24#3 : i32 to vector<16xi32>
      %parallel_loop3A_97 = arith.cmpi eq, %parallel_loop3A_95, %parallel_loop3A_96 : vector<16xi32>
      %parallel_loop3A_98 = arith.constant 16 : i32
      %parallel_loop3A_99 = vector.broadcast %parallel_loop3A_98 : i32 to vector<16xi32>
      %parallel_loop3A_100 = arith.shrui %parallel_loop3A_92, %parallel_loop3A_99 : vector<16xi32>
      %parallel_loop3A_101 = arith.constant 255 : i32
      %parallel_loop3A_102 = vector.broadcast %parallel_loop3A_101 : i32 to vector<16xi32>
      %parallel_loop3A_103 = arith.andi %parallel_loop3A_100, %parallel_loop3A_102 : vector<16xi32>
      %parallel_loop3A_104 = arith.addi %mul3A_3, %parallel_loop3A_103 : vector<16xi32>
      tpu.vector_store_idx %arg7[%parallel_loop3A_104], %broadcast_in_dim3A_4 masked %parallel_loop3A_97 {add = true} : memref<4096xi32, #tpu.memory_space<vmem>>[vector<16xi32>], vector<16xi32>, vector<16xi1>
      %parallel_loop3A_105 = arith.extui %parallel_loop3A_97 : vector<16xi1> to vector<16xi32>
      %parallel_loop3A_106 = arith.constant true
      %parallel_loop3A_107 = vector.broadcast %parallel_loop3A_106 : i1 to vector<16xi1>
      %parallel_loop3A_108 = tpu.scan <sum>, %parallel_loop3A_105 masked %parallel_loop3A_107 : vector<16xi32>, vector<16xi1> -> vector<16xi32>
      %parallel_loop3A_109 = arith.addi %parallel_loop3A_88, %parallel_loop3A_108 : vector<16xi32>
      %parallel_loop3A_110 = arith.constant 1 : i32
      %parallel_loop3A_111 = vector.broadcast %parallel_loop3A_110 : i32 to vector<16xi32>
      %parallel_loop3A_112 = arith.subi %parallel_loop3A_109, %parallel_loop3A_111 : vector<16xi32>
      %parallel_loop3A_113 = tpu.bitcast %parallel_loop3A_92 : vector<16xi32> -> vector<16xi32>
      tpu.vector_store_idx %arg6[%parallel_loop3A_112], %parallel_loop3A_113 masked %parallel_loop3A_97 : memref<32768xi32, #tpu.memory_space<vmem>>[vector<16xi32>], vector<16xi32>, vector<16xi1>
      %parallel_loop3A_114 = tpu.all_reduce %parallel_loop3A_97 {dim = 0 : i64, kind = #tpu.reduction_kind<sum>} : vector<16xi1> -> vector<16xi32>
      %parallel_loop3A_115 = arith.addi %parallel_loop3A_88, %parallel_loop3A_114 : vector<16xi32>
      scf.yield %parallel_loop3A_115 : vector<16xi32>
    } {sc.loop_unroll_factor = 8 : i64, sc.parallel_access}
    %iota3A_34 = tpu.iota {dimensions = array<i32: 0>} : vector<16xi32>
    %parallel_loop3A_35 = arith.constant 0 : i32
    %parallel_loop3A_36 = arith.constant 16 : i32
    %parallel_loop3A_37 = arith.constant 1 : i32
    scf.for %parallel_loop3A_87 = %parallel_loop3A_35 to %parallel_loop3A_36 step %parallel_loop3A_37  : i32 {
      %parallel_loop3A_88 = arith.constant 0 : i32
      %parallel_loop3A_89 = vector.broadcast %parallel_loop3A_88 : i32 to vector<16xi32>
      %parallel_loop3A_90 = arith.constant 16 : i32
      %parallel_loop3A_91 = arith.muli %parallel_loop3A_87, %parallel_loop3A_90 : i32
      %parallel_loop3A_92 = arith.constant 0 : i32
      %parallel_loop3A_93 = arith.addi %parallel_loop3A_92, %parallel_loop3A_91 : i32
      %parallel_loop3A_94 = arith.index_cast %parallel_loop3A_93 : i32 to index
      %parallel_loop3A_95 = tpu.vector_load %arg7[%parallel_loop3A_94] {strides = array<i32>} : memref<4096xi32, #tpu.memory_space<vmem>>, vector<16xi32>,
      %parallel_loop3A_96 = arith.addi %parallel_loop3A_89, %parallel_loop3A_95 : vector<16xi32>
      %parallel_loop3A_97 = arith.constant 16 : i32
      %parallel_loop3A_98 = arith.muli %parallel_loop3A_87, %parallel_loop3A_97 : i32
      %parallel_loop3A_99 = arith.constant 256 : i32
      %parallel_loop3A_100 = arith.addi %parallel_loop3A_99, %parallel_loop3A_98 : i32
      %parallel_loop3A_101 = arith.index_cast %parallel_loop3A_100 : i32 to index
      %parallel_loop3A_102 = tpu.vector_load %arg7[%parallel_loop3A_101] {strides = array<i32>} : memref<4096xi32, #tpu.memory_space<vmem>>, vector<16xi32>,
      %parallel_loop3A_103 = arith.addi %parallel_loop3A_96, %parallel_loop3A_102 : vector<16xi32>
      %parallel_loop3A_104 = arith.constant 16 : i32
      %parallel_loop3A_105 = arith.muli %parallel_loop3A_87, %parallel_loop3A_104 : i32
      %parallel_loop3A_106 = arith.constant 512 : i32
      %parallel_loop3A_107 = arith.addi %parallel_loop3A_106, %parallel_loop3A_105 : i32
      %parallel_loop3A_108 = arith.index_cast %parallel_loop3A_107 : i32 to index
      %parallel_loop3A_109 = tpu.vector_load %arg7[%parallel_loop3A_108] {strides = array<i32>} : memref<4096xi32, #tpu.memory_space<vmem>>, vector<16xi32>,
      %parallel_loop3A_110 = arith.addi %parallel_loop3A_103, %parallel_loop3A_109 : vector<16xi32>
      %parallel_loop3A_111 = arith.constant 16 : i32
      %parallel_loop3A_112 = arith.muli %parallel_loop3A_87, %parallel_loop3A_111 : i32
      %parallel_loop3A_113 = arith.constant 768 : i32
      %parallel_loop3A_114 = arith.addi %parallel_loop3A_113, %parallel_loop3A_112 : i32
      %parallel_loop3A_115 = arith.index_cast %parallel_loop3A_114 : i32 to index
      %parallel_loop3A_116 = tpu.vector_load %arg7[%parallel_loop3A_115] {strides = array<i32>} : memref<4096xi32, #tpu.memory_space<vmem>>, vector<16xi32>,
      %parallel_loop3A_117 = arith.addi %parallel_loop3A_110, %parallel_loop3A_116 : vector<16xi32>
      %parallel_loop3A_118 = arith.constant 16 : i32
      %parallel_loop3A_119 = arith.muli %parallel_loop3A_87, %parallel_loop3A_118 : i32
      %parallel_loop3A_120 = arith.constant 1024 : i32
      %parallel_loop3A_121 = arith.addi %parallel_loop3A_120, %parallel_loop3A_119 : i32
      %parallel_loop3A_122 = arith.index_cast %parallel_loop3A_121 : i32 to index
      %parallel_loop3A_123 = tpu.vector_load %arg7[%parallel_loop3A_122] {strides = array<i32>} : memref<4096xi32, #tpu.memory_space<vmem>>, vector<16xi32>,
      %parallel_loop3A_124 = arith.addi %parallel_loop3A_117, %parallel_loop3A_123 : vector<16xi32>
      %parallel_loop3A_125 = arith.constant 16 : i32
      %parallel_loop3A_126 = arith.muli %parallel_loop3A_87, %parallel_loop3A_125 : i32
      %parallel_loop3A_127 = arith.constant 1280 : i32
      %parallel_loop3A_128 = arith.addi %parallel_loop3A_127, %parallel_loop3A_126 : i32
      %parallel_loop3A_129 = arith.index_cast %parallel_loop3A_128 : i32 to index
      %parallel_loop3A_130 = tpu.vector_load %arg7[%parallel_loop3A_129] {strides = array<i32>} : memref<4096xi32, #tpu.memory_space<vmem>>, vector<16xi32>,
      %parallel_loop3A_131 = arith.addi %parallel_loop3A_124, %parallel_loop3A_130 : vector<16xi32>
      %parallel_loop3A_132 = arith.constant 16 : i32
      %parallel_loop3A_133 = arith.muli %parallel_loop3A_87, %parallel_loop3A_132 : i32
      %parallel_loop3A_134 = arith.constant 1536 : i32
      %parallel_loop3A_135 = arith.addi %parallel_loop3A_134, %parallel_loop3A_133 : i32
      %parallel_loop3A_136 = arith.index_cast %parallel_loop3A_135 : i32 to index
      %parallel_loop3A_137 = tpu.vector_load %arg7[%parallel_loop3A_136] {strides = array<i32>} : memref<4096xi32, #tpu.memory_space<vmem>>, vector<16xi32>,
      %parallel_loop3A_138 = arith.addi %parallel_loop3A_131, %parallel_loop3A_137 : vector<16xi32>
      %parallel_loop3A_139 = arith.constant 16 : i32
      %parallel_loop3A_140 = arith.muli %parallel_loop3A_87, %parallel_loop3A_139 : i32
      %parallel_loop3A_141 = arith.constant 1792 : i32
      %parallel_loop3A_142 = arith.addi %parallel_loop3A_141, %parallel_loop3A_140 : i32
      %parallel_loop3A_143 = arith.index_cast %parallel_loop3A_142 : i32 to index
      %parallel_loop3A_144 = tpu.vector_load %arg7[%parallel_loop3A_143] {strides = array<i32>} : memref<4096xi32, #tpu.memory_space<vmem>>, vector<16xi32>,
      %parallel_loop3A_145 = arith.addi %parallel_loop3A_138, %parallel_loop3A_144 : vector<16xi32>
      %parallel_loop3A_146 = arith.constant 16 : i32
      %parallel_loop3A_147 = arith.muli %parallel_loop3A_87, %parallel_loop3A_146 : i32
      %parallel_loop3A_148 = arith.constant 2048 : i32
      %parallel_loop3A_149 = arith.addi %parallel_loop3A_148, %parallel_loop3A_147 : i32
      %parallel_loop3A_150 = arith.index_cast %parallel_loop3A_149 : i32 to index
      %parallel_loop3A_151 = tpu.vector_load %arg7[%parallel_loop3A_150] {strides = array<i32>} : memref<4096xi32, #tpu.memory_space<vmem>>, vector<16xi32>,
      %parallel_loop3A_152 = arith.addi %parallel_loop3A_145, %parallel_loop3A_151 : vector<16xi32>
      %parallel_loop3A_153 = arith.constant 16 : i32
      %parallel_loop3A_154 = arith.muli %parallel_loop3A_87, %parallel_loop3A_153 : i32
      %parallel_loop3A_155 = arith.constant 2304 : i32
      %parallel_loop3A_156 = arith.addi %parallel_loop3A_155, %parallel_loop3A_154 : i32
      %parallel_loop3A_157 = arith.index_cast %parallel_loop3A_156 : i32 to index
      %parallel_loop3A_158 = tpu.vector_load %arg7[%parallel_loop3A_157] {strides = array<i32>} : memref<4096xi32, #tpu.memory_space<vmem>>, vector<16xi32>,
      %parallel_loop3A_159 = arith.addi %parallel_loop3A_152, %parallel_loop3A_158 : vector<16xi32>
      %parallel_loop3A_160 = arith.constant 16 : i32
      %parallel_loop3A_161 = arith.muli %parallel_loop3A_87, %parallel_loop3A_160 : i32
      %parallel_loop3A_162 = arith.constant 2560 : i32
      %parallel_loop3A_163 = arith.addi %parallel_loop3A_162, %parallel_loop3A_161 : i32
      %parallel_loop3A_164 = arith.index_cast %parallel_loop3A_163 : i32 to index
      %parallel_loop3A_165 = tpu.vector_load %arg7[%parallel_loop3A_164] {strides = array<i32>} : memref<4096xi32, #tpu.memory_space<vmem>>, vector<16xi32>,
      %parallel_loop3A_166 = arith.addi %parallel_loop3A_159, %parallel_loop3A_165 : vector<16xi32>
      %parallel_loop3A_167 = arith.constant 16 : i32
      %parallel_loop3A_168 = arith.muli %parallel_loop3A_87, %parallel_loop3A_167 : i32
      %parallel_loop3A_169 = arith.constant 2816 : i32
      %parallel_loop3A_170 = arith.addi %parallel_loop3A_169, %parallel_loop3A_168 : i32
      %parallel_loop3A_171 = arith.index_cast %parallel_loop3A_170 : i32 to index
      %parallel_loop3A_172 = tpu.vector_load %arg7[%parallel_loop3A_171] {strides = array<i32>} : memref<4096xi32, #tpu.memory_space<vmem>>, vector<16xi32>,
      %parallel_loop3A_173 = arith.addi %parallel_loop3A_166, %parallel_loop3A_172 : vector<16xi32>
      %parallel_loop3A_174 = arith.constant 16 : i32
      %parallel_loop3A_175 = arith.muli %parallel_loop3A_87, %parallel_loop3A_174 : i32
      %parallel_loop3A_176 = arith.constant 3072 : i32
      %parallel_loop3A_177 = arith.addi %parallel_loop3A_176, %parallel_loop3A_175 : i32
      %parallel_loop3A_178 = arith.index_cast %parallel_loop3A_177 : i32 to index
      %parallel_loop3A_179 = tpu.vector_load %arg7[%parallel_loop3A_178] {strides = array<i32>} : memref<4096xi32, #tpu.memory_space<vmem>>, vector<16xi32>,
      %parallel_loop3A_180 = arith.addi %parallel_loop3A_173, %parallel_loop3A_179 : vector<16xi32>
      %parallel_loop3A_181 = arith.constant 16 : i32
      %parallel_loop3A_182 = arith.muli %parallel_loop3A_87, %parallel_loop3A_181 : i32
      %parallel_loop3A_183 = arith.constant 3328 : i32
      %parallel_loop3A_184 = arith.addi %parallel_loop3A_183, %parallel_loop3A_182 : i32
      %parallel_loop3A_185 = arith.index_cast %parallel_loop3A_184 : i32 to index
      %parallel_loop3A_186 = tpu.vector_load %arg7[%parallel_loop3A_185] {strides = array<i32>} : memref<4096xi32, #tpu.memory_space<vmem>>, vector<16xi32>,
      %parallel_loop3A_187 = arith.addi %parallel_loop3A_180, %parallel_loop3A_186 : vector<16xi32>
      %parallel_loop3A_188 = arith.constant 16 : i32
      %parallel_loop3A_189 = arith.muli %parallel_loop3A_87, %parallel_loop3A_188 : i32
      %parallel_loop3A_190 = arith.constant 3584 : i32
      %parallel_loop3A_191 = arith.addi %parallel_loop3A_190, %parallel_loop3A_189 : i32
      %parallel_loop3A_192 = arith.index_cast %parallel_loop3A_191 : i32 to index
      %parallel_loop3A_193 = tpu.vector_load %arg7[%parallel_loop3A_192] {strides = array<i32>} : memref<4096xi32, #tpu.memory_space<vmem>>, vector<16xi32>,
      %parallel_loop3A_194 = arith.addi %parallel_loop3A_187, %parallel_loop3A_193 : vector<16xi32>
      %parallel_loop3A_195 = arith.constant 16 : i32
      %parallel_loop3A_196 = arith.muli %parallel_loop3A_87, %parallel_loop3A_195 : i32
      %parallel_loop3A_197 = arith.constant 3840 : i32
      %parallel_loop3A_198 = arith.addi %parallel_loop3A_197, %parallel_loop3A_196 : i32
      %parallel_loop3A_199 = arith.index_cast %parallel_loop3A_198 : i32 to index
      %parallel_loop3A_200 = tpu.vector_load %arg7[%parallel_loop3A_199] {strides = array<i32>} : memref<4096xi32, #tpu.memory_space<vmem>>, vector<16xi32>,
      %parallel_loop3A_201 = arith.addi %parallel_loop3A_194, %parallel_loop3A_200 : vector<16xi32>
      %parallel_loop3A_202 = arith.constant 16 : i32
      %parallel_loop3A_203 = arith.muli %parallel_loop3A_87, %parallel_loop3A_202 : i32
      %parallel_loop3A_204 = arith.index_cast %parallel_loop3A_203 : i32 to index
      %parallel_loop3A_205 = tpu.vector_load %arg8[%parallel_loop3A_204] {strides = array<i32>} : memref<256xi32, #tpu.memory_space<vmem>>, vector<16xi32>,
      tpu.vector_store %arg8[%parallel_loop3A_204], %parallel_loop3A_201 {strides = array<i32>} : memref<256xi32, #tpu.memory_space<vmem>>, vector<16xi32>,
    } {sc.loop_unroll_factor = 4 : i64, sc.parallel_access}
    %while3A_38 = arith.constant 15 : i32
    %while3A_39 = arith.constant false
    %while3A_40 = arith.constant 0 : i32
    %while3A_41 = arith.constant 0 : i32
    %while3A_42 = arith.constant 0 : i32
    %while3A_43:6 = scf.while (%while3A_87 = %while3A_38, %while3A_88 = %while3A_39, %while3A_89 = %while3A_40, %while3A_90 = %while3A_41, %while3A_91 = %while3A_24#4, %while3A_92 = %while3A_42) : (i32, i1, i32, i32, i32, i32) -> (i32, i1, i32, i32, i32, i32) {
      %ge3A = arith.constant 0 : i32
      %ge3A_93 = arith.cmpi sge, %while3A_87, %ge3A : i32
      %not3A = arith.constant true
      %not3A_94 = arith.xori %while3A_88, %not3A : i1
      %and3A = arith.andi %ge3A_93, %not3A_94 : i1
      scf.condition(%and3A) %while3A_87, %while3A_88, %while3A_89, %while3A_90, %while3A_91, %while3A_92 : i32, i1, i32, i32, i32, i32
    } do {
    ^bb0(%while3A_87: i32, %while3A_88: i1, %while3A_89: i32, %while3A_90: i32, %while3A_91: i32, %while3A_92: i32):
      %mul3A_93 = arith.constant 16 : i32
      %mul3A_94 = arith.muli %while3A_87, %mul3A_93 : i32
      %get3A = arith.index_cast %mul3A_94 : i32 to index
      %get3A_95 = tpu.vector_load %arg8[%get3A] {strides = array<i32>} : memref<256xi32, #tpu.memory_space<vmem>>, vector<16xi32>,
      %rev3A = arith.constant 15 : i32
      %rev3A_96 = vector.broadcast %rev3A : i32 to vector<16xi32>
      %rev3A_97 = tpu.iota {dimensions = array<i32: 0>} : vector<16xi32>
      %rev3A_98 = arith.subi %rev3A_96, %rev3A_97 : vector<16xi32>
      %rev3A_99 = tpu.dynamic_gather %get3A_95[%rev3A_98] in [0] : vector<16xi32>, vector<16xi32> -> vector<16xi32>
      %broadcast_in_dim3A_100 = arith.constant true
      %broadcast_in_dim3A_101 = vector.broadcast %broadcast_in_dim3A_100 : i1 to vector<16xi1>
      %masked_cumsum3A = tpu.scan <sum>, %rev3A_99 masked %broadcast_in_dim3A_101 : vector<16xi32>, vector<16xi1> -> vector<16xi32>
      %add3A_102 = vector.broadcast %while3A_89 : i32 to vector<16xi32>
      %add3A_103 = arith.addi %masked_cumsum3A, %add3A_102 : vector<16xi32>
      %ge3A = vector.broadcast %while3A_24#4 : i32 to vector<16xi32>
      %ge3A_104 = arith.cmpi sge, %add3A_103, %ge3A : vector<16xi32>
      %convert_element_type3A = arith.extui %ge3A_104 : vector<16xi1> to vector<16xi32>
      %broadcast_in_dim3A_105 = arith.constant true
      %broadcast_in_dim3A_106 = vector.broadcast %broadcast_in_dim3A_105 : i1 to vector<16xi1>
      %masked_cumsum3A_107 = tpu.scan <sum>, %convert_element_type3A masked %broadcast_in_dim3A_106 : vector<16xi32>, vector<16xi1> -> vector<16xi32>
      %eq3A = arith.constant 1 : i32
      %eq3A_108 = vector.broadcast %eq3A : i32 to vector<16xi32>
      %eq3A_109 = arith.cmpi eq, %masked_cumsum3A_107, %eq3A_108 : vector<16xi32>
      %and3A = arith.andi %ge3A_104, %eq3A_109 : vector<16xi1>
      %jit3A = arith.constant 0 : i32
      %broadcast_in_dim3A_110 = vector.broadcast %jit3A : i32 to vector<16xi32>
      %select_n3A = arith.select %and3A, %add3A_103, %broadcast_in_dim3A_110 : vector<16xi1>, vector<16xi32>
      %reduce_sum3A = arith.constant true
      %reduce_sum3A_111 = vector.broadcast %reduce_sum3A : i1 to vector<16xi1>
      %reduce_sum3A_112 = tpu.scan <sum>, %select_n3A masked %reduce_sum3A_111 : vector<16xi32>, vector<16xi1> -> vector<16xi32>
      %reduce_sum3A_113 = vector.extract %reduce_sum3A_112[15] : i32 from vector<16xi32>
      %jit3A_114 = arith.constant 0 : i32
      %broadcast_in_dim3A_115 = vector.broadcast %jit3A_114 : i32 to vector<16xi32>
      %select_n3A_116 = arith.select %and3A, %rev3A_99, %broadcast_in_dim3A_115 : vector<16xi1>, vector<16xi32>
      %reduce_sum3A_117 = arith.constant true
      %reduce_sum3A_118 = vector.broadcast %reduce_sum3A_117 : i1 to vector<16xi1>
      %reduce_sum3A_119 = tpu.scan <sum>, %select_n3A_116 masked %reduce_sum3A_118 : vector<16xi32>, vector<16xi1> -> vector<16xi32>
      %reduce_sum3A_120 = vector.extract %reduce_sum3A_119[15] : i32 from vector<16xi32>
      %jit3A_121 = arith.constant 0 : i32
      %broadcast_in_dim3A_122 = vector.broadcast %jit3A_121 : i32 to vector<16xi32>
      %select_n3A_123 = arith.select %and3A, %iota3A_34, %broadcast_in_dim3A_122 : vector<16xi1>, vector<16xi32>
      %reduce_sum3A_124 = arith.constant true
      %reduce_sum3A_125 = vector.broadcast %reduce_sum3A_124 : i1 to vector<16xi1>
      %reduce_sum3A_126 = tpu.scan <sum>, %select_n3A_123 masked %reduce_sum3A_125 : vector<16xi32>, vector<16xi1> -> vector<16xi32>
      %reduce_sum3A_127 = vector.extract %reduce_sum3A_126[15] : i32 from vector<16xi32>
      %convert_element_type3A_128 = arith.extui %ge3A_104 : vector<16xi1> to vector<16xi32>
      %reduce_sum3A_129 = arith.constant true
      %reduce_sum3A_130 = vector.broadcast %reduce_sum3A_129 : i1 to vector<16xi1>
      %reduce_sum3A_131 = tpu.scan <sum>, %convert_element_type3A_128 masked %reduce_sum3A_130 : vector<16xi32>, vector<16xi1> -> vector<16xi32>
      %reduce_sum3A_132 = vector.extract %reduce_sum3A_131[15] : i32 from vector<16xi32>
      %gt3A = arith.constant 0 : i32
      %gt3A_133 = arith.cmpi sgt, %reduce_sum3A_132, %gt3A : i32
      %reduce_sum3A_134 = arith.constant true
      %reduce_sum3A_135 = vector.broadcast %reduce_sum3A_134 : i1 to vector<16xi1>
      %reduce_sum3A_136 = tpu.scan <sum>, %get3A_95 masked %reduce_sum3A_135 : vector<16xi32>, vector<16xi1> -> vector<16xi32>
      %reduce_sum3A_137 = vector.extract %reduce_sum3A_136[15] : i32 from vector<16xi32>
      %mul3A_138 = arith.constant 16 : i32
      %mul3A_139 = arith.muli %while3A_87, %mul3A_138 : i32
      %add3A_140 = arith.constant 15 : i32
      %add3A_141 = arith.addi %mul3A_139, %add3A_140 : i32
      %sub3A = arith.subi %add3A_141, %reduce_sum3A_127 : i32
      %jit3A_142 = arith.constant 0 : i32
      %select_n3A_143 = arith.select %gt3A_133, %sub3A, %jit3A_142 : i32
      %sub3A_144 = arith.subi %reduce_sum3A_113, %reduce_sum3A_120 : i32
      %sub3A_145 = arith.subi %while3A_24#4, %sub3A_144 : i32
      %select_n3A_146 = arith.select %gt3A_133, %sub3A_145, %while3A_24#4 : i32
      %sub3A_147 = arith.constant 1 : i32
      %sub3A_148 = arith.subi %while3A_87, %sub3A_147 : i32
      %add3A_149 = arith.addi %while3A_89, %reduce_sum3A_137 : i32
      scf.yield %sub3A_148, %gt3A_133, %add3A_149, %select_n3A_143, %select_n3A_146, %reduce_sum3A_120 : i32, i1, i32, i32, i32, i32
    }
    %add3A_44 = arith.constant 15 : i32
    %add3A_45 = arith.addi %while3A_24#5, %add3A_44 : i32
    %shift_right_arithmetic3A = arith.constant 4 : i32
    %shift_right_arithmetic3A_46 = arith.shrsi %add3A_45, %shift_right_arithmetic3A : i32
    %parallel_loop3A_47 = arith.constant 0 : i32
    %parallel_loop3A_48 = arith.constant 256 : i32
    %parallel_loop3A_49 = arith.constant 1 : i32
    scf.for %parallel_loop3A_87 = %parallel_loop3A_47 to %parallel_loop3A_48 step %parallel_loop3A_49  : i32 {
      %parallel_loop3A_88 = arith.constant 16 : i32
      %parallel_loop3A_89 = arith.muli %parallel_loop3A_87, %parallel_loop3A_88 : i32
      %parallel_loop3A_90 = arith.index_cast %parallel_loop3A_89 : i32 to index
      %parallel_loop3A_91 = tpu.vector_load %arg7[%parallel_loop3A_90] {strides = array<i32>} : memref<4096xi32, #tpu.memory_space<vmem>>, vector<16xi32>,
      tpu.vector_store %arg7[%parallel_loop3A_90], %broadcast_in_dim3A_6 {strides = array<i32>} : memref<4096xi32, #tpu.memory_space<vmem>>, vector<16xi32>,
    } {sc.loop_unroll_factor = 8 : i64, sc.parallel_access}
    %parallel_loop3A_50 = arith.constant 0 : i32
    %parallel_loop3A_51 = arith.constant 1 : i32
    scf.for %parallel_loop3A_87 = %parallel_loop3A_50 to %shift_right_arithmetic3A_46 step %parallel_loop3A_51  : i32 {
      %parallel_loop3A_88 = arith.constant 16 : i32
      %parallel_loop3A_89 = arith.muli %parallel_loop3A_87, %parallel_loop3A_88 : i32
      %parallel_loop3A_90 = arith.index_cast %parallel_loop3A_89 : i32 to index
      %parallel_loop3A_91 = tpu.vector_load %arg6[%parallel_loop3A_90] {strides = array<i32>} : memref<32768xi32, #tpu.memory_space<vmem>>, vector<16xi32>,
      %parallel_loop3A_92 = tpu.bitcast %parallel_loop3A_91 : vector<16xi32> -> vector<16xi32>
      %parallel_loop3A_93 = arith.constant 16 : i32
      %parallel_loop3A_94 = arith.muli %parallel_loop3A_87, %parallel_loop3A_93 : i32
      %parallel_loop3A_95 = vector.broadcast %parallel_loop3A_94 : i32 to vector<16xi32>
      %parallel_loop3A_96 = arith.addi %parallel_loop3A_95, %iota3A : vector<16xi32>
      %parallel_loop3A_97 = vector.broadcast %while3A_24#5 : i32 to vector<16xi32>
      %parallel_loop3A_98 = arith.cmpi slt, %parallel_loop3A_96, %parallel_loop3A_97 : vector<16xi32>
      %parallel_loop3A_99 = arith.constant 16 : i32
      %parallel_loop3A_100 = vector.broadcast %parallel_loop3A_99 : i32 to vector<16xi32>
      %parallel_loop3A_101 = arith.shrui %parallel_loop3A_92, %parallel_loop3A_100 : vector<16xi32>
      %parallel_loop3A_102 = arith.constant 255 : i32
      %parallel_loop3A_103 = vector.broadcast %parallel_loop3A_102 : i32 to vector<16xi32>
      %parallel_loop3A_104 = arith.andi %parallel_loop3A_101, %parallel_loop3A_103 : vector<16xi32>
      %parallel_loop3A_105 = vector.broadcast %while3A_43#3 : i32 to vector<16xi32>
      %parallel_loop3A_106 = arith.cmpi eq, %parallel_loop3A_104, %parallel_loop3A_105 : vector<16xi32>
      %parallel_loop3A_107 = arith.andi %parallel_loop3A_98, %parallel_loop3A_106 : vector<16xi1>
      %parallel_loop3A_108 = arith.constant 8 : i32
      %parallel_loop3A_109 = vector.broadcast %parallel_loop3A_108 : i32 to vector<16xi32>
      %parallel_loop3A_110 = arith.shrui %parallel_loop3A_92, %parallel_loop3A_109 : vector<16xi32>
      %parallel_loop3A_111 = arith.constant 255 : i32
      %parallel_loop3A_112 = vector.broadcast %parallel_loop3A_111 : i32 to vector<16xi32>
      %parallel_loop3A_113 = arith.andi %parallel_loop3A_110, %parallel_loop3A_112 : vector<16xi32>
      %parallel_loop3A_114 = arith.addi %mul3A_3, %parallel_loop3A_113 : vector<16xi32>
      tpu.vector_store_idx %arg7[%parallel_loop3A_114], %broadcast_in_dim3A_4 masked %parallel_loop3A_107 {add = true} : memref<4096xi32, #tpu.memory_space<vmem>>[vector<16xi32>], vector<16xi32>, vector<16xi1>
    } {sc.loop_unroll_factor = 4 : i64, sc.parallel_access}
    %iota3A_52 = tpu.iota {dimensions = array<i32: 0>} : vector<16xi32>
    %parallel_loop3A_53 = arith.constant 0 : i32
    %parallel_loop3A_54 = arith.constant 16 : i32
    %parallel_loop3A_55 = arith.constant 1 : i32
    scf.for %parallel_loop3A_87 = %parallel_loop3A_53 to %parallel_loop3A_54 step %parallel_loop3A_55  : i32 {
      %parallel_loop3A_88 = arith.constant 0 : i32
      %parallel_loop3A_89 = vector.broadcast %parallel_loop3A_88 : i32 to vector<16xi32>
      %parallel_loop3A_90 = arith.constant 16 : i32
      %parallel_loop3A_91 = arith.muli %parallel_loop3A_87, %parallel_loop3A_90 : i32
      %parallel_loop3A_92 = arith.constant 0 : i32
      %parallel_loop3A_93 = arith.addi %parallel_loop3A_92, %parallel_loop3A_91 : i32
      %parallel_loop3A_94 = arith.index_cast %parallel_loop3A_93 : i32 to index
      %parallel_loop3A_95 = tpu.vector_load %arg7[%parallel_loop3A_94] {strides = array<i32>} : memref<4096xi32, #tpu.memory_space<vmem>>, vector<16xi32>,
      %parallel_loop3A_96 = arith.addi %parallel_loop3A_89, %parallel_loop3A_95 : vector<16xi32>
      %parallel_loop3A_97 = arith.constant 16 : i32
      %parallel_loop3A_98 = arith.muli %parallel_loop3A_87, %parallel_loop3A_97 : i32
      %parallel_loop3A_99 = arith.constant 256 : i32
      %parallel_loop3A_100 = arith.addi %parallel_loop3A_99, %parallel_loop3A_98 : i32
      %parallel_loop3A_101 = arith.index_cast %parallel_loop3A_100 : i32 to index
      %parallel_loop3A_102 = tpu.vector_load %arg7[%parallel_loop3A_101] {strides = array<i32>} : memref<4096xi32, #tpu.memory_space<vmem>>, vector<16xi32>,
      %parallel_loop3A_103 = arith.addi %parallel_loop3A_96, %parallel_loop3A_102 : vector<16xi32>
      %parallel_loop3A_104 = arith.constant 16 : i32
      %parallel_loop3A_105 = arith.muli %parallel_loop3A_87, %parallel_loop3A_104 : i32
      %parallel_loop3A_106 = arith.constant 512 : i32
      %parallel_loop3A_107 = arith.addi %parallel_loop3A_106, %parallel_loop3A_105 : i32
      %parallel_loop3A_108 = arith.index_cast %parallel_loop3A_107 : i32 to index
      %parallel_loop3A_109 = tpu.vector_load %arg7[%parallel_loop3A_108] {strides = array<i32>} : memref<4096xi32, #tpu.memory_space<vmem>>, vector<16xi32>,
      %parallel_loop3A_110 = arith.addi %parallel_loop3A_103, %parallel_loop3A_109 : vector<16xi32>
      %parallel_loop3A_111 = arith.constant 16 : i32
      %parallel_loop3A_112 = arith.muli %parallel_loop3A_87, %parallel_loop3A_111 : i32
      %parallel_loop3A_113 = arith.constant 768 : i32
      %parallel_loop3A_114 = arith.addi %parallel_loop3A_113, %parallel_loop3A_112 : i32
      %parallel_loop3A_115 = arith.index_cast %parallel_loop3A_114 : i32 to index
      %parallel_loop3A_116 = tpu.vector_load %arg7[%parallel_loop3A_115] {strides = array<i32>} : memref<4096xi32, #tpu.memory_space<vmem>>, vector<16xi32>,
      %parallel_loop3A_117 = arith.addi %parallel_loop3A_110, %parallel_loop3A_116 : vector<16xi32>
      %parallel_loop3A_118 = arith.constant 16 : i32
      %parallel_loop3A_119 = arith.muli %parallel_loop3A_87, %parallel_loop3A_118 : i32
      %parallel_loop3A_120 = arith.constant 1024 : i32
      %parallel_loop3A_121 = arith.addi %parallel_loop3A_120, %parallel_loop3A_119 : i32
      %parallel_loop3A_122 = arith.index_cast %parallel_loop3A_121 : i32 to index
      %parallel_loop3A_123 = tpu.vector_load %arg7[%parallel_loop3A_122] {strides = array<i32>} : memref<4096xi32, #tpu.memory_space<vmem>>, vector<16xi32>,
      %parallel_loop3A_124 = arith.addi %parallel_loop3A_117, %parallel_loop3A_123 : vector<16xi32>
      %parallel_loop3A_125 = arith.constant 16 : i32
      %parallel_loop3A_126 = arith.muli %parallel_loop3A_87, %parallel_loop3A_125 : i32
      %parallel_loop3A_127 = arith.constant 1280 : i32
      %parallel_loop3A_128 = arith.addi %parallel_loop3A_127, %parallel_loop3A_126 : i32
      %parallel_loop3A_129 = arith.index_cast %parallel_loop3A_128 : i32 to index
      %parallel_loop3A_130 = tpu.vector_load %arg7[%parallel_loop3A_129] {strides = array<i32>} : memref<4096xi32, #tpu.memory_space<vmem>>, vector<16xi32>,
      %parallel_loop3A_131 = arith.addi %parallel_loop3A_124, %parallel_loop3A_130 : vector<16xi32>
      %parallel_loop3A_132 = arith.constant 16 : i32
      %parallel_loop3A_133 = arith.muli %parallel_loop3A_87, %parallel_loop3A_132 : i32
      %parallel_loop3A_134 = arith.constant 1536 : i32
      %parallel_loop3A_135 = arith.addi %parallel_loop3A_134, %parallel_loop3A_133 : i32
      %parallel_loop3A_136 = arith.index_cast %parallel_loop3A_135 : i32 to index
      %parallel_loop3A_137 = tpu.vector_load %arg7[%parallel_loop3A_136] {strides = array<i32>} : memref<4096xi32, #tpu.memory_space<vmem>>, vector<16xi32>,
      %parallel_loop3A_138 = arith.addi %parallel_loop3A_131, %parallel_loop3A_137 : vector<16xi32>
      %parallel_loop3A_139 = arith.constant 16 : i32
      %parallel_loop3A_140 = arith.muli %parallel_loop3A_87, %parallel_loop3A_139 : i32
      %parallel_loop3A_141 = arith.constant 1792 : i32
      %parallel_loop3A_142 = arith.addi %parallel_loop3A_141, %parallel_loop3A_140 : i32
      %parallel_loop3A_143 = arith.index_cast %parallel_loop3A_142 : i32 to index
      %parallel_loop3A_144 = tpu.vector_load %arg7[%parallel_loop3A_143] {strides = array<i32>} : memref<4096xi32, #tpu.memory_space<vmem>>, vector<16xi32>,
      %parallel_loop3A_145 = arith.addi %parallel_loop3A_138, %parallel_loop3A_144 : vector<16xi32>
      %parallel_loop3A_146 = arith.constant 16 : i32
      %parallel_loop3A_147 = arith.muli %parallel_loop3A_87, %parallel_loop3A_146 : i32
      %parallel_loop3A_148 = arith.constant 2048 : i32
      %parallel_loop3A_149 = arith.addi %parallel_loop3A_148, %parallel_loop3A_147 : i32
      %parallel_loop3A_150 = arith.index_cast %parallel_loop3A_149 : i32 to index
      %parallel_loop3A_151 = tpu.vector_load %arg7[%parallel_loop3A_150] {strides = array<i32>} : memref<4096xi32, #tpu.memory_space<vmem>>, vector<16xi32>,
      %parallel_loop3A_152 = arith.addi %parallel_loop3A_145, %parallel_loop3A_151 : vector<16xi32>
      %parallel_loop3A_153 = arith.constant 16 : i32
      %parallel_loop3A_154 = arith.muli %parallel_loop3A_87, %parallel_loop3A_153 : i32
      %parallel_loop3A_155 = arith.constant 2304 : i32
      %parallel_loop3A_156 = arith.addi %parallel_loop3A_155, %parallel_loop3A_154 : i32
      %parallel_loop3A_157 = arith.index_cast %parallel_loop3A_156 : i32 to index
      %parallel_loop3A_158 = tpu.vector_load %arg7[%parallel_loop3A_157] {strides = array<i32>} : memref<4096xi32, #tpu.memory_space<vmem>>, vector<16xi32>,
      %parallel_loop3A_159 = arith.addi %parallel_loop3A_152, %parallel_loop3A_158 : vector<16xi32>
      %parallel_loop3A_160 = arith.constant 16 : i32
      %parallel_loop3A_161 = arith.muli %parallel_loop3A_87, %parallel_loop3A_160 : i32
      %parallel_loop3A_162 = arith.constant 2560 : i32
      %parallel_loop3A_163 = arith.addi %parallel_loop3A_162, %parallel_loop3A_161 : i32
      %parallel_loop3A_164 = arith.index_cast %parallel_loop3A_163 : i32 to index
      %parallel_loop3A_165 = tpu.vector_load %arg7[%parallel_loop3A_164] {strides = array<i32>} : memref<4096xi32, #tpu.memory_space<vmem>>, vector<16xi32>,
      %parallel_loop3A_166 = arith.addi %parallel_loop3A_159, %parallel_loop3A_165 : vector<16xi32>
      %parallel_loop3A_167 = arith.constant 16 : i32
      %parallel_loop3A_168 = arith.muli %parallel_loop3A_87, %parallel_loop3A_167 : i32
      %parallel_loop3A_169 = arith.constant 2816 : i32
      %parallel_loop3A_170 = arith.addi %parallel_loop3A_169, %parallel_loop3A_168 : i32
      %parallel_loop3A_171 = arith.index_cast %parallel_loop3A_170 : i32 to index
      %parallel_loop3A_172 = tpu.vector_load %arg7[%parallel_loop3A_171] {strides = array<i32>} : memref<4096xi32, #tpu.memory_space<vmem>>, vector<16xi32>,
      %parallel_loop3A_173 = arith.addi %parallel_loop3A_166, %parallel_loop3A_172 : vector<16xi32>
      %parallel_loop3A_174 = arith.constant 16 : i32
      %parallel_loop3A_175 = arith.muli %parallel_loop3A_87, %parallel_loop3A_174 : i32
      %parallel_loop3A_176 = arith.constant 3072 : i32
      %parallel_loop3A_177 = arith.addi %parallel_loop3A_176, %parallel_loop3A_175 : i32
      %parallel_loop3A_178 = arith.index_cast %parallel_loop3A_177 : i32 to index
      %parallel_loop3A_179 = tpu.vector_load %arg7[%parallel_loop3A_178] {strides = array<i32>} : memref<4096xi32, #tpu.memory_space<vmem>>, vector<16xi32>,
      %parallel_loop3A_180 = arith.addi %parallel_loop3A_173, %parallel_loop3A_179 : vector<16xi32>
      %parallel_loop3A_181 = arith.constant 16 : i32
      %parallel_loop3A_182 = arith.muli %parallel_loop3A_87, %parallel_loop3A_181 : i32
      %parallel_loop3A_183 = arith.constant 3328 : i32
      %parallel_loop3A_184 = arith.addi %parallel_loop3A_183, %parallel_loop3A_182 : i32
      %parallel_loop3A_185 = arith.index_cast %parallel_loop3A_184 : i32 to index
      %parallel_loop3A_186 = tpu.vector_load %arg7[%parallel_loop3A_185] {strides = array<i32>} : memref<4096xi32, #tpu.memory_space<vmem>>, vector<16xi32>,
      %parallel_loop3A_187 = arith.addi %parallel_loop3A_180, %parallel_loop3A_186 : vector<16xi32>
      %parallel_loop3A_188 = arith.constant 16 : i32
      %parallel_loop3A_189 = arith.muli %parallel_loop3A_87, %parallel_loop3A_188 : i32
      %parallel_loop3A_190 = arith.constant 3584 : i32
      %parallel_loop3A_191 = arith.addi %parallel_loop3A_190, %parallel_loop3A_189 : i32
      %parallel_loop3A_192 = arith.index_cast %parallel_loop3A_191 : i32 to index
      %parallel_loop3A_193 = tpu.vector_load %arg7[%parallel_loop3A_192] {strides = array<i32>} : memref<4096xi32, #tpu.memory_space<vmem>>, vector<16xi32>,
      %parallel_loop3A_194 = arith.addi %parallel_loop3A_187, %parallel_loop3A_193 : vector<16xi32>
      %parallel_loop3A_195 = arith.constant 16 : i32
      %parallel_loop3A_196 = arith.muli %parallel_loop3A_87, %parallel_loop3A_195 : i32
      %parallel_loop3A_197 = arith.constant 3840 : i32
      %parallel_loop3A_198 = arith.addi %parallel_loop3A_197, %parallel_loop3A_196 : i32
      %parallel_loop3A_199 = arith.index_cast %parallel_loop3A_198 : i32 to index
      %parallel_loop3A_200 = tpu.vector_load %arg7[%parallel_loop3A_199] {strides = array<i32>} : memref<4096xi32, #tpu.memory_space<vmem>>, vector<16xi32>,
      %parallel_loop3A_201 = arith.addi %parallel_loop3A_194, %parallel_loop3A_200 : vector<16xi32>
      %parallel_loop3A_202 = arith.constant 16 : i32
      %parallel_loop3A_203 = arith.muli %parallel_loop3A_87, %parallel_loop3A_202 : i32
      %parallel_loop3A_204 = arith.index_cast %parallel_loop3A_203 : i32 to index
      %parallel_loop3A_205 = tpu.vector_load %arg8[%parallel_loop3A_204] {strides = array<i32>} : memref<256xi32, #tpu.memory_space<vmem>>, vector<16xi32>,
      tpu.vector_store %arg8[%parallel_loop3A_204], %parallel_loop3A_201 {strides = array<i32>} : memref<256xi32, #tpu.memory_space<vmem>>, vector<16xi32>,
    } {sc.loop_unroll_factor = 4 : i64, sc.parallel_access}
    %while3A_56 = arith.constant 15 : i32
    %while3A_57 = arith.constant false
    %while3A_58 = arith.constant 0 : i32
    %while3A_59 = arith.constant 0 : i32
    %while3A_60 = arith.constant 0 : i32
    %while3A_61:6 = scf.while (%while3A_87 = %while3A_56, %while3A_88 = %while3A_57, %while3A_89 = %while3A_58, %while3A_90 = %while3A_59, %while3A_91 = %while3A_43#4, %while3A_92 = %while3A_60) : (i32, i1, i32, i32, i32, i32) -> (i32, i1, i32, i32, i32, i32) {
      %ge3A = arith.constant 0 : i32
      %ge3A_93 = arith.cmpi sge, %while3A_87, %ge3A : i32
      %not3A = arith.constant true
      %not3A_94 = arith.xori %while3A_88, %not3A : i1
      %and3A = arith.andi %ge3A_93, %not3A_94 : i1
      scf.condition(%and3A) %while3A_87, %while3A_88, %while3A_89, %while3A_90, %while3A_91, %while3A_92 : i32, i1, i32, i32, i32, i32
    } do {
    ^bb0(%while3A_87: i32, %while3A_88: i1, %while3A_89: i32, %while3A_90: i32, %while3A_91: i32, %while3A_92: i32):
      %mul3A_93 = arith.constant 16 : i32
      %mul3A_94 = arith.muli %while3A_87, %mul3A_93 : i32
      %get3A = arith.index_cast %mul3A_94 : i32 to index
      %get3A_95 = tpu.vector_load %arg8[%get3A] {strides = array<i32>} : memref<256xi32, #tpu.memory_space<vmem>>, vector<16xi32>,
      %rev3A = arith.constant 15 : i32
      %rev3A_96 = vector.broadcast %rev3A : i32 to vector<16xi32>
      %rev3A_97 = tpu.iota {dimensions = array<i32: 0>} : vector<16xi32>
      %rev3A_98 = arith.subi %rev3A_96, %rev3A_97 : vector<16xi32>
      %rev3A_99 = tpu.dynamic_gather %get3A_95[%rev3A_98] in [0] : vector<16xi32>, vector<16xi32> -> vector<16xi32>
      %broadcast_in_dim3A_100 = arith.constant true
      %broadcast_in_dim3A_101 = vector.broadcast %broadcast_in_dim3A_100 : i1 to vector<16xi1>
      %masked_cumsum3A = tpu.scan <sum>, %rev3A_99 masked %broadcast_in_dim3A_101 : vector<16xi32>, vector<16xi1> -> vector<16xi32>
      %add3A_102 = vector.broadcast %while3A_89 : i32 to vector<16xi32>
      %add3A_103 = arith.addi %masked_cumsum3A, %add3A_102 : vector<16xi32>
      %ge3A = vector.broadcast %while3A_43#4 : i32 to vector<16xi32>
      %ge3A_104 = arith.cmpi sge, %add3A_103, %ge3A : vector<16xi32>
      %convert_element_type3A = arith.extui %ge3A_104 : vector<16xi1> to vector<16xi32>
      %broadcast_in_dim3A_105 = arith.constant true
      %broadcast_in_dim3A_106 = vector.broadcast %broadcast_in_dim3A_105 : i1 to vector<16xi1>
      %masked_cumsum3A_107 = tpu.scan <sum>, %convert_element_type3A masked %broadcast_in_dim3A_106 : vector<16xi32>, vector<16xi1> -> vector<16xi32>
      %eq3A = arith.constant 1 : i32
      %eq3A_108 = vector.broadcast %eq3A : i32 to vector<16xi32>
      %eq3A_109 = arith.cmpi eq, %masked_cumsum3A_107, %eq3A_108 : vector<16xi32>
      %and3A = arith.andi %ge3A_104, %eq3A_109 : vector<16xi1>
      %jit3A = arith.constant 0 : i32
      %broadcast_in_dim3A_110 = vector.broadcast %jit3A : i32 to vector<16xi32>
      %select_n3A = arith.select %and3A, %add3A_103, %broadcast_in_dim3A_110 : vector<16xi1>, vector<16xi32>
      %reduce_sum3A = arith.constant true
      %reduce_sum3A_111 = vector.broadcast %reduce_sum3A : i1 to vector<16xi1>
      %reduce_sum3A_112 = tpu.scan <sum>, %select_n3A masked %reduce_sum3A_111 : vector<16xi32>, vector<16xi1> -> vector<16xi32>
      %reduce_sum3A_113 = vector.extract %reduce_sum3A_112[15] : i32 from vector<16xi32>
      %jit3A_114 = arith.constant 0 : i32
      %broadcast_in_dim3A_115 = vector.broadcast %jit3A_114 : i32 to vector<16xi32>
      %select_n3A_116 = arith.select %and3A, %rev3A_99, %broadcast_in_dim3A_115 : vector<16xi1>, vector<16xi32>
      %reduce_sum3A_117 = arith.constant true
      %reduce_sum3A_118 = vector.broadcast %reduce_sum3A_117 : i1 to vector<16xi1>
      %reduce_sum3A_119 = tpu.scan <sum>, %select_n3A_116 masked %reduce_sum3A_118 : vector<16xi32>, vector<16xi1> -> vector<16xi32>
      %reduce_sum3A_120 = vector.extract %reduce_sum3A_119[15] : i32 from vector<16xi32>
      %jit3A_121 = arith.constant 0 : i32
      %broadcast_in_dim3A_122 = vector.broadcast %jit3A_121 : i32 to vector<16xi32>
      %select_n3A_123 = arith.select %and3A, %iota3A_52, %broadcast_in_dim3A_122 : vector<16xi1>, vector<16xi32>
      %reduce_sum3A_124 = arith.constant true
      %reduce_sum3A_125 = vector.broadcast %reduce_sum3A_124 : i1 to vector<16xi1>
      %reduce_sum3A_126 = tpu.scan <sum>, %select_n3A_123 masked %reduce_sum3A_125 : vector<16xi32>, vector<16xi1> -> vector<16xi32>
      %reduce_sum3A_127 = vector.extract %reduce_sum3A_126[15] : i32 from vector<16xi32>
      %convert_element_type3A_128 = arith.extui %ge3A_104 : vector<16xi1> to vector<16xi32>
      %reduce_sum3A_129 = arith.constant true
      %reduce_sum3A_130 = vector.broadcast %reduce_sum3A_129 : i1 to vector<16xi1>
      %reduce_sum3A_131 = tpu.scan <sum>, %convert_element_type3A_128 masked %reduce_sum3A_130 : vector<16xi32>, vector<16xi1> -> vector<16xi32>
      %reduce_sum3A_132 = vector.extract %reduce_sum3A_131[15] : i32 from vector<16xi32>
      %gt3A = arith.constant 0 : i32
      %gt3A_133 = arith.cmpi sgt, %reduce_sum3A_132, %gt3A : i32
      %reduce_sum3A_134 = arith.constant true
      %reduce_sum3A_135 = vector.broadcast %reduce_sum3A_134 : i1 to vector<16xi1>
      %reduce_sum3A_136 = tpu.scan <sum>, %get3A_95 masked %reduce_sum3A_135 : vector<16xi32>, vector<16xi1> -> vector<16xi32>
      %reduce_sum3A_137 = vector.extract %reduce_sum3A_136[15] : i32 from vector<16xi32>
      %mul3A_138 = arith.constant 16 : i32
      %mul3A_139 = arith.muli %while3A_87, %mul3A_138 : i32
      %add3A_140 = arith.constant 15 : i32
      %add3A_141 = arith.addi %mul3A_139, %add3A_140 : i32
      %sub3A = arith.subi %add3A_141, %reduce_sum3A_127 : i32
      %jit3A_142 = arith.constant 0 : i32
      %select_n3A_143 = arith.select %gt3A_133, %sub3A, %jit3A_142 : i32
      %sub3A_144 = arith.subi %reduce_sum3A_113, %reduce_sum3A_120 : i32
      %sub3A_145 = arith.subi %while3A_43#4, %sub3A_144 : i32
      %select_n3A_146 = arith.select %gt3A_133, %sub3A_145, %while3A_43#4 : i32
      %sub3A_147 = arith.constant 1 : i32
      %sub3A_148 = arith.subi %while3A_87, %sub3A_147 : i32
      %add3A_149 = arith.addi %while3A_89, %reduce_sum3A_137 : i32
      scf.yield %sub3A_148, %gt3A_133, %add3A_149, %select_n3A_143, %select_n3A_146, %reduce_sum3A_120 : i32, i1, i32, i32, i32, i32
    }
    %shift_left3A = arith.constant 8 : i32
    %shift_left3A_62 = arith.shli %while3A_43#3, %shift_left3A : i32
    %or3A = arith.ori %shift_left3A_62, %while3A_61#3 : i32
    %parallel_loop3A_63 = arith.constant 0 : i32
    %parallel_loop3A_64 = arith.constant 256 : i32
    %parallel_loop3A_65 = arith.constant 1 : i32
    scf.for %parallel_loop3A_87 = %parallel_loop3A_63 to %parallel_loop3A_64 step %parallel_loop3A_65  : i32 {
      %parallel_loop3A_88 = arith.constant 16 : i32
      %parallel_loop3A_89 = arith.muli %parallel_loop3A_87, %parallel_loop3A_88 : i32
      %parallel_loop3A_90 = arith.index_cast %parallel_loop3A_89 : i32 to index
      %parallel_loop3A_91 = tpu.vector_load %arg7[%parallel_loop3A_90] {strides = array<i32>} : memref<4096xi32, #tpu.memory_space<vmem>>, vector<16xi32>,
      tpu.vector_store %arg7[%parallel_loop3A_90], %broadcast_in_dim3A_6 {strides = array<i32>} : memref<4096xi32, #tpu.memory_space<vmem>>, vector<16xi32>,
    } {sc.loop_unroll_factor = 8 : i64, sc.parallel_access}
    %parallel_loop3A_66 = arith.constant 0 : i32
    %parallel_loop3A_67 = arith.constant 1 : i32
    scf.for %parallel_loop3A_87 = %parallel_loop3A_66 to %shift_right_arithmetic3A_46 step %parallel_loop3A_67  : i32 {
      %parallel_loop3A_88 = arith.constant 16 : i32
      %parallel_loop3A_89 = arith.muli %parallel_loop3A_87, %parallel_loop3A_88 : i32
      %parallel_loop3A_90 = arith.index_cast %parallel_loop3A_89 : i32 to index
      %parallel_loop3A_91 = tpu.vector_load %arg6[%parallel_loop3A_90] {strides = array<i32>} : memref<32768xi32, #tpu.memory_space<vmem>>, vector<16xi32>,
      %parallel_loop3A_92 = tpu.bitcast %parallel_loop3A_91 : vector<16xi32> -> vector<16xi32>
      %parallel_loop3A_93 = arith.constant 16 : i32
      %parallel_loop3A_94 = arith.muli %parallel_loop3A_87, %parallel_loop3A_93 : i32
      %parallel_loop3A_95 = vector.broadcast %parallel_loop3A_94 : i32 to vector<16xi32>
      %parallel_loop3A_96 = arith.addi %parallel_loop3A_95, %iota3A : vector<16xi32>
      %parallel_loop3A_97 = vector.broadcast %while3A_24#5 : i32 to vector<16xi32>
      %parallel_loop3A_98 = arith.cmpi slt, %parallel_loop3A_96, %parallel_loop3A_97 : vector<16xi32>
      %parallel_loop3A_99 = arith.constant 8 : i32
      %parallel_loop3A_100 = vector.broadcast %parallel_loop3A_99 : i32 to vector<16xi32>
      %parallel_loop3A_101 = arith.shrui %parallel_loop3A_92, %parallel_loop3A_100 : vector<16xi32>
      %parallel_loop3A_102 = arith.constant 65535 : i32
      %parallel_loop3A_103 = vector.broadcast %parallel_loop3A_102 : i32 to vector<16xi32>
      %parallel_loop3A_104 = arith.andi %parallel_loop3A_101, %parallel_loop3A_103 : vector<16xi32>
      %parallel_loop3A_105 = vector.broadcast %or3A : i32 to vector<16xi32>
      %parallel_loop3A_106 = arith.cmpi eq, %parallel_loop3A_104, %parallel_loop3A_105 : vector<16xi32>
      %parallel_loop3A_107 = arith.andi %parallel_loop3A_98, %parallel_loop3A_106 : vector<16xi1>
      %parallel_loop3A_108 = arith.constant 255 : i32
      %parallel_loop3A_109 = vector.broadcast %parallel_loop3A_108 : i32 to vector<16xi32>
      %parallel_loop3A_110 = arith.andi %parallel_loop3A_92, %parallel_loop3A_109 : vector<16xi32>
      %parallel_loop3A_111 = arith.addi %mul3A_3, %parallel_loop3A_110 : vector<16xi32>
      tpu.vector_store_idx %arg7[%parallel_loop3A_111], %broadcast_in_dim3A_4 masked %parallel_loop3A_107 {add = true} : memref<4096xi32, #tpu.memory_space<vmem>>[vector<16xi32>], vector<16xi32>, vector<16xi1>
    } {sc.loop_unroll_factor = 4 : i64, sc.parallel_access}
    %iota3A_68 = tpu.iota {dimensions = array<i32: 0>} : vector<16xi32>
    %parallel_loop3A_69 = arith.constant 0 : i32
    %parallel_loop3A_70 = arith.constant 16 : i32
    %parallel_loop3A_71 = arith.constant 1 : i32
    scf.for %parallel_loop3A_87 = %parallel_loop3A_69 to %parallel_loop3A_70 step %parallel_loop3A_71  : i32 {
      %parallel_loop3A_88 = arith.constant 0 : i32
      %parallel_loop3A_89 = vector.broadcast %parallel_loop3A_88 : i32 to vector<16xi32>
      %parallel_loop3A_90 = arith.constant 16 : i32
      %parallel_loop3A_91 = arith.muli %parallel_loop3A_87, %parallel_loop3A_90 : i32
      %parallel_loop3A_92 = arith.constant 0 : i32
      %parallel_loop3A_93 = arith.addi %parallel_loop3A_92, %parallel_loop3A_91 : i32
      %parallel_loop3A_94 = arith.index_cast %parallel_loop3A_93 : i32 to index
      %parallel_loop3A_95 = tpu.vector_load %arg7[%parallel_loop3A_94] {strides = array<i32>} : memref<4096xi32, #tpu.memory_space<vmem>>, vector<16xi32>,
      %parallel_loop3A_96 = arith.addi %parallel_loop3A_89, %parallel_loop3A_95 : vector<16xi32>
      %parallel_loop3A_97 = arith.constant 16 : i32
      %parallel_loop3A_98 = arith.muli %parallel_loop3A_87, %parallel_loop3A_97 : i32
      %parallel_loop3A_99 = arith.constant 256 : i32
      %parallel_loop3A_100 = arith.addi %parallel_loop3A_99, %parallel_loop3A_98 : i32
      %parallel_loop3A_101 = arith.index_cast %parallel_loop3A_100 : i32 to index
      %parallel_loop3A_102 = tpu.vector_load %arg7[%parallel_loop3A_101] {strides = array<i32>} : memref<4096xi32, #tpu.memory_space<vmem>>, vector<16xi32>,
      %parallel_loop3A_103 = arith.addi %parallel_loop3A_96, %parallel_loop3A_102 : vector<16xi32>
      %parallel_loop3A_104 = arith.constant 16 : i32
      %parallel_loop3A_105 = arith.muli %parallel_loop3A_87, %parallel_loop3A_104 : i32
      %parallel_loop3A_106 = arith.constant 512 : i32
      %parallel_loop3A_107 = arith.addi %parallel_loop3A_106, %parallel_loop3A_105 : i32
      %parallel_loop3A_108 = arith.index_cast %parallel_loop3A_107 : i32 to index
      %parallel_loop3A_109 = tpu.vector_load %arg7[%parallel_loop3A_108] {strides = array<i32>} : memref<4096xi32, #tpu.memory_space<vmem>>, vector<16xi32>,
      %parallel_loop3A_110 = arith.addi %parallel_loop3A_103, %parallel_loop3A_109 : vector<16xi32>
      %parallel_loop3A_111 = arith.constant 16 : i32
      %parallel_loop3A_112 = arith.muli %parallel_loop3A_87, %parallel_loop3A_111 : i32
      %parallel_loop3A_113 = arith.constant 768 : i32
      %parallel_loop3A_114 = arith.addi %parallel_loop3A_113, %parallel_loop3A_112 : i32
      %parallel_loop3A_115 = arith.index_cast %parallel_loop3A_114 : i32 to index
      %parallel_loop3A_116 = tpu.vector_load %arg7[%parallel_loop3A_115] {strides = array<i32>} : memref<4096xi32, #tpu.memory_space<vmem>>, vector<16xi32>,
      %parallel_loop3A_117 = arith.addi %parallel_loop3A_110, %parallel_loop3A_116 : vector<16xi32>
      %parallel_loop3A_118 = arith.constant 16 : i32
      %parallel_loop3A_119 = arith.muli %parallel_loop3A_87, %parallel_loop3A_118 : i32
      %parallel_loop3A_120 = arith.constant 1024 : i32
      %parallel_loop3A_121 = arith.addi %parallel_loop3A_120, %parallel_loop3A_119 : i32
      %parallel_loop3A_122 = arith.index_cast %parallel_loop3A_121 : i32 to index
      %parallel_loop3A_123 = tpu.vector_load %arg7[%parallel_loop3A_122] {strides = array<i32>} : memref<4096xi32, #tpu.memory_space<vmem>>, vector<16xi32>,
      %parallel_loop3A_124 = arith.addi %parallel_loop3A_117, %parallel_loop3A_123 : vector<16xi32>
      %parallel_loop3A_125 = arith.constant 16 : i32
      %parallel_loop3A_126 = arith.muli %parallel_loop3A_87, %parallel_loop3A_125 : i32
      %parallel_loop3A_127 = arith.constant 1280 : i32
      %parallel_loop3A_128 = arith.addi %parallel_loop3A_127, %parallel_loop3A_126 : i32
      %parallel_loop3A_129 = arith.index_cast %parallel_loop3A_128 : i32 to index
      %parallel_loop3A_130 = tpu.vector_load %arg7[%parallel_loop3A_129] {strides = array<i32>} : memref<4096xi32, #tpu.memory_space<vmem>>, vector<16xi32>,
      %parallel_loop3A_131 = arith.addi %parallel_loop3A_124, %parallel_loop3A_130 : vector<16xi32>
      %parallel_loop3A_132 = arith.constant 16 : i32
      %parallel_loop3A_133 = arith.muli %parallel_loop3A_87, %parallel_loop3A_132 : i32
      %parallel_loop3A_134 = arith.constant 1536 : i32
      %parallel_loop3A_135 = arith.addi %parallel_loop3A_134, %parallel_loop3A_133 : i32
      %parallel_loop3A_136 = arith.index_cast %parallel_loop3A_135 : i32 to index
      %parallel_loop3A_137 = tpu.vector_load %arg7[%parallel_loop3A_136] {strides = array<i32>} : memref<4096xi32, #tpu.memory_space<vmem>>, vector<16xi32>,
      %parallel_loop3A_138 = arith.addi %parallel_loop3A_131, %parallel_loop3A_137 : vector<16xi32>
      %parallel_loop3A_139 = arith.constant 16 : i32
      %parallel_loop3A_140 = arith.muli %parallel_loop3A_87, %parallel_loop3A_139 : i32
      %parallel_loop3A_141 = arith.constant 1792 : i32
      %parallel_loop3A_142 = arith.addi %parallel_loop3A_141, %parallel_loop3A_140 : i32
      %parallel_loop3A_143 = arith.index_cast %parallel_loop3A_142 : i32 to index
      %parallel_loop3A_144 = tpu.vector_load %arg7[%parallel_loop3A_143] {strides = array<i32>} : memref<4096xi32, #tpu.memory_space<vmem>>, vector<16xi32>,
      %parallel_loop3A_145 = arith.addi %parallel_loop3A_138, %parallel_loop3A_144 : vector<16xi32>
      %parallel_loop3A_146 = arith.constant 16 : i32
      %parallel_loop3A_147 = arith.muli %parallel_loop3A_87, %parallel_loop3A_146 : i32
      %parallel_loop3A_148 = arith.constant 2048 : i32
      %parallel_loop3A_149 = arith.addi %parallel_loop3A_148, %parallel_loop3A_147 : i32
      %parallel_loop3A_150 = arith.index_cast %parallel_loop3A_149 : i32 to index
      %parallel_loop3A_151 = tpu.vector_load %arg7[%parallel_loop3A_150] {strides = array<i32>} : memref<4096xi32, #tpu.memory_space<vmem>>, vector<16xi32>,
      %parallel_loop3A_152 = arith.addi %parallel_loop3A_145, %parallel_loop3A_151 : vector<16xi32>
      %parallel_loop3A_153 = arith.constant 16 : i32
      %parallel_loop3A_154 = arith.muli %parallel_loop3A_87, %parallel_loop3A_153 : i32
      %parallel_loop3A_155 = arith.constant 2304 : i32
      %parallel_loop3A_156 = arith.addi %parallel_loop3A_155, %parallel_loop3A_154 : i32
      %parallel_loop3A_157 = arith.index_cast %parallel_loop3A_156 : i32 to index
      %parallel_loop3A_158 = tpu.vector_load %arg7[%parallel_loop3A_157] {strides = array<i32>} : memref<4096xi32, #tpu.memory_space<vmem>>, vector<16xi32>,
      %parallel_loop3A_159 = arith.addi %parallel_loop3A_152, %parallel_loop3A_158 : vector<16xi32>
      %parallel_loop3A_160 = arith.constant 16 : i32
      %parallel_loop3A_161 = arith.muli %parallel_loop3A_87, %parallel_loop3A_160 : i32
      %parallel_loop3A_162 = arith.constant 2560 : i32
      %parallel_loop3A_163 = arith.addi %parallel_loop3A_162, %parallel_loop3A_161 : i32
      %parallel_loop3A_164 = arith.index_cast %parallel_loop3A_163 : i32 to index
      %parallel_loop3A_165 = tpu.vector_load %arg7[%parallel_loop3A_164] {strides = array<i32>} : memref<4096xi32, #tpu.memory_space<vmem>>, vector<16xi32>,
      %parallel_loop3A_166 = arith.addi %parallel_loop3A_159, %parallel_loop3A_165 : vector<16xi32>
      %parallel_loop3A_167 = arith.constant 16 : i32
      %parallel_loop3A_168 = arith.muli %parallel_loop3A_87, %parallel_loop3A_167 : i32
      %parallel_loop3A_169 = arith.constant 2816 : i32
      %parallel_loop3A_170 = arith.addi %parallel_loop3A_169, %parallel_loop3A_168 : i32
      %parallel_loop3A_171 = arith.index_cast %parallel_loop3A_170 : i32 to index
      %parallel_loop3A_172 = tpu.vector_load %arg7[%parallel_loop3A_171] {strides = array<i32>} : memref<4096xi32, #tpu.memory_space<vmem>>, vector<16xi32>,
      %parallel_loop3A_173 = arith.addi %parallel_loop3A_166, %parallel_loop3A_172 : vector<16xi32>
      %parallel_loop3A_174 = arith.constant 16 : i32
      %parallel_loop3A_175 = arith.muli %parallel_loop3A_87, %parallel_loop3A_174 : i32
      %parallel_loop3A_176 = arith.constant 3072 : i32
      %parallel_loop3A_177 = arith.addi %parallel_loop3A_176, %parallel_loop3A_175 : i32
      %parallel_loop3A_178 = arith.index_cast %parallel_loop3A_177 : i32 to index
      %parallel_loop3A_179 = tpu.vector_load %arg7[%parallel_loop3A_178] {strides = array<i32>} : memref<4096xi32, #tpu.memory_space<vmem>>, vector<16xi32>,
      %parallel_loop3A_180 = arith.addi %parallel_loop3A_173, %parallel_loop3A_179 : vector<16xi32>
      %parallel_loop3A_181 = arith.constant 16 : i32
      %parallel_loop3A_182 = arith.muli %parallel_loop3A_87, %parallel_loop3A_181 : i32
      %parallel_loop3A_183 = arith.constant 3328 : i32
      %parallel_loop3A_184 = arith.addi %parallel_loop3A_183, %parallel_loop3A_182 : i32
      %parallel_loop3A_185 = arith.index_cast %parallel_loop3A_184 : i32 to index
      %parallel_loop3A_186 = tpu.vector_load %arg7[%parallel_loop3A_185] {strides = array<i32>} : memref<4096xi32, #tpu.memory_space<vmem>>, vector<16xi32>,
      %parallel_loop3A_187 = arith.addi %parallel_loop3A_180, %parallel_loop3A_186 : vector<16xi32>
      %parallel_loop3A_188 = arith.constant 16 : i32
      %parallel_loop3A_189 = arith.muli %parallel_loop3A_87, %parallel_loop3A_188 : i32
      %parallel_loop3A_190 = arith.constant 3584 : i32
      %parallel_loop3A_191 = arith.addi %parallel_loop3A_190, %parallel_loop3A_189 : i32
      %parallel_loop3A_192 = arith.index_cast %parallel_loop3A_191 : i32 to index
      %parallel_loop3A_193 = tpu.vector_load %arg7[%parallel_loop3A_192] {strides = array<i32>} : memref<4096xi32, #tpu.memory_space<vmem>>, vector<16xi32>,
      %parallel_loop3A_194 = arith.addi %parallel_loop3A_187, %parallel_loop3A_193 : vector<16xi32>
      %parallel_loop3A_195 = arith.constant 16 : i32
      %parallel_loop3A_196 = arith.muli %parallel_loop3A_87, %parallel_loop3A_195 : i32
      %parallel_loop3A_197 = arith.constant 3840 : i32
      %parallel_loop3A_198 = arith.addi %parallel_loop3A_197, %parallel_loop3A_196 : i32
      %parallel_loop3A_199 = arith.index_cast %parallel_loop3A_198 : i32 to index
      %parallel_loop3A_200 = tpu.vector_load %arg7[%parallel_loop3A_199] {strides = array<i32>} : memref<4096xi32, #tpu.memory_space<vmem>>, vector<16xi32>,
      %parallel_loop3A_201 = arith.addi %parallel_loop3A_194, %parallel_loop3A_200 : vector<16xi32>
      %parallel_loop3A_202 = arith.constant 16 : i32
      %parallel_loop3A_203 = arith.muli %parallel_loop3A_87, %parallel_loop3A_202 : i32
      %parallel_loop3A_204 = arith.index_cast %parallel_loop3A_203 : i32 to index
      %parallel_loop3A_205 = tpu.vector_load %arg8[%parallel_loop3A_204] {strides = array<i32>} : memref<256xi32, #tpu.memory_space<vmem>>, vector<16xi32>,
      tpu.vector_store %arg8[%parallel_loop3A_204], %parallel_loop3A_201 {strides = array<i32>} : memref<256xi32, #tpu.memory_space<vmem>>, vector<16xi32>,
    } {sc.loop_unroll_factor = 4 : i64, sc.parallel_access}
    %while3A_72 = arith.constant 15 : i32
    %while3A_73 = arith.constant false
    %while3A_74 = arith.constant 0 : i32
    %while3A_75 = arith.constant 0 : i32
    %while3A_76 = arith.constant 0 : i32
    %while3A_77:6 = scf.while (%while3A_87 = %while3A_72, %while3A_88 = %while3A_73, %while3A_89 = %while3A_74, %while3A_90 = %while3A_75, %while3A_91 = %while3A_61#4, %while3A_92 = %while3A_76) : (i32, i1, i32, i32, i32, i32) -> (i32, i1, i32, i32, i32, i32) {
      %ge3A = arith.constant 0 : i32
      %ge3A_93 = arith.cmpi sge, %while3A_87, %ge3A : i32
      %not3A = arith.constant true
      %not3A_94 = arith.xori %while3A_88, %not3A : i1
      %and3A = arith.andi %ge3A_93, %not3A_94 : i1
      scf.condition(%and3A) %while3A_87, %while3A_88, %while3A_89, %while3A_90, %while3A_91, %while3A_92 : i32, i1, i32, i32, i32, i32
    } do {
    ^bb0(%while3A_87: i32, %while3A_88: i1, %while3A_89: i32, %while3A_90: i32, %while3A_91: i32, %while3A_92: i32):
      %mul3A_93 = arith.constant 16 : i32
      %mul3A_94 = arith.muli %while3A_87, %mul3A_93 : i32
      %get3A = arith.index_cast %mul3A_94 : i32 to index
      %get3A_95 = tpu.vector_load %arg8[%get3A] {strides = array<i32>} : memref<256xi32, #tpu.memory_space<vmem>>, vector<16xi32>,
      %rev3A = arith.constant 15 : i32
      %rev3A_96 = vector.broadcast %rev3A : i32 to vector<16xi32>
      %rev3A_97 = tpu.iota {dimensions = array<i32: 0>} : vector<16xi32>
      %rev3A_98 = arith.subi %rev3A_96, %rev3A_97 : vector<16xi32>
      %rev3A_99 = tpu.dynamic_gather %get3A_95[%rev3A_98] in [0] : vector<16xi32>, vector<16xi32> -> vector<16xi32>
      %broadcast_in_dim3A_100 = arith.constant true
      %broadcast_in_dim3A_101 = vector.broadcast %broadcast_in_dim3A_100 : i1 to vector<16xi1>
      %masked_cumsum3A = tpu.scan <sum>, %rev3A_99 masked %broadcast_in_dim3A_101 : vector<16xi32>, vector<16xi1> -> vector<16xi32>
      %add3A_102 = vector.broadcast %while3A_89 : i32 to vector<16xi32>
      %add3A_103 = arith.addi %masked_cumsum3A, %add3A_102 : vector<16xi32>
      %ge3A = vector.broadcast %while3A_61#4 : i32 to vector<16xi32>
      %ge3A_104 = arith.cmpi sge, %add3A_103, %ge3A : vector<16xi32>
      %convert_element_type3A = arith.extui %ge3A_104 : vector<16xi1> to vector<16xi32>
      %broadcast_in_dim3A_105 = arith.constant true
      %broadcast_in_dim3A_106 = vector.broadcast %broadcast_in_dim3A_105 : i1 to vector<16xi1>
      %masked_cumsum3A_107 = tpu.scan <sum>, %convert_element_type3A masked %broadcast_in_dim3A_106 : vector<16xi32>, vector<16xi1> -> vector<16xi32>
      %eq3A = arith.constant 1 : i32
      %eq3A_108 = vector.broadcast %eq3A : i32 to vector<16xi32>
      %eq3A_109 = arith.cmpi eq, %masked_cumsum3A_107, %eq3A_108 : vector<16xi32>
      %and3A = arith.andi %ge3A_104, %eq3A_109 : vector<16xi1>
      %jit3A = arith.constant 0 : i32
      %broadcast_in_dim3A_110 = vector.broadcast %jit3A : i32 to vector<16xi32>
      %select_n3A = arith.select %and3A, %add3A_103, %broadcast_in_dim3A_110 : vector<16xi1>, vector<16xi32>
      %reduce_sum3A = arith.constant true
      %reduce_sum3A_111 = vector.broadcast %reduce_sum3A : i1 to vector<16xi1>
      %reduce_sum3A_112 = tpu.scan <sum>, %select_n3A masked %reduce_sum3A_111 : vector<16xi32>, vector<16xi1> -> vector<16xi32>
      %reduce_sum3A_113 = vector.extract %reduce_sum3A_112[15] : i32 from vector<16xi32>
      %jit3A_114 = arith.constant 0 : i32
      %broadcast_in_dim3A_115 = vector.broadcast %jit3A_114 : i32 to vector<16xi32>
      %select_n3A_116 = arith.select %and3A, %rev3A_99, %broadcast_in_dim3A_115 : vector<16xi1>, vector<16xi32>
      %reduce_sum3A_117 = arith.constant true
      %reduce_sum3A_118 = vector.broadcast %reduce_sum3A_117 : i1 to vector<16xi1>
      %reduce_sum3A_119 = tpu.scan <sum>, %select_n3A_116 masked %reduce_sum3A_118 : vector<16xi32>, vector<16xi1> -> vector<16xi32>
      %reduce_sum3A_120 = vector.extract %reduce_sum3A_119[15] : i32 from vector<16xi32>
      %jit3A_121 = arith.constant 0 : i32
      %broadcast_in_dim3A_122 = vector.broadcast %jit3A_121 : i32 to vector<16xi32>
      %select_n3A_123 = arith.select %and3A, %iota3A_68, %broadcast_in_dim3A_122 : vector<16xi1>, vector<16xi32>
      %reduce_sum3A_124 = arith.constant true
      %reduce_sum3A_125 = vector.broadcast %reduce_sum3A_124 : i1 to vector<16xi1>
      %reduce_sum3A_126 = tpu.scan <sum>, %select_n3A_123 masked %reduce_sum3A_125 : vector<16xi32>, vector<16xi1> -> vector<16xi32>
      %reduce_sum3A_127 = vector.extract %reduce_sum3A_126[15] : i32 from vector<16xi32>
      %convert_element_type3A_128 = arith.extui %ge3A_104 : vector<16xi1> to vector<16xi32>
      %reduce_sum3A_129 = arith.constant true
      %reduce_sum3A_130 = vector.broadcast %reduce_sum3A_129 : i1 to vector<16xi1>
      %reduce_sum3A_131 = tpu.scan <sum>, %convert_element_type3A_128 masked %reduce_sum3A_130 : vector<16xi32>, vector<16xi1> -> vector<16xi32>
      %reduce_sum3A_132 = vector.extract %reduce_sum3A_131[15] : i32 from vector<16xi32>
      %gt3A = arith.constant 0 : i32
      %gt3A_133 = arith.cmpi sgt, %reduce_sum3A_132, %gt3A : i32
      %reduce_sum3A_134 = arith.constant true
      %reduce_sum3A_135 = vector.broadcast %reduce_sum3A_134 : i1 to vector<16xi1>
      %reduce_sum3A_136 = tpu.scan <sum>, %get3A_95 masked %reduce_sum3A_135 : vector<16xi32>, vector<16xi1> -> vector<16xi32>
      %reduce_sum3A_137 = vector.extract %reduce_sum3A_136[15] : i32 from vector<16xi32>
      %mul3A_138 = arith.constant 16 : i32
      %mul3A_139 = arith.muli %while3A_87, %mul3A_138 : i32
      %add3A_140 = arith.constant 15 : i32
      %add3A_141 = arith.addi %mul3A_139, %add3A_140 : i32
      %sub3A = arith.subi %add3A_141, %reduce_sum3A_127 : i32
      %jit3A_142 = arith.constant 0 : i32
      %select_n3A_143 = arith.select %gt3A_133, %sub3A, %jit3A_142 : i32
      %sub3A_144 = arith.subi %reduce_sum3A_113, %reduce_sum3A_120 : i32
      %sub3A_145 = arith.subi %while3A_61#4, %sub3A_144 : i32
      %select_n3A_146 = arith.select %gt3A_133, %sub3A_145, %while3A_61#4 : i32
      %sub3A_147 = arith.constant 1 : i32
      %sub3A_148 = arith.subi %while3A_87, %sub3A_147 : i32
      %add3A_149 = arith.addi %while3A_89, %reduce_sum3A_137 : i32
      scf.yield %sub3A_148, %gt3A_133, %add3A_149, %select_n3A_143, %select_n3A_146, %reduce_sum3A_120 : i32, i1, i32, i32, i32, i32
    }
    %shift_left3A_78 = arith.constant 24 : i32
    %shift_left3A_79 = arith.shli %while3A_24#3, %shift_left3A_78 : i32
    %shift_left3A_80 = arith.constant 8 : i32
    %shift_left3A_81 = arith.shli %or3A, %shift_left3A_80 : i32
    %or3A_82 = arith.ori %shift_left3A_79, %shift_left3A_81 : i32
    %or3A_83 = arith.ori %or3A_82, %while3A_77#3 : i32
    %parallel_loop3A_84 = arith.constant 0 : i32
    %parallel_loop3A_85 = arith.constant 2048 : i32
    %parallel_loop3A_86 = arith.constant 1 : i32
    scf.for %parallel_loop3A_87 = %parallel_loop3A_84 to %parallel_loop3A_85 step %parallel_loop3A_86  : i32 {
      %parallel_loop3A_88 = arith.constant 16 : i32
      %parallel_loop3A_89 = arith.muli %parallel_loop3A_87, %parallel_loop3A_88 : i32
      %parallel_loop3A_90 = arith.index_cast %parallel_loop3A_89 : i32 to index
      %parallel_loop3A_91 = tpu.vector_load %arg5[%parallel_loop3A_90] {strides = array<i32>} : memref<32768xi32, #tpu.memory_space<vmem>>, vector<16xi32>,
      %parallel_loop3A_92 = arith.constant 16 : i32
      %parallel_loop3A_93 = arith.muli %parallel_loop3A_87, %parallel_loop3A_92 : i32
      %parallel_loop3A_94 = arith.index_cast %parallel_loop3A_93 : i32 to index
      %parallel_loop3A_95 = tpu.vector_load %arg4[%parallel_loop3A_94] {strides = array<i32>} : memref<32768xf32, #tpu.memory_space<vmem>>, vector<16xf32>,
      %parallel_loop3A_96 = vector.broadcast %or3A_83 : i32 to vector<16xi32>
      %parallel_loop3A_97 = arith.cmpi uge, %parallel_loop3A_91, %parallel_loop3A_96 : vector<16xi32>
      %parallel_loop3A_98 = arith.constant 0.000000e+00 : f32
      %parallel_loop3A_99 = vector.broadcast %parallel_loop3A_98 : f32 to vector<16xf32>
      %parallel_loop3A_100 = arith.select %parallel_loop3A_97, %parallel_loop3A_95, %parallel_loop3A_99 : vector<16xi1>, vector<16xf32>
      %parallel_loop3A_101 = arith.constant 16 : i32
      %parallel_loop3A_102 = arith.muli %parallel_loop3A_87, %parallel_loop3A_101 : i32
      %parallel_loop3A_103 = arith.index_cast %parallel_loop3A_102 : i32 to index
      %parallel_loop3A_104 = tpu.vector_load %arg4[%parallel_loop3A_103] {strides = array<i32>} : memref<32768xf32, #tpu.memory_space<vmem>>, vector<16xf32>,
      tpu.vector_store %arg4[%parallel_loop3A_103], %parallel_loop3A_100 {strides = array<i32>} : memref<32768xf32, #tpu.memory_space<vmem>>, vector<16xf32>,
    } {sc.loop_unroll_factor = 8 : i64, sc.parallel_access}
    "tpu.region"() ({
      %run_scoped3A = tpu.sem_alloc : memref<!tpu.dma_semaphore, #tpu.memory_space<semaphore_mem>>
      %dma_start3A = tpu.memref_slice %arg3[%mul3A_8] : memref<1048576xf32, #tpu.memory_space<hbm>> -> memref<32768xf32, #tpu.memory_space<hbm>>
      %dma_start3A_87 = tpu.memref_slice %arg3[%mul3A_8] : memref<1048576xf32, #tpu.memory_space<hbm>> -> memref<32768xf32, #tpu.memory_space<hbm>>
      tpu.enqueue_dma source(%arg4 : memref<32768xf32, #tpu.memory_space<vmem>>) target(%dma_start3A_87 : memref<32768xf32, #tpu.memory_space<hbm>>) target_semaphore(%run_scoped3A : memref<!tpu.dma_semaphore, #tpu.memory_space<semaphore_mem>>)
      %dma_wait3A = tpu.memref_slice %arg3[%mul3A_8] : memref<1048576xf32, #tpu.memory_space<hbm>> -> memref<32768xf32, #tpu.memory_space<hbm>>
      %dma_wait3A_88 = tpu.memref_slice %arg3[%mul3A_8] : memref<1048576xf32, #tpu.memory_space<hbm>> -> memref<32768xf32, #tpu.memory_space<hbm>>
      tpu.wait_dma2 semaphore(%run_scoped3A : memref<!tpu.dma_semaphore, #tpu.memory_space<semaphore_mem>>) src(%arg4 : memref<32768xf32, #tpu.memory_space<vmem>>) dst(%dma_wait3A_88 : memref<32768xf32, #tpu.memory_space<hbm>>)
      tpu.yield
    }) : () -> ()
    return
  }
}

module attributes {stable_mosaic.version = 14 : i64} {
  func.func @_tc_body(%arg0: i32, %arg1: memref<8x32768xf32, #tpu.memory_space<vmem>>, %arg2: memref<8x32768xf32, #tpu.memory_space<vmem>>) attributes {dimension_semantics = [#tpu.dimension_semantics<arbitrary>], iteration_bounds = array<i64: 4>, scalar_prefetch = 0 : i64, scratch_operands = 0 : i64, tpu.core_type = #tpu.core_type<tc>, window_params = [{transform_indices = @transform_0, window_bounds = array<i64: 8, 32768>}, {transform_indices = @transform_1, window_bounds = array<i64: 8, 32768>}]} {
    %get3A = arith.constant 0 : index
    %get3A_0 = arith.constant 0 : index
    %get3A_1 = vector.load %arg1[%get3A, %get3A_0] : memref<8x32768xf32, #tpu.memory_space<vmem>>, vector<8x32768xf32>
    %bitcast_convert_type3A = tpu.bitcast %get3A_1 : vector<8x32768xf32> -> vector<8x32768xi32>
    %shift_right_logical3A = arith.constant 31 : i32
    %shift_right_logical3A_2 = vector.broadcast %shift_right_logical3A : i32 to vector<8x32768xi32>
    %shift_right_logical3A_3 = arith.shrui %bitcast_convert_type3A, %shift_right_logical3A_2 : vector<8x32768xi32>
    %mul3A = arith.constant 2147483647 : i32
    %mul3A_4 = vector.broadcast %mul3A : i32 to vector<8x32768xi32>
    %mul3A_5 = arith.muli %shift_right_logical3A_3, %mul3A_4 : vector<8x32768xi32>
    %add3A = arith.constant -2147483648 : i32
    %add3A_6 = vector.broadcast %add3A : i32 to vector<8x32768xi32>
    %add3A_7 = arith.addi %add3A_6, %mul3A_5 : vector<8x32768xi32>
    %xor3A = arith.xori %bitcast_convert_type3A, %add3A_7 : vector<8x32768xi32>
    %broadcast_in_dim3A = arith.constant 0 : i32
    %broadcast_in_dim3A_8 = vector.broadcast %broadcast_in_dim3A : i32 to vector<8x1xi32>
    %scan3A = arith.constant 0 : i32
    %scan3A_9 = arith.constant 32 : i32
    %scan3A_10 = arith.addi %scan3A, %scan3A_9 : i32
    %scan3A_11 = arith.constant 1 : i32
    %scan3A_12 = scf.for %scan3A_18 = %scan3A to %scan3A_10 step %scan3A_11 iter_args(%scan3A_19 = %broadcast_in_dim3A_8) -> (vector<8x1xi32>)  : i32 {
      %sub3A = arith.constant 31 : i32
      %sub3A_20 = arith.subi %sub3A, %scan3A_18 : i32
      %shift_left3A = arith.constant 1 : i32
      %shift_left3A_21 = arith.shli %shift_left3A, %sub3A_20 : i32
      %or3A = vector.broadcast %shift_left3A_21 : i32 to vector<8x1xi32>
      %or3A_22 = arith.ori %scan3A_19, %or3A : vector<8x1xi32>
      %ge3A_23 = vector.broadcast %or3A_22 : vector<8x1xi32> to vector<8x32768xi32>
      %ge3A_24 = arith.cmpi uge, %xor3A, %ge3A_23 : vector<8x32768xi32>
      %convert_element_type3A = arith.extui %ge3A_24 : vector<8x32768xi1> to vector<8x32768xi32>
      %reduce_sum3A = arith.constant dense<0> : vector<8xi32>
      %reduce_sum3A_25 = vector.multi_reduction <add>, %convert_element_type3A, %reduce_sum3A [1] : vector<8x32768xi32> to vector<8xi32>
      %broadcast_in_dim3A_26 = vector.shape_cast %reduce_sum3A_25 : vector<8xi32> to vector<8x1xi32>
      %ge3A_27 = arith.constant 1024 : i32
      %ge3A_28 = vector.broadcast %ge3A_27 : i32 to vector<8x1xi32>
      %ge3A_29 = arith.cmpi sge, %broadcast_in_dim3A_26, %ge3A_28 : vector<8x1xi32>
      %select_n3A_30 = arith.select %ge3A_29, %or3A_22, %scan3A_19 : vector<8x1xi1>, vector<8x1xi32>
      scf.yield %select_n3A_30 : vector<8x1xi32>
    }
    %scan3A_13 = arith.constant 32 : i32
    %ge3A = vector.broadcast %scan3A_12 : vector<8x1xi32> to vector<8x32768xi32>
    %ge3A_14 = arith.cmpi uge, %xor3A, %ge3A : vector<8x32768xi32>
    %jit3A = arith.constant 0.000000e+00 : f32
    %broadcast_in_dim3A_15 = vector.broadcast %jit3A : f32 to vector<8x32768xf32>
    %select_n3A = arith.select %ge3A_14, %get3A_1, %broadcast_in_dim3A_15 : vector<8x32768xi1>, vector<8x32768xf32>
    %swap3A = arith.constant 0 : index
    %swap3A_16 = arith.constant 0 : index
    %swap3A_17 = vector.load %arg2[%swap3A, %swap3A_16] : memref<8x32768xf32, #tpu.memory_space<vmem>>, vector<8x32768xf32>
    tpu.vector_store %arg2[%swap3A, %swap3A_16], %select_n3A {strides = array<i32>} : memref<8x32768xf32, #tpu.memory_space<vmem>>, vector<8x32768xf32>,
    return
  }
  func.func @transform_0(%arg0: i32) -> (i32, i32) {
    %c0_i32 = arith.constant 0 : i32
    %c0_i32_0 = arith.constant 0 : i32
    return %arg0, %c0_i32 : i32, i32
  }
  func.func @transform_1(%arg0: i32) -> (i32, i32) {
    %c0_i32 = arith.constant 0 : i32
    %c0_i32_0 = arith.constant 0 : i32
    return %arg0, %c0_i32 : i32, i32
  }
}

</mosaic_0001>

<sc_bundles>
// kernel: kernel.4.cloned.1.call-start
scs
__scs_entry_jumppad:
0x0: {  	(pc) =	sbr.rel $0x88, $3  }
0x1: {  	(tag) =	ssettag $0x0;
	lr =	simm.s32 $0x1  }
0x2: {  	[smem:$0x3FA0] =	sst lr;
	_ =	strace $0xD0000000  }
0x3: {  	_ = 	snop  }
0x4: {  	_ = 	snop  }
0x5: {  	_ = 	snop  }
0x6: {  	_ = 	snop  }
0x7: {  	_ = 	snop  }
__scs_overlays_trampoline_lowered:
0x8: {  	[smem:$0x3FAF] =	sst s0  }
0x9: {  	[smem:$0x3FB0] =	sst s1  }
0xa: {  	[smem:$0x3FB1] =	sst s2  }
0xb: {  	[smem:$0x3FB2] =	sst s3  }
0xc: {  	[smem:$0x3FB3] =	sst s4  }
0xd: {  	[smem:$0x3FB4] =	sst s5  }
0xe: {  	[smem:$0x3FB5] =	sst s6  }
0xf: {  	[smem:$0x3FB6] =	sst s7  }
0x10: {  	[smem:$0x3FB7] =	sst s8  }
0x11: {  	[smem:$0x3FB8] =	sst s9;
	s0 =	simm.s32 @!p0 $0x0  }
0x12: {  	s1 =	sld [smem:$0x3F9E];
	s0 =	simm.s32 @p0 $0x1  }
0x13: {  	[smem:$0x3FB9] =	sst s0;
	s0 =	simm.s32 @!p1 $0x0  }
0x14: {  	s2 =	sld [smem:$0x3F9D];
	s0 =	simm.s32 @p1 $0x1  }
0x15: {  	[smem:$0x3FBA] =	sst s0;
	s0 =	simm.s32 @!p2 $0x0  }
0x16: {  	s3 =	sld [smem:$0x3FDB];
	s0 =	simm.s32 @p2 $0x1  }
0x17: {  	s4 =	simm.s32 $0x1BF5;
	[smem:$0x3FBC] =	sst s0  }
0x18: {  	s0 =	sld [smem:$0x3F9F];
	_ =	swait.ge [sflag:s4], $0x0  }
0x19: {  	s7 =	sld [smem:$0x3FA0]  }
0x1a: {  	s8 =	sadd.s32 $0xFFFFE003, lr  }
0x1b: {  	s9 =	sadd.s32 $0xFFFFFEF7, lr;
	s5 =	simm.s32 $0xFFFFFFFF;
	p2 =	slt.u32 s8, $0xFFFFF086  }
0x1c: {  	p1 =	slt.u32 s9, $0xF7A;
	s5 =	simm.s32 @!p2 $0x0  }
0x1d: {  	s5 =	simm.s32 @p1 $0x1;
	p0 =	seq.s32 s7, s2  }
0x1e: {  	s7 =	smul.u32 @!p0 $0xF7A, s2;
	p2 =	seq.s32 @!p0 s5, $0x0  }
0x1f: {  	s9 =	smul.u32 $0xF7A, s1;
	s8 =	simm.s32 @!p0 $0x1BF5;
	p2 =	por !p2, p0  }
0x20: {  	[sflag:s8] =	ssyncset.s32 @!p0 $0xFFFFF086;
	s6 =	sadd.s32 @!p0 s3, s7;
	s7 =	simm.s32 @!p0 $0x108  }
0x21: {  	s3 =	sadd.s32 s3, s9;
	s6 =	sadd.s32 @!p0 $0x88, s6;
	s7 =	simm.s32 @p2 $0x1082  }
0x22: {  	[simem:s7], [sflag:s8] =	dma.local @!p0 [hbm:s6], $0xF7A  }
0x23: {  	s9 =	sor.u32 $0xD0000000, s2;
	s6 =	simm.s32 $0x108;
	_ =	swait.ge @!p0 [sflag:s8], $0x0  }
0x24: {  	s3 =	sadd.s32 $0x88, s3;
	s6 =	simm.s32 @!p1 $0x1082;
	[sflag:s4] =	ssyncset.s32 $0xFFFFF086  }
0x25: {  	[simem:s6], [sflag:s4] =	dma.local [hbm:s3], $0xF7A  }
0x26: {  	[smem:$0x3FA0] =	sst s1;
	(tag) =	ssettag s2;
	_ =	strace s9  }
0x27: {  	s1 =	sld [smem:$0x3FB0]  }
0x28: {  	s2 =	sld [smem:$0x3FB1]  }
0x29: {  	s4 =	sld [smem:$0x3FB3]  }
0x2a: {  	p0 =	seq.s32 s5, $0x0;
	s5 =	sld [smem:$0x3FB4]  }
0x2b: {  	s6 =	sld [smem:$0x3FB5]  }
0x2c: {  	s7 =	sld [smem:$0x3FB6]  }
0x2d: {  	s3 =	simm.s32 $0x108;
	s8 =	sld [smem:$0x3FB7]  }
0x2e: {  	s3 =	simm.s32 @!p0 $0x1082;
	s9 =	sld [smem:$0x3FB8]  }
0x2f: {  	lr =	sadd.s32 s0, s3;
	s0 =	sld [smem:$0x3FAF]  }
0x30: {  	s3 =	sld [smem:$0x3FB2]  }
0x31: {  	[smem:$0x3FBB] =	sst s10  }
0x32: {  	s10 =	sld [smem:$0x3FB9];
	_ =	sdelay $0x3  }
0x33: {  	p0 =	seq.s32 s10, $0x1;
	s10 =	sld [smem:$0x3FBB];
	_ =	sdelay $0x3  }
0x34: {  	[smem:$0x3FBB] =	sst s10  }
0x35: {  	s10 =	sld [smem:$0x3FBA];
	_ =	sdelay $0x3  }
0x36: {  	p1 =	seq.s32 s10, $0x1;
	s10 =	sld [smem:$0x3FBB];
	_ =	sdelay $0x3  }
0x37: {  	[smem:$0x3FBB] =	sst s10  }
0x38: {  	s10 =	sld [smem:$0x3FBC]  }
0x39: {  	_ = 	snop;
	(pc) =	sbr.ind lr, $3  }
0x3a: {  	_ = 	snop  }
0x3b: {  	_ = 	snop  }
0x3c: {  	p2 =	seq.s32 s10, $0x1;
	s10 =	sld [smem:$0x3FBB]  }
0x3d: {  	_ =	shalt  }
0x3e: {  	_ =	shalt  }
0x3f: {  	_ =	shalt  }
0x40: {  	_ =	shalt  }
0x41: {  	_ =	shalt  }
0x42: {  	_ =	shalt  }
0x43: {  	_ =	shalt  }
0x44: {  	_ =	shalt  }
0x45: {  	_ =	shalt  }
0x46: {  	_ =	shalt  }
0x47: {  	_ =	shalt  }
0x48: {  	_ =	shalt  }
0x49: {  	_ =	shalt  }
0x4a: {  	_ =	shalt  }
0x4b: {  	_ =	shalt  }
0x4c: {  	_ =	shalt  }
0x4d: {  	_ =	shalt  }
0x4e: {  	_ =	shalt  }
0x4f: {  	_ =	shalt  }
0x50: {  	_ =	shalt  }
0x51: {  	_ =	shalt  }
0x52: {  	_ =	shalt  }
0x53: {  	_ =	shalt  }
0x54: {  	_ =	shalt  }
0x55: {  	_ =	shalt  }
0x56: {  	_ =	shalt  }
0x57: {  	_ =	shalt  }
0x58: {  	_ =	shalt  }
0x59: {  	_ =	shalt  }
0x5a: {  	_ =	shalt  }
0x5b: {  	_ =	shalt  }
0x5c: {  	_ =	shalt  }
0x5d: {  	_ =	shalt  }
0x5e: {  	_ =	shalt  }
0x5f: {  	_ =	shalt  }
0x60: {  	_ =	shalt  }
0x61: {  	_ =	shalt  }
0x62: {  	_ =	shalt  }
0x63: {  	_ =	shalt  }
0x64: {  	_ =	shalt  }
0x65: {  	_ =	shalt  }
0x66: {  	_ =	shalt  }
0x67: {  	_ =	shalt  }
0x68: {  	_ =	shalt  }
0x69: {  	_ =	shalt  }
0x6a: {  	_ =	shalt  }
0x6b: {  	_ =	shalt  }
0x6c: {  	_ =	shalt  }
0x6d: {  	_ =	shalt  }
0x6e: {  	_ =	shalt  }
0x6f: {  	_ =	shalt  }
0x70: {  	_ =	shalt  }
0x71: {  	_ =	shalt  }
0x72: {  	_ =	shalt  }
0x73: {  	_ =	shalt  }
0x74: {  	_ =	shalt  }
0x75: {  	_ =	shalt  }
0x76: {  	_ =	shalt  }
0x77: {  	_ =	shalt  }
0x78: {  	_ =	shalt  }
0x79: {  	_ =	shalt  }
0x7a: {  	_ =	shalt  }
0x7b: {  	_ =	shalt  }
0x7c: {  	_ =	shalt  }
0x7d: {  	_ =	shalt  }
0x7e: {  	_ =	shalt  }
0x7f: {  	_ =	shalt  }
0x80: {  	_ =	shalt  }
0x81: {  	_ =	shalt  }
0x82: {  	_ =	shalt  }
0x83: {  	_ =	shalt  }
0x84: {  	_ =	shalt  }
0x85: {  	_ =	shalt  }
0x86: {  	_ =	shalt  }
0x87: {  	_ =	shalt  }
.Lfunc_end0:
.L_simem_size_0:
called_computation_lowered:
.L_overlay_start_0:
0x88: {  	s2 =	sld [smem:$0x3FD9]  }
0x89: {  	s3 =	sld [smem:$0x3FFE];
	_ =	sdelay $0x1  }
0x8a: {  	s1 =	srdreg.scid  }
0x8b: {  	s0 =	sand.u32 $0x1, s1  }
0x8c: {  	s17 =	sshll.u32 s0, $0xA;
	s2 =	sadd.s32 s3, s2  }
0x8d: {  	s2 =	sadd.s32 s2, s17  }
0x8e: {  	[smem:$0x3FC7] =	sst s2  }
0x8f: {  	_ = 	snop  }
0x90: {  	s2 =	sld [smem:$0x3FD0];
	(tm) =	ssettm $0x1  }
0x91: {  	s18 =	sld [smem:$0x3FFB];
	_ =	sdelay $0x3  }
0x92: {  	_ =	strace s18  }
0x93: {  	s3 =	sld [smem:$0x3FFC];
	_ =	sdelay $0x3  }
0x94: {  	_ =	strace s3  }
0x95: {  	s3 =	sld [smem:$0x3FFD];
	_ =	sdelay $0x3  }
0x96: {  	_ =	strace s3  }
0x97: {  	_ =	strace $0x8FFFFFFF  }
0x98: {  	s19 =	sld [smem:$0x3FDB];
	_ =	sdelay $0x1  }
0x99: {  	s4 =	simm.s32 $_scs_section_size  }
0x9a: {  	s5 =	simm.s32 $_size__tile_overlayer_lowered;
	s6 =	simm.s32 $_tile_overlayer_lowered  }
0x9b: {  	s22 =	simm.s32 $0x1BFF;
	s21 =	sshll.u32 s6, $0x1;
	s3 =	sadd.s32 s4, s19  }
0x9c: {  	s7 =	simm.s32 $0x0;
	s20 =	sshll.u32 s5, $0x1;
	s5 =	sadd.s32 s21, s3  }
0x9d: {  	[timem:s7], [sflag:s22] =	dma.local [hbm:s5], s20  }
0x9e: {  	_ =	swait.ge [sflag:s22], s20  }
0x9f: {  	s4 =	ssub.s32 $0x0, s20;
	[sflag:s22] =	ssyncset.done $0x0  }
0xa0: {  	[sflag:s22] =	ssyncadd.s32 s4;
	_ =	sdelay $0x1  }
0xa1: {  	s23 =	simm.s32 $0x1B8B  }
0xa2: {  	_ =	swait.ge [sflag:s23], $0x1  }
0xa3: {  	[sflag:s23] =	ssyncset.done $0x0  }
0xa4: {  	s25 =	simm.s32 $0x1B8E;
	s24 =	sld [smem:$0x3FFE];
	[sflag:s23] =	ssyncadd.s32 $0xFFFFFFFF  }
0xa5: {  	s26 =	simm.s32 $execute0_lowered;
	[smem:$0x3FD2] =	sst s25  }
0xa6: {  	s5 =	sshll.u32 s26, $0x1;
	_ =	strace $0x80000046;
	[dreg:$0x1] =	wrdreg $0xFFFFFFFF  }
0xa7: {  	s28 =	simm.s32 $_size_execute0_lowered;
	s3 =	sadd.s32 s3, s5;
	[dreg:$0x0] =	wrdreg $0x0  }
0xa8: {  	s5 =	sshll.u32 s28, $0x1;
	[dreg:$0x2] =	wrdreg s3  }
0xa9: {  	[dreg:$0x3] =	wrdreg s5  }
0xaa: {  	[dreg:$0x4] =	wrdreg $0xC0  }
0xab: {  	_ =	task [dreg:s7], $0x5FFFF  }
0xac: {  	[dreg:$0x1] =	wrdreg $0xFFFFFFFF  }
0xad: {  	[dreg:$0x0] =	wrdreg $0x60  }
0xae: {  	[dreg:$0x2] =	wrdreg s2  }
0xaf: {  	[dreg:$0x3] =	wrdreg s24  }
0xb0: {  	[dreg:$0x4] =	wrdreg $0x9  }
0xb1: {  	_ =	task.clear_ibuf [dreg:s7], $0x5FFFF;
	_ =	strace $0x90000046  }
0xb2: {  	s29 =	simm.s32 $0x9;
	_ =	strace $0x80000048  }
0xb3: {  	_ =	swait.ge [sflag:s29], $0x1  }
0xb4: {  	[sflag:s29] =	ssyncadd.s32 $0xFFFFFFFF  }
0xb5: {  	_ =	strace $0x90000048  }
0xb6: {  	_ =	sfence  }
0xb7: {  	s30 =	sld [smem:$0x0];
	_ =	sdelay $0x2  }
0xb8: {  	s31 =	sshll.u32 s1, $0xD;
	s1 =	sshrl.u32 s1, $0x2  }
0xb9: {  	s3 =	sand.u32 $0x4000, s31;
	s1 =	sadd.s32 s1, s30  }
0xba: {  	s0 =	sor.u32 s3, s0;
	s1 =	sshll.u32 s1, $0x11  }
0xbb: {  	s0 =	sor.u32 s1, s0  }
0xbc: {  	s0 =	sadd.s32 $0x8F2B, s0  }
0xbd: {  	[sflag:s0] =	ssyncadd.remote.s32 $0x1  }
0xbe: {  	_ =	sfence.sel $0xFFFF  }
0xbf: {  	[dreg:$0x0] =	wrdreg $0xFFFFFFFF;
	(pc) =	sbr.abs _section_cstart, $3  }
0xc0: {  	[dreg:$0x1] =	wrdreg $0xFFFFFFFF  }
0xc1: {  	_ =	task.clear_ibuf [dreg:s7], $0x2FFFF;
	_ =	strace $0x9FFFFFFF  }
0xc2: {  	(tm) =	ssettm $0x7FFFFFFF  }
0xc3: {  	_ =	shalt  }
tec
execute0_lowered:
.L_overlay_start_1:
0x0: {  	(tag) =	ssettag $0x1  }
0x1: {  	s3 =	rddreg [dreg:$0x0]  }
0x2: {  	s4 =	rddreg [dreg:$0x1];
	s2 =	srdreg.scid  }
0x3: {  	s0 =	rddreg [dreg:$0x2];
	s1 =	stileid.u32;
	s8 =	simm.s32 $0x18040  }
0x4: {  	s9 =	simm.s32 $0x10000;
	s10 =	simm.s32 $0x0;
	s5 =	sand.u32 $0x1, s2  }
0x5: {  	s2 =	simm.s32 $0x0;
	s6 =	sshll.u32 s1, $0xD;
	s7 =	sshll.u32 s5, $0xC  }
0x6: {  	v0 =	vlaneseq.u32;
	[smem:$0x7FF] =	sst s2;
	s5 =	ssub.s32 $0x2, s5;
	s6 =	sor.u32 s7, s6  }
0x7: {  	v4 =	vmul.u32 $0xFFFFFFFF, v0;
	_ =	strace $0x80000047;
	s31 =	sshrl.u32 s5, $0x1;
	s7 =	simm.s32 $0x18000  }
0x8: {  	v2 =	vmul.u32 $0x100, v0;
	s4 =	sadd.s32 s6, s4;
	s5 =	ssub.s32 s5, s31;
	s3 =	sadd.s32 s3, s6  }
0x9: {  	v1 =	vimm.s32 $0x0;
	v3 =	vimm.s32 $0x1;
	v4 =	vadd.s32 $0xF, v4;
	s6 =	simm.s32 $0x1;
	s4 =	sadd.s32 $0x600, s4;
	s5 =	smax.u32 s5, $0x1  }
.LBB2_1:
0xa: {  	[tilespmem:s2], [sflag:$0x1] =	stream.linear.gather [hbm4b:s3+s2], $0x8000, $0x38;
	[tilespmem:$0x19100] =	vst v63  }
0xb: {  	_ =	swait.ge [sflag:s6], $0x8000  }
0xc: {  	[sflag:s6] =	ssyncset.done $0x0  }
0xd: {  	[sflag:s6] =	ssyncadd.s32 $0xFFFF8000  }
0xe: {  	[tilespmem:s8+$0xFFFFFFC0] =	vst v1  }
0xf: {  	[tilespmem:s8+$0x30] =	vst v1  }
0x10: {  	[tilespmem:s8+$0x20] =	vst v1  }
0x11: {  	[tilespmem:s8+$0x10] =	vst v1  }
0x12: {  	[tilespmem:s8+$0x0] =	vst v1  }
0x13: {  	s12 =	simm.s32 $0x0;
	[tilespmem:s8+$0xFFFFFFF0] =	vst v1  }
0x14: {  	s11 =	simm.s32 $0x40;
	s13 =	simm.s32 $0x8040;
	s14 =	simm.s32 $0x18040;
	[tilespmem:s8+$0xFFFFFFE0] =	vst v1  }
.LBB2_2:
0x15: {  	s12 =	sadd.s32 $0x8, s12;
	[tilespmem:s14+$0xFFFFFFD0] =	vst v1;
	s14 =	sadd.s32 $0x80, s14  }
0x16: {  	[tilespmem:s14+$0xFFFFFFC0] =	vst v1;
	p0 =	slt.u32 s12, $0xF8  }
0x17: {  	[tilespmem:s14+$0x30] =	vst v1  }
.Ltmp0:
0x18: {  	[tilespmem:s14+$0x20] =	vst v1;
	(pc) =	sbr.rel @p0 .LBB2_2-.Ltmp0, $4  }
0x19: {  	[tilespmem:s14+$0x10] =	vst v1  }
0x1a: {  	[tilespmem:s14+$0x0] =	vst v1  }
0x1b: {  	[tilespmem:s14+$0xFFFFFFF0] =	vst v1  }
0x1c: {  	[tilespmem:s14+$0xFFFFFFE0] =	vst v1  }
0x1d: {  	[tilespmem:s14+$0xFFFFFFD0] =	vst v1  }
0x1e: {  	v5 =	vld [tilespmem:s11+$0x30]  }
0x1f: {  	v6 =	vld [tilespmem:s11+$0xFFFFFFD0]  }
0x20: {  	v7 =	vld [tilespmem:s11+$0xFFFFFFE0]  }
0x21: {  	v9 =	vld [tilespmem:s11+$0x0]  }
0x22: {  	v10 =	vld [tilespmem:s11+$0x10]  }
0x23: {  	v13 =	vld [tilespmem:s11+$0x20];
	_ =	sdelay $0x2  }
0x24: {  	v8 =	vld [tilespmem:s11+$0xFFFFFFF0]  }
0x25: {  	v11 =	vshra.s32 v5, $0x1F;
	v12 =	vshra.s32 v6, $0x1F;
	v15 =	vshra.s32 v7, $0x1F  }
0x26: {  	v17 =	vshra.s32 v9, $0x1F;
	v19 =	vshra.s32 v10, $0x1F;
	v20 =	vshra.s32 v13, $0x1F  }
0x27: {  	v11 =	vor.u32 $0x80000000, v11;
	v12 =	vor.u32 $0x80000000, v12;
	v17 =	vor.u32 $0x80000000, v17  }
0x28: {  	v19 =	vor.u32 $0x80000000, v19;
	v20 =	vor.u32 $0x80000000, v20;
	v11 =	vxor.u32 v5, v11  }
0x29: {  	v14 =	vld [tilespmem:s11+$0xFFFFFFC0];
	v5 =	vor.u32 $0x80000000, v15;
	v15 =	vshra.s32 v8, $0x1F;
	v21 =	vxor.u32 v6, v12  }
0x2a: {  	v6 =	vxor.u32 v10, v19;
	v16 =	vshrl.u32 v11, $0x18;
	v15 =	vor.u32 $0x80000000, v15  }
0x2b: {  	v22 =	vxor.u32 v7, v5;
	v7 =	vxor.u32 v9, v17;
	v5 =	vxor.u32 v13, v20  }
0x2c: {  	v9 =	vshrl.u32 v6, $0x18;
	v18 =	vand.u32 $0x80, v16;
	v16 =	vand.u32 $0x7F, v16  }
0x2d: {  	v23 =	vxor.u32 v8, v15;
	v13 =	vshrl.u32 v22, $0x18;
	v18 =	vor.u32 v2, v18  }
0x2e: {  	v10 =	vshrl.u32 v7, $0x18;
	v16 =	vor.u32 v16, v18;
	v18 =	vshra.s32 v14, $0x1F  }
0x2f: {  	[tilespmem:s13+$0x30] =	vst v11;
	v8 =	vshrl.u32 v5, $0x18;
	v19 =	vand.u32 $0x80, v9;
	v18 =	vor.u32 $0x80000000, v18  }
0x30: {  	[tilespmem:s13+$0xFFFFFFD0] =	vst v21;
	v11 =	vshrl.u32 v23, $0x18;
	v25 =	vand.u32 $0x80, v10;
	v18 =	vxor.u32 v14, v18  }
0x31: {  	[tilespmem:s13+$0xFFFFFFE0] =	vst v22;
	v24 =	vand.u32 $0x80, v11;
	v14 =	vshrl.u32 v21, $0x18;
	v12 =	vshrl.u32 v18, $0x18  }
0x32: {  	v21 =	vand.u32 $0x80, v8;
	[tilespmem:s13+$0xFFFFFFC0] =	vst v18;
	v18 =	vand.u32 $0x80, v13;
	v15 =	vand.u32 $0x80, v12  }
0x33: {  	s15 =	simm.s32 $0x0;
	v20 =	vor.u32 v2, v18;
	v18 =	vor.u32 v2, v24;
	[tilespmem:v16+s7+$0x0] =	vst.idx.add.s32.msk $0xffff, v3;
	v16 =	vand.u32 $0x80, v14  }
0x34: {  	s14 =	simm.s32 $0x18810;
	s16 =	simm.s32 $0xC0;
	s11 =	simm.s32 $0x19020;
	[tilespmem:s13+$0xFFFFFFF0] =	vst v23;
	v17 =	vor.u32 v2, v15;
	v15 =	vor.u32 v2, v16;
	v16 =	vor.u32 v2, v25  }
.LBB2_4:
0x35: {  	v22 =	vld [tilespmem:s16+$0x30];
	s15 =	sadd.s32 $0x8, s15;
	v12 =	vand.u32 $0x7F, v12;
	[tilespmem:s13+$0x0] =	vst v7;
	v7 =	vor.u32 v2, v19;
	v19 =	vor.u32 v2, v21  }
0x36: {  	v14 =	vand.u32 $0x7F, v14;
	v13 =	vand.u32 $0x7F, v13;
	v11 =	vand.u32 $0x7F, v11;
	v21 =	vld [tilespmem:s16+$0xFFFFFFD0];
	p0 =	slt.u32 s15, $0x7F8;
	[tilespmem:s13+$0x10] =	vst v6  }
0x37: {  	v10 =	vand.u32 $0x7F, v10;
	v9 =	vand.u32 $0x7F, v9;
	v6 =	vld [tilespmem:s16+$0xFFFFFFE0];
	[tilespmem:s13+$0x20] =	vst v5;
	v5 =	vand.u32 $0x7F, v8  }
0x38: {  	v12 =	vor.u32 v12, v17;
	v14 =	vor.u32 v14, v15;
	v13 =	vor.u32 v13, v20;
	v8 =	vld [tilespmem:s16+$0xFFFFFFF0]  }
0x39: {  	v11 =	vor.u32 v11, v18;
	v10 =	vor.u32 v10, v16;
	v7 =	vor.u32 v9, v7;
	v15 =	vld [tilespmem:s16+$0x0]  }
0x3a: {  	v17 =	vor.u32 v5, v19;
	v9 =	vld [tilespmem:s16+$0x10];
	v16 =	vshra.s32 v22, $0x1F  }
0x3b: {  	v5 =	vshra.s32 v21, $0x1F;
	v18 =	vld [tilespmem:s16+$0x20];
	v16 =	vor.u32 $0x80000000, v16  }
0x3c: {  	v19 =	vld [tilespmem:s16+$0xFFFFFFC0];
	v5 =	vor.u32 $0x80000000, v5;
	v20 =	vshra.s32 v6, $0x1F;
	v16 =	vxor.u32 v22, v16  }
0x3d: {  	v20 =	vor.u32 $0x80000000, v20;
	v22 =	vshra.s32 v8, $0x1F;
	v23 =	vshrl.u32 v16, $0x18;
	[tilespmem:v12+s7+$0x0] =	vst.idx.add.s32.msk $0xffff, v3  }
0x3e: {  	v12 =	vor.u32 $0x80000000, v22;
	v22 =	vshra.s32 v15, $0x1F;
	v24 =	vand.u32 $0x80, v23;
	[tilespmem:v14+s7+$0x0] =	vst.idx.add.s32.msk $0xffff, v3  }
0x3f: {  	v23 =	vand.u32 $0x7F, v23;
	v14 =	vshra.s32 v9, $0x1F;
	v24 =	vor.u32 v2, v24;
	[tilespmem:v13+s7+$0x0] =	vst.idx.add.s32.msk $0xffff, v3  }
0x40: {  	v13 =	vor.u32 $0x80000000, v22;
	v22 =	vshra.s32 v18, $0x1F;
	v23 =	vor.u32 v23, v24;
	[tilespmem:v11+s7+$0x0] =	vst.idx.add.s32.msk $0xffff, v3  }
0x41: {  	v14 =	vor.u32 $0x80000000, v14;
	v11 =	vshra.s32 v19, $0x1F;
	v22 =	vor.u32 $0x80000000, v22;
	[tilespmem:v10+s7+$0x0] =	vst.idx.add.s32.msk $0xffff, v3  }
0x42: {  	v21 =	vxor.u32 v21, v5;
	v20 =	vxor.u32 v6, v20;
	v10 =	vor.u32 $0x80000000, v11;
	[tilespmem:v7+s7+$0x0] =	vst.idx.add.s32.msk $0xffff, v3  }
0x43: {  	s13 =	sadd.s32 $0x80, s13;
	v24 =	vxor.u32 v8, v12;
	v7 =	vxor.u32 v15, v13;
	v19 =	vxor.u32 v19, v10  }
0x44: {  	v6 =	vxor.u32 v9, v14;
	v5 =	vxor.u32 v18, v22;
	v12 =	vshrl.u32 v19, $0x18;
	[tilespmem:s13+$0x30] =	vst v16  }
0x45: {  	s12 =	simm.s32 $0x0;
	v14 =	vshrl.u32 v21, $0x18;
	v13 =	vshrl.u32 v20, $0x18;
	v11 =	vshrl.u32 v24, $0x18;
	[tilespmem:v23+s7+$0x0] =	vst.idx.add.s32.msk $0xffff, v3  }
.Ltmp1:
0x46: {  	v9 =	vshrl.u32 v6, $0x18;
	v10 =	vshrl.u32 v7, $0x18;
	v8 =	vshrl.u32 v5, $0x18;
	[tilespmem:v17+s7+$0x0] =	vst.idx.add.s32.msk $0xffff, v3;
	(pc) =	sbr.rel @p0 .LBB2_4-.Ltmp1, $4  }
0x47: {  	v18 =	vand.u32 $0x80, v13;
	v16 =	vand.u32 $0x80, v14;
	v15 =	vand.u32 $0x80, v12;
	[tilespmem:s13+$0xFFFFFFC0] =	vst v19  }
0x48: {  	v22 =	vand.u32 $0x80, v11;
	v23 =	vand.u32 $0x80, v10;
	v19 =	vand.u32 $0x80, v9;
	[tilespmem:s13+$0xFFFFFFD0] =	vst v21  }
0x49: {  	v17 =	vor.u32 v2, v15;
	v15 =	vor.u32 v2, v16;
	v21 =	vand.u32 $0x80, v8;
	[tilespmem:s13+$0xFFFFFFE0] =	vst v20  }
0x4a: {  	s16 =	sadd.s32 $0x80, s16;
	v16 =	vor.u32 v2, v23;
	v20 =	vor.u32 v2, v18;
	v18 =	vor.u32 v2, v22;
	[tilespmem:s13+$0xFFFFFFF0] =	vst v24  }
0x4b: {  	v12 =	vand.u32 $0x7F, v12  }
0x4c: {  	v14 =	vand.u32 $0x7F, v14;
	v12 =	vor.u32 v12, v17  }
0x4d: {  	v13 =	vand.u32 $0x7F, v13;
	v14 =	vor.u32 v14, v15  }
0x4e: {  	[tilespmem:s13+$0x0] =	vst v7;
	v7 =	vand.u32 $0x7F, v11;
	v11 =	vor.u32 v13, v20  }
0x4f: {  	[tilespmem:s13+$0x10] =	vst v6;
	v6 =	vand.u32 $0x7F, v10;
	v7 =	vor.u32 v7, v18  }
0x50: {  	v10 =	vor.u32 v2, v19;
	v9 =	vand.u32 $0x7F, v9;
	[tilespmem:s13+$0x20] =	vst v5;
	v5 =	vor.u32 v6, v16  }
0x51: {  	v8 =	vand.u32 $0x7F, v8;
	v6 =	vor.u32 v2, v21;
	v9 =	vor.u32 v9, v10;
	[tilespmem:v12+s7+$0x0] =	vst.idx.add.s32.msk $0xffff, v3  }
0x52: {  	v6 =	vor.u32 v8, v6;
	[tilespmem:v14+s7+$0x0] =	vst.idx.add.s32.msk $0xffff, v3  }
0x53: {  	[tilespmem:v11+s7+$0x0] =	vst.idx.add.s32.msk $0xffff, v3  }
0x54: {  	[tilespmem:v7+s7+$0x0] =	vst.idx.add.s32.msk $0xffff, v3  }
0x55: {  	[tilespmem:v5+s7+$0x0] =	vst.idx.add.s32.msk $0xffff, v3  }
0x56: {  	[tilespmem:v9+s7+$0x0] =	vst.idx.add.s32.msk $0xffff, v3  }
0x57: {  	[tilespmem:v6+s7+$0x0] =	vst.idx.add.s32.msk $0xffff, v3  }
0x58: {  	s31 =	sand.u32 $0xC0, s12;
	v5 =	vld [tilespmem:s14+$0xFFFFF7F0]  }
0x59: {  	v6 =	vld [tilespmem:s31+$0x18100]  }
0x5a: {  	v7 =	vld [tilespmem:s31+$0x18200]  }
0x5b: {  	v8 =	vld [tilespmem:s31+$0x18300]  }
0x5c: {  	v9 =	vld [tilespmem:s31+$0x18400]  }
0x5d: {  	v10 =	vld [tilespmem:s31+$0x18500]  }
0x5e: {  	v11 =	vld [tilespmem:s31+$0x18600]  }
0x5f: {  	v12 =	vld [tilespmem:s31+$0x18700]  }
0x60: {  	v13 =	vld [tilespmem:s31+$0x18800]  }
0x61: {  	v14 =	vld [tilespmem:s31+$0x18900]  }
0x62: {  	v15 =	vld [tilespmem:s31+$0x18A00]  }
0x63: {  	v45 =	vld [tilespmem:s31+$0x18B00]  }
0x64: {  	v46 =	vld [tilespmem:s31+$0x18C00]  }
0x65: {  	v47 =	vld [tilespmem:s31+$0x18D00]  }
0x66: {  	v48 =	vld [tilespmem:s31+$0x18E00]  }
0x67: {  	v49 =	vld [tilespmem:s31+$0x18F00]  }
0x68: {  	v50 =	vld [tilespmem:s14+$0xFFFFF800]  }
0x69: {  	v22 =	vld [tilespmem:s14+$0xFFFFF900]  }
0x6a: {  	v23 =	vld [tilespmem:s14+$0xFFFFF810]  }
0x6b: {  	v24 =	vld [tilespmem:s14+$0xFFFFF910]  }
0x6c: {  	v25 =	vld [tilespmem:s14+$0xFFFFF820]  }
0x6d: {  	v26 =	vld [tilespmem:s14+$0xFFFFF920]  }
0x6e: {  	v27 =	vld [tilespmem:s14+$0xFFFFFA00]  }
0x6f: {  	v28 =	vld [tilespmem:s14+$0xFFFFFA10]  }
0x70: {  	v29 =	vld [tilespmem:s14+$0xFFFFFA20]  }
0x71: {  	v30 =	vld [tilespmem:s14+$0xFFFFFB00]  }
0x72: {  	v31 =	vld [tilespmem:s14+$0xFFFFFB10]  }
0x73: {  	v32 =	vld [tilespmem:s14+$0xFFFFFB20]  }
0x74: {  	v33 =	vld [tilespmem:s14+$0xFFFFFC00]  }
0x75: {  	v34 =	vld [tilespmem:s14+$0xFFFFFC10]  }
0x76: {  	v35 =	vld [tilespmem:s14+$0xFFFFFC20]  }
0x77: {  	v36 =	vld [tilespmem:s14+$0xFFFFFD00]  }
0x78: {  	v37 =	vld [tilespmem:s14+$0xFFFFFD10]  }
0x79: {  	v38 =	vld [tilespmem:s14+$0xFFFFFD20]  }
0x7a: {  	v39 =	vld [tilespmem:s14+$0xFFFFFE00]  }
0x7b: {  	v40 =	vld [tilespmem:s14+$0xFFFFFE10]  }
0x7c: {  	v51 =	vld [tilespmem:s14+$0x200];
	v5 =	vadd.s32 v5, v6  }
0x7d: {  	v52 =	vld [tilespmem:s14+$0x210];
	v5 =	vadd.s32 v7, v5  }
0x7e: {  	v53 =	vld [tilespmem:s14+$0x220];
	v5 =	vadd.s32 v8, v5  }
0x7f: {  	v54 =	vld [tilespmem:s14+$0x300];
	v5 =	vadd.s32 v9, v5  }
0x80: {  	v55 =	vld [tilespmem:s14+$0x310];
	v5 =	vadd.s32 v10, v5  }
0x81: {  	v58 =	vld [tilespmem:s14+$0x320];
	v5 =	vadd.s32 v11, v5  }
0x82: {  	v59 =	vld [tilespmem:s14+$0x400];
	v5 =	vadd.s32 v12, v5  }
0x83: {  	v60 =	vld [tilespmem:s14+$0x410];
	v5 =	vadd.s32 v13, v5  }
0x84: {  	v61 =	vld [tilespmem:s14+$0x420];
	v5 =	vadd.s32 v14, v5  }
0x85: {  	v6 =	vld [tilespmem:s14+$0xFFFFFE20];
	v5 =	vadd.s32 v15, v5  }
0x86: {  	v7 =	vld [tilespmem:s14+$0xFFFFFF00];
	v5 =	vadd.s32 v45, v5  }
0x87: {  	v8 =	vld [tilespmem:s14+$0xFFFFFF10];
	v5 =	vadd.s32 v46, v5  }
0x88: {  	v9 =	vld [tilespmem:s14+$0xFFFFFF20];
	v5 =	vadd.s32 v47, v5  }
0x89: {  	v10 =	vld [tilespmem:s14+$0x0];
	v5 =	vadd.s32 v48, v5  }
0x8a: {  	v11 =	vld [tilespmem:s14+$0x10];
	v20 =	vadd.s32 v49, v5;
	v5 =	vadd.s32 v50, v22  }
0x8b: {  	v56 =	vadd.s32 v23, v24;
	v57 =	vadd.s32 v25, v26;
	v12 =	vld [tilespmem:s14+$0x20];
	v5 =	vadd.s32 v27, v5  }
0x8c: {  	v23 =	vadd.s32 v29, v57;
	v13 =	vld [tilespmem:s14+$0x100];
	v22 =	vadd.s32 v28, v56;
	v5 =	vadd.s32 v30, v5  }
0x8d: {  	v23 =	vadd.s32 v32, v23;
	v14 =	vld [tilespmem:s14+$0x110];
	v22 =	vadd.s32 v31, v22;
	v5 =	vadd.s32 v33, v5  }
0x8e: {  	v23 =	vadd.s32 v35, v23;
	v15 =	vld [tilespmem:s14+$0x120];
	v22 =	vadd.s32 v34, v22;
	v5 =	vadd.s32 v36, v5  }
0x8f: {  	v62 =	vld [tilespmem:s14+$0x500];
	v23 =	vadd.s32 v38, v23;
	v22 =	vadd.s32 v37, v22;
	v5 =	vadd.s32 v39, v5  }
0x90: {  	v63 =	vld [tilespmem:s14+$0x510];
	v6 =	vadd.s32 v6, v23;
	v22 =	vadd.s32 v40, v22;
	v5 =	vadd.s32 v7, v5  }
0x91: {  	v6 =	vadd.s32 v9, v6;
	v9 =	vld [tilespmem:s14+$0x520];
	v7 =	vadd.s32 v8, v22;
	v5 =	vadd.s32 v10, v5  }
0x92: {  	v6 =	vadd.s32 v12, v6;
	v7 =	vadd.s32 v11, v7;
	v11 =	vld [tilespmem:s14+$0x600];
	v5 =	vadd.s32 v13, v5  }
0x93: {  	v6 =	vadd.s32 v15, v6;
	v7 =	vadd.s32 v14, v7;
	v8 =	vadd.s32 v51, v5;
	v5 =	vld [tilespmem:s14+$0x610]  }
0x94: {  	v10 =	vadd.s32 v53, v6;
	v6 =	vld [tilespmem:s14+$0x620];
	v7 =	vadd.s32 v52, v7;
	v8 =	vadd.s32 v54, v8  }
0x95: {  	v10 =	vadd.s32 v58, v10;
	v12 =	vadd.s32 v55, v7;
	v7 =	vld [tilespmem:s14+$0x700];
	v8 =	vadd.s32 v59, v8  }
0x96: {  	s16 =	simm.s32 $0x0;
	s13 =	simm.s32 $0xFFFFFEF1;
	v10 =	vadd.s32 v61, v10;
	v12 =	vadd.s32 v60, v12;
	v13 =	vadd.s32 v62, v8;
	v8 =	vld [tilespmem:s14+$0x710]  }
0x97: {  	s15 =	simm.s32 $0x190F0;
	s17 =	simm.s32 $0x40;
	[tilespmem:s11+$0xFFFFFFE0] =	vst v20;
	v10 =	vadd.s32 v9, v10;
	v9 =	vld [tilespmem:s14+$0x720];
	v12 =	vadd.s32 v63, v12;
	s14 =	simm.s32 $0x18850;
	v11 =	vadd.s32 v11, v13  }
.LBB2_6:
0x98: {  	v13 =	vld [tilespmem:s14+$0xFFFFF7F0];
	s18 =	sand.u32 $0xC0, s17;
	s16 =	sadd.s32 $0x4, s16;
	v5 =	vadd.s32 v5, v12  }
0x99: {  	v12 =	vld [tilespmem:s18+$0x18100];
	p0 =	slt.u32 s16, $0xC;
	v6 =	vadd.s32 v6, v10  }
0x9a: {  	v10 =	vld [tilespmem:s18+$0x18200];
	v7 =	vadd.s32 v7, v11  }
0x9b: {  	v11 =	vld [tilespmem:s18+$0x18300];
	[tilespmem:s11+$0xFFFFFFF0] =	vst v7;
	v5 =	vadd.s32 v8, v5  }
0x9c: {  	v7 =	vld [tilespmem:s18+$0x18400];
	[tilespmem:s11+$0x0] =	vst v5;
	v5 =	vadd.s32 v9, v6  }
0x9d: {  	v6 =	vld [tilespmem:s18+$0x18500];
	[tilespmem:s11+$0x10] =	vst v5  }
0x9e: {  	v5 =	vadd.s32 v13, v12;
	v8 =	vld [tilespmem:s18+$0x18600]  }
0x9f: {  	v5 =	vadd.s32 v10, v5;
	v9 =	vld [tilespmem:s18+$0x18700]  }
0xa0: {  	v5 =	vadd.s32 v11, v5;
	v10 =	vld [tilespmem:s18+$0x18800]  }
0xa1: {  	v5 =	vadd.s32 v7, v5;
	v7 =	vld [tilespmem:s18+$0x18900]  }
0xa2: {  	v5 =	vadd.s32 v6, v5;
	v6 =	vld [tilespmem:s18+$0x18A00]  }
0xa3: {  	v5 =	vadd.s32 v8, v5;
	v8 =	vld [tilespmem:s18+$0x18B00]  }
0xa4: {  	v5 =	vadd.s32 v9, v5;
	v9 =	vld [tilespmem:s18+$0x18C00]  }
0xa5: {  	v5 =	vadd.s32 v10, v5;
	v10 =	vld [tilespmem:s18+$0x18D00]  }
0xa6: {  	v5 =	vadd.s32 v7, v5;
	v7 =	vld [tilespmem:s18+$0x18E00]  }
0xa7: {  	v5 =	vadd.s32 v6, v5;
	v6 =	vld [tilespmem:s18+$0x18F00]  }
0xa8: {  	v5 =	vadd.s32 v8, v5;
	v8 =	vld [tilespmem:s14+$0xFFFFF800]  }
0xa9: {  	v5 =	vadd.s32 v9, v5;
	v9 =	vld [tilespmem:s14+$0xFFFFF900]  }
0xaa: {  	v5 =	vadd.s32 v10, v5;
	v10 =	vld [tilespmem:s14+$0xFFFFF810]  }
0xab: {  	v5 =	vadd.s32 v7, v5;
	v7 =	vld [tilespmem:s14+$0xFFFFF910]  }
0xac: {  	s11 =	sadd.s32 $0x40, s11;
	v5 =	vadd.s32 v6, v5;
	v6 =	vld [tilespmem:s14+$0xFFFFF820]  }
0xad: {  	[tilespmem:s11+$0xFFFFFFE0] =	vst v5;
	v5 =	vld [tilespmem:s14+$0xFFFFF920]  }
0xae: {  	v8 =	vadd.s32 v8, v9;
	v9 =	vld [tilespmem:s14+$0xFFFFFA00]  }
0xaf: {  	v11 =	vld [tilespmem:s14+$0xFFFFFA10]  }
0xb0: {  	v7 =	vadd.s32 v10, v7;
	v10 =	vld [tilespmem:s14+$0xFFFFFA20]  }
0xb1: {  	v12 =	vld [tilespmem:s14+$0xFFFFFB00]  }
0xb2: {  	v13 =	vld [tilespmem:s14+$0xFFFFFB10];
	v5 =	vadd.s32 v6, v5  }
0xb3: {  	v6 =	vadd.s32 v9, v8;
	v8 =	vld [tilespmem:s14+$0xFFFFFB20]  }
0xb4: {  	v9 =	vld [tilespmem:s14+$0xFFFFFC00];
	v7 =	vadd.s32 v11, v7  }
0xb5: {  	v11 =	vld [tilespmem:s14+$0xFFFFFC10];
	v5 =	vadd.s32 v10, v5  }
0xb6: {  	v6 =	vadd.s32 v12, v6;
	v10 =	vld [tilespmem:s14+$0xFFFFFC20]  }
0xb7: {  	v12 =	vld [tilespmem:s14+$0xFFFFFD00];
	v7 =	vadd.s32 v13, v7  }
0xb8: {  	v13 =	vld [tilespmem:s14+$0xFFFFFD10];
	v5 =	vadd.s32 v8, v5  }
0xb9: {  	v6 =	vadd.s32 v9, v6;
	v8 =	vld [tilespmem:s14+$0xFFFFFD20]  }
0xba: {  	v9 =	vld [tilespmem:s14+$0xFFFFFE00];
	v7 =	vadd.s32 v11, v7  }
0xbb: {  	v11 =	vld [tilespmem:s14+$0xFFFFFE10];
	v5 =	vadd.s32 v10, v5  }
0xbc: {  	v6 =	vadd.s32 v12, v6;
	v10 =	vld [tilespmem:s14+$0xFFFFFE20]  }
0xbd: {  	v12 =	vld [tilespmem:s14+$0xFFFFFF00];
	v7 =	vadd.s32 v13, v7  }
0xbe: {  	v13 =	vld [tilespmem:s14+$0xFFFFFF10];
	v5 =	vadd.s32 v8, v5  }
0xbf: {  	v6 =	vadd.s32 v9, v6;
	v8 =	vld [tilespmem:s14+$0xFFFFFF20]  }
0xc0: {  	v9 =	vld [tilespmem:s14+$0x0];
	v7 =	vadd.s32 v11, v7  }
0xc1: {  	v11 =	vld [tilespmem:s14+$0x10];
	v5 =	vadd.s32 v10, v5  }
0xc2: {  	v6 =	vadd.s32 v12, v6;
	v10 =	vld [tilespmem:s14+$0x20]  }
0xc3: {  	v12 =	vld [tilespmem:s14+$0x100];
	v7 =	vadd.s32 v13, v7  }
0xc4: {  	v13 =	vld [tilespmem:s14+$0x110];
	v5 =	vadd.s32 v8, v5  }
0xc5: {  	v6 =	vadd.s32 v9, v6;
	v8 =	vld [tilespmem:s14+$0x120]  }
0xc6: {  	v9 =	vld [tilespmem:s14+$0x200];
	v7 =	vadd.s32 v11, v7  }
0xc7: {  	v11 =	vld [tilespmem:s14+$0x210];
	v5 =	vadd.s32 v10, v5  }
0xc8: {  	v6 =	vadd.s32 v12, v6;
	v10 =	vld [tilespmem:s14+$0x220]  }
0xc9: {  	v12 =	vld [tilespmem:s14+$0x300];
	v7 =	vadd.s32 v13, v7  }
0xca: {  	v13 =	vld [tilespmem:s14+$0x310];
	v5 =	vadd.s32 v8, v5  }
0xcb: {  	v6 =	vadd.s32 v9, v6;
	v8 =	vld [tilespmem:s14+$0x320]  }
0xcc: {  	v9 =	vld [tilespmem:s14+$0x400];
	v7 =	vadd.s32 v11, v7  }
0xcd: {  	v11 =	vld [tilespmem:s14+$0x410];
	v5 =	vadd.s32 v10, v5  }
0xce: {  	v6 =	vadd.s32 v12, v6;
	v10 =	vld [tilespmem:s14+$0x420]  }
0xcf: {  	v12 =	vld [tilespmem:s14+$0x500];
	v7 =	vadd.s32 v13, v7  }
0xd0: {  	v13 =	vld [tilespmem:s14+$0x510];
	v8 =	vadd.s32 v8, v5  }
0xd1: {  	v6 =	vadd.s32 v9, v6;
	v9 =	vld [tilespmem:s14+$0x520]  }
0xd2: {  	v14 =	vld [tilespmem:s14+$0x600];
	v11 =	vadd.s32 v11, v7  }
.Ltmp2:
0xd3: {  	v5 =	vld [tilespmem:s14+$0x610];
	v10 =	vadd.s32 v10, v8;
	(pc) =	sbr.rel @p0 .LBB2_6-.Ltmp2, $4  }
0xd4: {  	v15 =	vadd.s32 v12, v6;
	v6 =	vld [tilespmem:s14+$0x620]  }
0xd5: {  	v7 =	vld [tilespmem:s14+$0x700];
	v12 =	vadd.s32 v13, v11  }
0xd6: {  	v8 =	vld [tilespmem:s14+$0x710];
	v10 =	vadd.s32 v9, v10  }
0xd7: {  	s17 =	sadd.s32 $0x40, s17;
	v11 =	vadd.s32 v14, v15;
	v9 =	vld [tilespmem:s14+$0x720];
	s14 =	sadd.s32 $0x40, s14  }
0xd8: {  	_ =	sdelay $0x1  }
0xd9: {  	v5 =	vadd.s32 v5, v12;
	v7 =	vadd.s32 v7, v11  }
0xda: {  	v6 =	vadd.s32 v6, v10;
	[tilespmem:s11+$0xFFFFFFF0] =	vst v7;
	v5 =	vadd.s32 v8, v5  }
0xdb: {  	[tilespmem:s11+$0x0] =	vst v5;
	v5 =	vadd.s32 v9, v6  }
0xdc: {  	[tilespmem:s11+$0x10] =	vst v5  }
.LBB2_8:
0xdd: {  	v7 =	vld [tilespmem:s15+$0x0];
	_ =	sdelay $0x4  }
0xde: {  	v5 =	vperm.xlane v7, v4;
	_ =	sdelay $0x1  }
0xdf: {  	(xrf0) =	vadd.scan.msk.s32 $0xffff, v5;
	_ =	sdelay $0x5  }
0xe0: {  	v6, _, _ =	vpop (xrf0)  }
0xe1: {  	v6 =	vadd.s32 s12, v6  }
0xe2: {  	vm0 =	vgt.s32 v6, $0x3FF  }
0xe3: {  	v8 =	vsel vm0, $0x1, v1  }
0xe4: {  	(xrf0) =	vadd.scan.msk.s32 $0xffff, v8;
	_ =	sdelay $0x5  }
0xe5: {  	(xrf0) =	vadd.scan.msk.s32 $0xffff, v7;
	v7, _, _ =	vpop (xrf0)  }
0xe6: {  	(v2sf) =	vpush v7, $0xF;
	_ =	sdelay $0x4  }
0xe7: {  	v8, _, _ =	vpop (xrf0)  }
0xe8: {  	(v2sf) =	vpush v8, $0xF;
	_ =	sdelay $0x8  }
0xe9: {  	p0 =	seq.s32 s13, $0xFFFFFFE1;
	s11 =	spop (v2sf)  }
0xea: {  	p1 =	sgt.s32 @!p0 s11, $0x0  }
0xeb: {  	p1 =	por p0, p1  }
.Ltmp3:
0xec: {  	_ = 	snop;
	(pc) =	sbr.rel @!p1 .LBB2_8-.Ltmp3, $3  }
0xed: {  	_ =	sdelay $0x1  }
0xee: {  	s14 =	spop (v2sf)  }
0xef: {  	s13 =	sadd.s32 $0x10, s13;
	s15 =	sadd.s32 $0xFFFFFFF0, s15;
	s12 =	sadd.s32 s12, s14  }
0xf0: {  	s12 =	simm.s32 $0x18040;
	s14 =	simm.s32 $0xFFFFFFF8  }
0xf1: {  	s12 =	simm.s32 @p0 $0x18040;
	s14 =	simm.s32 @p0 $0xFFFFFFF8  }
0xf2: {  	[tilespmem:s12+$0xFFFFFFC0] =	vst v1;
	s14 =	sadd.s32 $0x8, s14  }
0xf3: {  	[tilespmem:s12+$0x30] =	vst v1;
	p0 =	slt.u32 s14, $0xF8  }
.Ltmp4:
0xf4: {  	[tilespmem:s12+$0x20] =	vst v1;
	(pc) =	sbr.rel @!p0 .LBB2_11-.Ltmp4, $4  }
0xf5: {  	[tilespmem:s12+$0x10] =	vst v1  }
0xf6: {  	[tilespmem:s12+$0x0] =	vst v1  }
0xf7: {  	[tilespmem:s12+$0xFFFFFFF0] =	vst v1  }
0xf8: {  	[tilespmem:s12+$0xFFFFFFE0] =	vst v1  }
.LBB2_10:
0xf9: {  	s14 =	sadd.s32 $0x8, s14;
	[tilespmem:s12+$0xFFFFFFD0] =	vst v1;
	s12 =	sadd.s32 $0x80, s12  }
0xfa: {  	[tilespmem:s12+$0xFFFFFFC0] =	vst v1;
	p0 =	slt.u32 s14, $0xF8  }
0xfb: {  	[tilespmem:s12+$0x30] =	vst v1  }
.Ltmp5:
0xfc: {  	[tilespmem:s12+$0x20] =	vst v1;
	(pc) =	sbr.rel @p0 .LBB2_10-.Ltmp5, $4  }
0xfd: {  	[tilespmem:s12+$0x10] =	vst v1  }
0xfe: {  	[tilespmem:s12+$0x0] =	vst v1  }
0xff: {  	[tilespmem:s12+$0xFFFFFFF0] =	vst v1  }
0x100: {  	[tilespmem:s12+$0xFFFFFFE0] =	vst v1  }
.LBB2_11:
0x101: {  	vm1 =	veq.s32 v7, $0x1  }
0x102: {  	vm0 =	vmand vm0, vm1  }
0x103: {  	v7 =	vnsel vm0, $0x0, v0  }
0x104: {  	(xrf0) =	vadd.scan.msk.s32 $0xffff, v7;
	_ =	sdelay $0x5  }
0x105: {  	v7, _, _ =	vpop (xrf0)  }
0x106: {  	(v2sf) =	vpush v7, $0xF;
	_ =	sdelay $0x8  }
0x107: {  	[tilespmem:s12+$0xFFFFFFD0] =	vst v1;
	s31 =	simm.s32 $0x8040  }
0x108: {  	v14 =	vld [tilespmem:s31+$0xFFFFFFC0]  }
0x109: {  	v10 =	vld [tilespmem:s31+$0x20]  }
0x10a: {  	v11 =	vld [tilespmem:s31+$0xFFFFFFE0]  }
0x10b: {  	v8 =	vld [tilespmem:s31+$0x10]  }
0x10c: {  	v13 =	vld [tilespmem:s31+$0xFFFFFFD0]  }
0x10d: {  	s30 =	spop (v2sf)  }
0x10e: {  	s12 =	sadd.s32 s13, s30  }
0x10f: {  	p0 =	sgt.s32 s11, $0x0;
	v18 =	vimm.s32 $0x0;
	v9 =	vshrl.u32 v14, $0x18;
	v7 =	vld [tilespmem:s31+$0x30];
	s11 =	ssub.s32 $0x0, s12  }
0x110: {  	v23 =	vshrl.u32 v10, $0x10;
	v19 =	vshrl.u32 v11, $0x18;
	v20 =	vshrl.u32 v8, $0x18;
	s11 =	simm.s32 @!p0 $0x0  }
0x111: {  	v21 =	vshrl.u32 v10, $0x18;
	v25 =	vshrl.u32 v13, $0x18;
	v15 =	vmov s11  }
0x112: {  	v26 =	vshrl.u32 v13, $0x10;
	v33 =	vshrl.u32 v11, $0x10;
	vm3 =	veq.s32 v9, v15  }
0x113: {  	v23 =	vand.u32 $0xFF, v23;
	v31 =	vand.u32 $0xFF, v26;
	v12 =	vsel vm3, $0x1, v1  }
0x114: {  	v30 =	vor.u32 v2, v23;
	v24 =	vshrl.u32 v7, $0x18;
	v16 =	vshrl.u32 v7, $0x10;
	(xrf0) =	vadd.scan.msk.s32 $0xffff, v12  }
0x115: {  	v9 =	vld [tilespmem:s31+$0xFFFFFFF0];
	vm1 =	veq.s32 v19, v15;
	v19 =	vshrl.u32 v8, $0x10;
	vm6 =	veq.s32 v21, v15  }
0x116: {  	vm2 =	veq.s32 v20, v15;
	vm5 =	veq.s32 v25, v15;
	v19 =	vand.u32 $0xFF, v19;
	v12 =	vld [tilespmem:s31+$0x0]  }
0x117: {  	vm4 =	veq.s32 v24, v15;
	v17 =	vmpcnt.ones.xlane vm3;
	v32 =	vor.u32 v2, v19  }
0x118: {  	v20 =	vsel vm6, $0x1, v1;
	v28 =	vsel vm2, $0x1, v1;
	v26 =	vmpcnt.ones.xlane vm5  }
0x119: {  	v22 =	vmpcnt.ones.xlane vm1;
	v34 =	vsel vm1, $0x1, v1;
	v17 =	vadd.s32 v18, v17;
	(xrf0) =	vadd.scan.msk.s32 $0xffff, v20  }
0x11a: {  	v19 =	vmpcnt.ones.xlane vm6;
	v24 =	vadd.s32 v17, v26;
	v27 =	vshrl.u32 v9, $0x18;
	v21, _, _ =	vpop (xrf0);
	(xrf0) =	vadd.scan.msk.s32 $0xffff, v28  }
0x11b: {  	vm11 =	veq.s32 v27, v15;
	v27 =	vsel vm5, $0x1, v1;
	v29 =	vshrl.u32 v12, $0x18  }
0x11c: {  	[tilespmem:v32+s7+$0x0] =	vst.idx.add.s32.msk vm2, v3;
	v32 =	vand.u32 $0xFF, v33;
	vm10 =	veq.s32 v29, v15;
	(xrf0) =	vadd.scan.msk.s32 $0xffff, v27  }
0x11d: {  	v28 =	vsel vm11, $0x1, v1;
	v18 =	vadd.s32 v21, v18;
	v21 =	vmpcnt.ones.xlane vm2  }
0x11e: {  	v27 =	vshrl.u32 v14, $0x10;
	v20 =	vadd.s32 $0xFFFFFFFF, v18;
	v18 =	vshrl.u32 v12, $0x10  }
0x11f: {  	v25 =	vsel vm10, $0x1, v1;
	v23, _, _ =	vpop (xrf0);
	v27 =	vand.u32 $0xFF, v27;
	v18 =	vand.u32 $0xFF, v18  }
0x120: {  	s14 =	simm.s32 $0x80C0;
	s13 =	simm.s32 $0x0;
	(xrf0) =	vadd.scan.msk.s32 $0xffff, v34;
	v29 =	vor.u32 v2, v27;
	v27 =	vshrl.u32 v9, $0x10;
	v18 =	vor.u32 v2, v18;
	v26, _, _ =	vpop (xrf0)  }
.LBB2_12:
0x121: {  	s13 =	sadd.s32 $0x8, s13;
	[tilespmem:v30+s7+$0x0] =	vst.idx.add.s32.msk vm6, v3;
	vm9 =	vmmov vm6;
	vm8 =	vmmov vm11;
	vm7 =	vmmov vm10  }
0x122: {  	v31 =	vor.u32 v2, v31;
	v34 =	vsel vm4, $0x1, v1;
	v30 =	vld [tilespmem:s14+$0x20];
	p1 =	slt.u32 s13, $0x7F8;
	v33 =	vmpcnt.ones.xlane vm8;
	v35, _, _ =	vpop (xrf0)  }
0x123: {  	v22 =	vadd.s32 v24, v22;
	v36 =	vld [tilespmem:s14+$0xFFFFFFC0];
	v17 =	vadd.s32 v35, v17;
	v35 =	vmpcnt.ones.xlane vm7;
	(xrf0) =	vadd.scan.msk.s32 $0xffff, v34  }
0x124: {  	v32 =	vor.u32 v2, v32;
	v16 =	vand.u32 $0xFF, v16;
	v34 =	vld [tilespmem:s14+$0x30];
	v33 =	vadd.s32 v22, v33;
	(xrf0) =	vadd.scan.msk.s32 $0xffff, v25  }
0x125: {  	v17 =	vadd.s32 $0xFFFFFFFF, v17;
	[tilespmem:v29+s7+$0x0] =	vst.idx.add.s32.msk vm3, v3;
	v25 =	vadd.s32 v33, v35;
	v29 =	vor.u32 v2, v16  }
0x126: {  	v27 =	vand.u32 $0xFF, v27;
	v35 =	vld [tilespmem:s14+$0x10];
	v26 =	vadd.s32 v26, v25;
	v16 =	vadd.s32 v25, v21;
	v21, _, _ =	vpop (xrf0);
	(xrf0) =	vadd.scan.msk.s32 $0xffff, v28  }
0x127: {  	v28 =	vmpcnt.ones.xlane vm4;
	v25 =	vshrl.u32 v30, $0x10;
	[tilespmem:v31+s7+$0x0] =	vst.idx.add.s32.msk vm5, v3;
	v19 =	vadd.s32 v16, v19  }
0x128: {  	v38 =	vadd.s32 v21, v24;
	v39 =	vshrl.u32 v36, $0x18;
	v37 =	vld [tilespmem:s14+$0xFFFFFFE0];
	[tilespmem:v20+s9+$0x0] =	vst.idx.msk vm3, v14;
	v20 =	vadd.s32 v23, v16  }
0x129: {  	v21 =	vadd.s32 $0xFFFFFFFF, v38;
	vm3 =	veq.s32 v39, v15;
	v24 =	vshrl.u32 v34, $0x18;
	[tilespmem:v32+s7+$0x0] =	vst.idx.add.s32.msk vm1, v3;
	v14, _, _ =	vpop (xrf0)  }
0x12a: {  	v28 =	vadd.s32 v19, v28;
	v16 =	vshrl.u32 v34, $0x10;
	v23 =	vmpcnt.ones.xlane vm3;
	[tilespmem:v17+s9+$0x0] =	vst.idx.msk vm5, v13;
	v13 =	vld [tilespmem:s14+$0xFFFFFFD0];
	v31, _, _ =	vpop (xrf0)  }
0x12b: {  	v26 =	vadd.s32 $0xFFFFFFFF, v26;
	v38 =	vsel vm3, $0x1, v1;
	v19 =	vadd.s32 v14, v19;
	v14 =	vmovc v36;
	v32 =	vld [tilespmem:s14+$0xFFFFFFF0]  }
0x12c: {  	v20 =	vadd.s32 $0xFFFFFFFF, v20;
	(xrf0) =	vadd.scan.msk.s32 $0xffff, v38;
	[tilespmem:v29+s7+$0x0] =	vst.idx.add.s32.msk vm4, v3;
	v29 =	vadd.s32 $0xFFFFFFFF, v19;
	v17, _, _ =	vpop (xrf0)  }
0x12d: {  	v36 =	vshrl.u32 v35, $0x18;
	v19 =	vshrl.u32 v37, $0x18;
	v22 =	vadd.s32 v17, v22;
	[tilespmem:v18+s7+$0x0] =	vst.idx.add.s32.msk vm7, v3  }
0x12e: {  	v17 =	vadd.s32 v28, v23;
	v18 =	vshrl.u32 v30, $0x18;
	v38 =	vld [tilespmem:s14+$0x0];
	[tilespmem:v21+s9+$0x0] =	vst.idx.msk vm1, v11;
	v21 =	vadd.s32 v31, v33  }
0x12f: {  	vm1 =	veq.s32 v19, v15;
	v31 =	vadd.s32 $0xFFFFFFFF, v22;
	v11 =	vmovc v37;
	v23 =	vshrl.u32 v13, $0x18  }
0x130: {  	v19 =	vshrl.u32 v35, $0x10;
	vm6 =	veq.s32 v18, v15;
	v33 =	vshrl.u32 v13, $0x10;
	[tilespmem:v26+s9+$0x0] =	vst.idx.msk vm2, v8;
	v8 =	vmovc v35  }
0x131: {  	v18 =	vsel vm6, $0x1, v1;
	vm2 =	veq.s32 v36, v15;
	v26 =	vor.u32 v2, v27;
	[tilespmem:v20+s9+$0x0] =	vst.idx.msk vm9, v10  }
0x132: {  	v27 =	vshrl.u32 v32, $0x18;
	v36 =	vand.u32 $0xFF, v19;
	v19 =	vsel vm2, $0x1, v1;
	v20, _, _ =	vpop (xrf0);
	(xrf0) =	vadd.scan.msk.s32 $0xffff, v18  }
0x133: {  	v22 =	vmpcnt.ones.xlane vm1;
	v35 =	vor.u32 v2, v36;
	v10 =	vmovc v30;
	v18 =	vshrl.u32 v38, $0x18;
	(xrf0) =	vadd.scan.msk.s32 $0xffff, v19  }
0x134: {  	v20 =	vadd.s32 v20, v28;
	v19 =	vmpcnt.ones.xlane vm6;
	v28 =	vadd.s32 $0xFFFFFFFF, v21;
	[tilespmem:v29+s9+$0x0] =	vst.idx.msk vm4, v7;
	v7 =	vmovc v34  }
0x135: {  	vm5 =	veq.s32 v23, v15;
	v21 =	vmpcnt.ones.xlane vm2;
	v20 =	vadd.s32 $0xFFFFFFFF, v20  }
0x136: {  	vm11 =	veq.s32 v27, v15;
	v34 =	vshrl.u32 v11, $0x10;
	vm10 =	veq.s32 v18, v15;
	[tilespmem:v26+s7+$0x0] =	vst.idx.add.s32.msk vm8, v3  }
0x137: {  	v36 =	vand.u32 $0xFF, v25;
	v18 =	vsel vm5, $0x1, v1;
	v29 =	vshrl.u32 v38, $0x10;
	[tilespmem:v31+s9+$0x0] =	vst.idx.msk vm8, v9;
	v9 =	vmovc v32  }
.Ltmp6:
0x138: {  	v30 =	vor.u32 v2, v36;
	v27 =	vand.u32 $0xFF, v29;
	v25 =	vsel vm10, $0x1, v1;
	(xrf0) =	vadd.scan.msk.s32 $0xffff, v18;
	v23, _, _ =	vpop (xrf0);
	(pc) =	sbr.rel @p1 .LBB2_12-.Ltmp6, $4  }
0x139: {  	v29 =	vmpcnt.ones.xlane vm5;
	v31 =	vand.u32 $0xFF, v33;
	v18 =	vor.u32 v2, v27;
	v26, _, _ =	vpop (xrf0);
	[tilespmem:v28+s9+$0x0] =	vst.idx.msk vm7, v12  }
0x13a: {  	vm4 =	veq.s32 v24, v15;
	v33 =	vsel vm1, $0x1, v1;
	v27 =	vshrl.u32 v14, $0x10;
	v12 =	vmovc v38  }
0x13b: {  	v24 =	vadd.s32 v17, v29;
	v27 =	vand.u32 $0xFF, v27;
	v28 =	vsel vm11, $0x1, v1;
	[tilespmem:v35+s7+$0x0] =	vst.idx.add.s32.msk vm2, v3  }
0x13c: {  	s15 =	simm.s32 $0x0;
	s12 =	simm.s32 $0x19020;
	s14 =	sadd.s32 $0x80, s14;
	v32 =	vand.u32 $0xFF, v34;
	v29 =	vor.u32 v2, v27;
	v27 =	vshrl.u32 v9, $0x10;
	(xrf0) =	vadd.scan.msk.s32 $0xffff, v33  }
0x13d: {  	_ =	sdelay $0x3  }
0x13e: {  	vm7 =	vmmov vm11;
	v15 =	vor.u32 v2, v31;
	v42 =	vsel vm4, $0x1, v1  }
0x13f: {  	[tilespmem:v30+s7+$0x0] =	vst.idx.add.s32.msk vm6, v3;
	vm8 =	vmmov vm10;
	v22 =	vadd.s32 v24, v22;
	v33, _, _ =	vpop (xrf0);
	(xrf0) =	vadd.scan.msk.s32 $0xffff, v42  }
0x140: {  	v44 =	vor.u32 v2, v32;
	v43 =	vmpcnt.ones.xlane vm7;
	v17 =	vadd.s32 v33, v17;
	(xrf0) =	vadd.scan.msk.s32 $0xffff, v25  }
0x141: {  	v16 =	vand.u32 $0xFF, v16;
	v45 =	vmpcnt.ones.xlane vm8;
	v17 =	vadd.s32 $0xFFFFFFFF, v17;
	(xrf0) =	vadd.scan.msk.s32 $0xffff, v28  }
0x142: {  	[tilespmem:v29+s7+$0x0] =	vst.idx.add.s32.msk vm3, v3;
	v16 =	vor.u32 v2, v16;
	v30 =	vadd.s32 v22, v43;
	v46, _, _ =	vpop (xrf0)  }
0x143: {  	v25 =	vadd.s32 v30, v45;
	[tilespmem:v15+s7+$0x0] =	vst.idx.add.s32.msk vm5, v3;
	v15 =	vadd.s32 v46, v24  }
0x144: {  	v52 =	vand.u32 $0xFF, v27;
	[tilespmem:v20+s9+$0x0] =	vst.idx.msk vm3, v14;
	v47 =	vadd.s32 v26, v25;
	v14 =	vadd.s32 $0xFFFFFFFF, v15  }
0x145: {  	[tilespmem:v18+s7+$0x0] =	vst.idx.add.s32.msk vm10, v3;
	v54 =	vor.u32 v2, v52;
	v21 =	vadd.s32 v25, v21;
	v50 =	vadd.s32 $0xFFFFFFFF, v47;
	v49, _, _ =	vpop (xrf0)  }
0x146: {  	vm15 =	vmmov vm6;
	v48 =	vadd.s32 v23, v21;
	v15 =	vadd.s32 v21, v19;
	[tilespmem:v17+s9+$0x0] =	vst.idx.msk vm5, v13;
	v13, _, _ =	vpop (xrf0)  }
0x147: {  	[tilespmem:v44+s7+$0x0] =	vst.idx.add.s32.msk vm1, v3;
	v51 =	vadd.s32 $0xFFFFFFFF, v48;
	v15 =	vadd.s32 v49, v15;
	v53, _, _ =	vpop (xrf0)  }
0x148: {  	[tilespmem:v16+s7+$0x0] =	vst.idx.add.s32.msk vm4, v3;
	v15 =	vadd.s32 $0xFFFFFFFF, v15;
	v16 =	vadd.s32 v53, v22  }
0x149: {  	[tilespmem:v14+s9+$0x0] =	vst.idx.msk vm1, v11;
	v11 =	vadd.s32 v13, v30;
	v13 =	vadd.s32 $0xFFFFFFFF, v16  }
0x14a: {  	[tilespmem:v50+s9+$0x0] =	vst.idx.msk vm2, v8;
	v8 =	vadd.s32 $0xFFFFFFFF, v11  }
0x14b: {  	[tilespmem:v54+s7+$0x0] =	vst.idx.add.s32.msk vm11, v3  }
0x14c: {  	[tilespmem:v51+s9+$0x0] =	vst.idx.msk vm15, v10  }
0x14d: {  	[tilespmem:v15+s9+$0x0] =	vst.idx.msk vm4, v7  }
0x14e: {  	[tilespmem:v13+s9+$0x0] =	vst.idx.msk vm7, v9  }
0x14f: {  	s14 =	simm.s32 $0x18810;
	[tilespmem:v8+s9+$0x0] =	vst.idx.msk vm10, v12  }
0x150: {  	s13 =	sand.u32 $0xC0, s15;
	v7 =	vld [tilespmem:s14+$0xFFFFF7F0]  }
0x151: {  	v8 =	vld [tilespmem:s13+$0x18100]  }
0x152: {  	v9 =	vld [tilespmem:s13+$0x18200]  }
0x153: {  	v10 =	vld [tilespmem:s13+$0x18300]  }
0x154: {  	v11 =	vld [tilespmem:s13+$0x18400]  }
0x155: {  	v12 =	vld [tilespmem:s13+$0x18500]  }
0x156: {  	v13 =	vld [tilespmem:s13+$0x18600]  }
0x157: {  	v14 =	vld [tilespmem:s13+$0x18700]  }
0x158: {  	v15 =	vld [tilespmem:s13+$0x18800]  }
0x159: {  	v55 =	vld [tilespmem:s13+$0x18900]  }
0x15a: {  	v17 =	vld [tilespmem:s13+$0x18A00]  }
0x15b: {  	v18 =	vld [tilespmem:s13+$0x18B00]  }
0x15c: {  	v56 =	vld [tilespmem:s13+$0x18C00]  }
0x15d: {  	v57 =	vld [tilespmem:s13+$0x18D00]  }
0x15e: {  	v21 =	vld [tilespmem:s13+$0x18E00]  }
0x15f: {  	v58 =	vld [tilespmem:s13+$0x18F00]  }
0x160: {  	v59 =	vld [tilespmem:s14+$0xFFFFF800]  }
0x161: {  	v60 =	vld [tilespmem:s14+$0xFFFFF900]  }
0x162: {  	v61 =	vld [tilespmem:s14+$0xFFFFF810]  }
0x163: {  	v62 =	vld [tilespmem:s14+$0xFFFFF910]  }
0x164: {  	v63 =	vld [tilespmem:s14+$0xFFFFF820]  }
0x165: {  	v45 =	vld [tilespmem:s14+$0xFFFFF920]  }
0x166: {  	v29 =	vld [tilespmem:s14+$0xFFFFFA00]  }
0x167: {  	v46 =	vld [tilespmem:s14+$0xFFFFFA10]  }
0x168: {  	v31 =	vld [tilespmem:s14+$0xFFFFFA20]  }
0x169: {  	v47 =	vld [tilespmem:s14+$0xFFFFFB00]  }
0x16a: {  	v48 =	vld [tilespmem:s14+$0xFFFFFB10]  }
0x16b: {  	v34 =	vld [tilespmem:s14+$0xFFFFFB20]  }
0x16c: {  	v35 =	vld [tilespmem:s14+$0xFFFFFC00]  }
0x16d: {  	v36 =	vld [tilespmem:s14+$0xFFFFFC10]  }
0x16e: {  	v37 =	vld [tilespmem:s14+$0xFFFFFC20]  }
0x16f: {  	v38 =	vld [tilespmem:s14+$0xFFFFFD00]  }
0x170: {  	v39 =	vld [tilespmem:s14+$0xFFFFFD10]  }
0x171: {  	v40 =	vld [tilespmem:s14+$0xFFFFFD20]  }
0x172: {  	v41 =	vld [tilespmem:s14+$0xFFFFFE00]  }
0x173: {  	v42 =	vld [tilespmem:s14+$0xFFFFFE10]  }
0x174: {  	v49 =	vld [tilespmem:s14+$0x110];
	v7 =	vadd.s32 v7, v8  }
0x175: {  	v50 =	vld [tilespmem:s14+$0x120];
	v7 =	vadd.s32 v9, v7  }
0x176: {  	v51 =	vld [tilespmem:s14+$0x200];
	v7 =	vadd.s32 v10, v7  }
0x177: {  	v52 =	vld [tilespmem:s14+$0x210];
	v7 =	vadd.s32 v11, v7  }
0x178: {  	v53 =	vld [tilespmem:s14+$0x220];
	v7 =	vadd.s32 v12, v7  }
0x179: {  	v54 =	vld [tilespmem:s14+$0x300];
	v7 =	vadd.s32 v13, v7  }
0x17a: {  	v8 =	vld [tilespmem:s14+$0xFFFFFE20];
	v7 =	vadd.s32 v14, v7  }
0x17b: {  	v9 =	vld [tilespmem:s14+$0xFFFFFF00];
	v7 =	vadd.s32 v15, v7  }
0x17c: {  	v10 =	vld [tilespmem:s14+$0xFFFFFF10];
	v7 =	vadd.s32 v55, v7  }
0x17d: {  	v11 =	vld [tilespmem:s14+$0xFFFFFF20];
	v7 =	vadd.s32 v17, v7  }
0x17e: {  	v12 =	vld [tilespmem:s14+$0x0];
	v7 =	vadd.s32 v18, v7  }
0x17f: {  	v13 =	vld [tilespmem:s14+$0x10];
	v7 =	vadd.s32 v56, v7  }
0x180: {  	v14 =	vld [tilespmem:s14+$0x20];
	v7 =	vadd.s32 v57, v7  }
0x181: {  	v15 =	vld [tilespmem:s14+$0x100];
	v7 =	vadd.s32 v21, v7  }
0x182: {  	v55 =	vld [tilespmem:s14+$0x310];
	v22 =	vadd.s32 v58, v7;
	v7 =	vadd.s32 v59, v60  }
0x183: {  	v56 =	vadd.s32 v61, v62;
	v61 =	vld [tilespmem:s14+$0x420];
	v57 =	vadd.s32 v63, v45;
	v7 =	vadd.s32 v29, v7  }
0x184: {  	v62 =	vld [tilespmem:s14+$0x500];
	v24 =	vadd.s32 v46, v56;
	v25 =	vadd.s32 v31, v57;
	v7 =	vadd.s32 v47, v7  }
0x185: {  	v63 =	vld [tilespmem:s14+$0x510];
	v24 =	vadd.s32 v48, v24;
	v25 =	vadd.s32 v34, v25;
	v7 =	vadd.s32 v35, v7  }
0x186: {  	v58 =	vld [tilespmem:s14+$0x320];
	v24 =	vadd.s32 v36, v24;
	v25 =	vadd.s32 v37, v25;
	v7 =	vadd.s32 v38, v7  }
0x187: {  	v59 =	vld [tilespmem:s14+$0x400];
	v24 =	vadd.s32 v39, v24;
	v25 =	vadd.s32 v40, v25;
	v7 =	vadd.s32 v41, v7  }
0x188: {  	v60 =	vld [tilespmem:s14+$0x410];
	v24 =	vadd.s32 v42, v24;
	v8 =	vadd.s32 v8, v25;
	v7 =	vadd.s32 v9, v7  }
0x189: {  	v8 =	vadd.s32 v11, v8;
	v11 =	vld [tilespmem:s14+$0x520];
	v9 =	vadd.s32 v10, v24;
	v7 =	vadd.s32 v12, v7  }
0x18a: {  	v8 =	vadd.s32 v14, v8;
	v14 =	vld [tilespmem:s14+$0x600];
	v9 =	vadd.s32 v13, v9;
	v7 =	vadd.s32 v15, v7  }
0x18b: {  	v8 =	vadd.s32 v50, v8;
	v9 =	vadd.s32 v49, v9;
	v10 =	vadd.s32 v51, v7;
	v7 =	vld [tilespmem:s14+$0x610]  }
0x18c: {  	v12 =	vadd.s32 v53, v8;
	v8 =	vld [tilespmem:s14+$0x620];
	v9 =	vadd.s32 v52, v9;
	v10 =	vadd.s32 v54, v10  }
0x18d: {  	v12 =	vadd.s32 v58, v12;
	v13 =	vadd.s32 v55, v9;
	v9 =	vld [tilespmem:s14+$0x700];
	v10 =	vadd.s32 v59, v10  }
0x18e: {  	v12 =	vadd.s32 v61, v12;
	v13 =	vadd.s32 v60, v13;
	v15 =	vadd.s32 v62, v10;
	v10 =	vld [tilespmem:s14+$0x710]  }
0x18f: {  	s15 =	simm.s32 $0x40;
	s13 =	simm.s32 $0x0;
	[tilespmem:s12+$0xFFFFFFE0] =	vst v22;
	v12 =	vadd.s32 v11, v12;
	v11 =	vld [tilespmem:s14+$0x720];
	v13 =	vadd.s32 v63, v13;
	s14 =	simm.s32 $0x18850;
	v14 =	vadd.s32 v14, v15  }
.LBB2_14:
0x190: {  	v15 =	vld [tilespmem:s14+$0xFFFFF7F0];
	s16 =	sand.u32 $0xC0, s15;
	s13 =	sadd.s32 $0x4, s13;
	v7 =	vadd.s32 v7, v13  }
0x191: {  	v13 =	vld [tilespmem:s16+$0x18100];
	p1 =	slt.u32 s13, $0xC;
	v8 =	vadd.s32 v8, v12  }
0x192: {  	v12 =	vld [tilespmem:s16+$0x18200];
	v9 =	vadd.s32 v9, v14  }
0x193: {  	v14 =	vld [tilespmem:s16+$0x18300];
	[tilespmem:s12+$0xFFFFFFF0] =	vst v9;
	v7 =	vadd.s32 v10, v7  }
0x194: {  	v9 =	vld [tilespmem:s16+$0x18400];
	[tilespmem:s12+$0x0] =	vst v7;
	v7 =	vadd.s32 v11, v8  }
0x195: {  	v8 =	vld [tilespmem:s16+$0x18500];
	[tilespmem:s12+$0x10] =	vst v7  }
0x196: {  	v7 =	vadd.s32 v15, v13;
	v10 =	vld [tilespmem:s16+$0x18600]  }
0x197: {  	v7 =	vadd.s32 v12, v7;
	v11 =	vld [tilespmem:s16+$0x18700]  }
0x198: {  	v7 =	vadd.s32 v14, v7;
	v12 =	vld [tilespmem:s16+$0x18800]  }
0x199: {  	v7 =	vadd.s32 v9, v7;
	v9 =	vld [tilespmem:s16+$0x18900]  }
0x19a: {  	v7 =	vadd.s32 v8, v7;
	v8 =	vld [tilespmem:s16+$0x18A00]  }
0x19b: {  	v7 =	vadd.s32 v10, v7;
	v10 =	vld [tilespmem:s16+$0x18B00]  }
0x19c: {  	v7 =	vadd.s32 v11, v7;
	v11 =	vld [tilespmem:s16+$0x18C00]  }
0x19d: {  	v7 =	vadd.s32 v12, v7;
	v12 =	vld [tilespmem:s16+$0x18D00]  }
0x19e: {  	v7 =	vadd.s32 v9, v7;
	v9 =	vld [tilespmem:s16+$0x18E00]  }
0x19f: {  	v7 =	vadd.s32 v8, v7;
	v8 =	vld [tilespmem:s16+$0x18F00]  }
0x1a0: {  	v7 =	vadd.s32 v10, v7;
	v10 =	vld [tilespmem:s14+$0xFFFFF800]  }
0x1a1: {  	v7 =	vadd.s32 v11, v7;
	v11 =	vld [tilespmem:s14+$0xFFFFF900]  }
0x1a2: {  	v7 =	vadd.s32 v12, v7;
	v12 =	vld [tilespmem:s14+$0xFFFFF810]  }
0x1a3: {  	v7 =	vadd.s32 v9, v7;
	v9 =	vld [tilespmem:s14+$0xFFFFF910]  }
0x1a4: {  	s12 =	sadd.s32 $0x40, s12;
	v7 =	vadd.s32 v8, v7;
	v8 =	vld [tilespmem:s14+$0xFFFFF820]  }
0x1a5: {  	[tilespmem:s12+$0xFFFFFFE0] =	vst v7;
	v7 =	vld [tilespmem:s14+$0xFFFFF920]  }
0x1a6: {  	v10 =	vadd.s32 v10, v11;
	v11 =	vld [tilespmem:s14+$0xFFFFFA00]  }
0x1a7: {  	v13 =	vld [tilespmem:s14+$0xFFFFFA10]  }
0x1a8: {  	v9 =	vadd.s32 v12, v9;
	v12 =	vld [tilespmem:s14+$0xFFFFFA20]  }
0x1a9: {  	v14 =	vld [tilespmem:s14+$0xFFFFFB00]  }
0x1aa: {  	v15 =	vld [tilespmem:s14+$0xFFFFFB10];
	v7 =	vadd.s32 v8, v7  }
0x1ab: {  	v8 =	vadd.s32 v11, v10;
	v10 =	vld [tilespmem:s14+$0xFFFFFB20]  }
0x1ac: {  	v11 =	vld [tilespmem:s14+$0xFFFFFC00];
	v9 =	vadd.s32 v13, v9  }
0x1ad: {  	v13 =	vld [tilespmem:s14+$0xFFFFFC10];
	v7 =	vadd.s32 v12, v7  }
0x1ae: {  	v8 =	vadd.s32 v14, v8;
	v12 =	vld [tilespmem:s14+$0xFFFFFC20]  }
0x1af: {  	v14 =	vld [tilespmem:s14+$0xFFFFFD00];
	v9 =	vadd.s32 v15, v9  }
0x1b0: {  	v15 =	vld [tilespmem:s14+$0xFFFFFD10];
	v7 =	vadd.s32 v10, v7  }
0x1b1: {  	v8 =	vadd.s32 v11, v8;
	v10 =	vld [tilespmem:s14+$0xFFFFFD20]  }
0x1b2: {  	v11 =	vld [tilespmem:s14+$0xFFFFFE00];
	v9 =	vadd.s32 v13, v9  }
0x1b3: {  	v13 =	vld [tilespmem:s14+$0xFFFFFE10];
	v7 =	vadd.s32 v12, v7  }
0x1b4: {  	v8 =	vadd.s32 v14, v8;
	v12 =	vld [tilespmem:s14+$0xFFFFFE20]  }
0x1b5: {  	v14 =	vld [tilespmem:s14+$0xFFFFFF00];
	v9 =	vadd.s32 v15, v9  }
0x1b6: {  	v15 =	vld [tilespmem:s14+$0xFFFFFF10];
	v7 =	vadd.s32 v10, v7  }
0x1b7: {  	v8 =	vadd.s32 v11, v8;
	v10 =	vld [tilespmem:s14+$0xFFFFFF20]  }
0x1b8: {  	v11 =	vld [tilespmem:s14+$0x0];
	v9 =	vadd.s32 v13, v9  }
0x1b9: {  	v13 =	vld [tilespmem:s14+$0x10];
	v7 =	vadd.s32 v12, v7  }
0x1ba: {  	v8 =	vadd.s32 v14, v8;
	v12 =	vld [tilespmem:s14+$0x20]  }
0x1bb: {  	v14 =	vld [tilespmem:s14+$0x100];
	v9 =	vadd.s32 v15, v9  }
0x1bc: {  	v15 =	vld [tilespmem:s14+$0x110];
	v7 =	vadd.s32 v10, v7  }
0x1bd: {  	v8 =	vadd.s32 v11, v8;
	v10 =	vld [tilespmem:s14+$0x120]  }
0x1be: {  	v11 =	vld [tilespmem:s14+$0x200];
	v9 =	vadd.s32 v13, v9  }
0x1bf: {  	v13 =	vld [tilespmem:s14+$0x210];
	v7 =	vadd.s32 v12, v7  }
0x1c0: {  	v8 =	vadd.s32 v14, v8;
	v12 =	vld [tilespmem:s14+$0x220]  }
0x1c1: {  	v14 =	vld [tilespmem:s14+$0x300];
	v9 =	vadd.s32 v15, v9  }
0x1c2: {  	v15 =	vld [tilespmem:s14+$0x310];
	v7 =	vadd.s32 v10, v7  }
0x1c3: {  	v8 =	vadd.s32 v11, v8;
	v10 =	vld [tilespmem:s14+$0x320]  }
0x1c4: {  	v11 =	vld [tilespmem:s14+$0x400];
	v9 =	vadd.s32 v13, v9  }
0x1c5: {  	v13 =	vld [tilespmem:s14+$0x410];
	v7 =	vadd.s32 v12, v7  }
0x1c6: {  	v8 =	vadd.s32 v14, v8;
	v12 =	vld [tilespmem:s14+$0x420]  }
0x1c7: {  	v14 =	vld [tilespmem:s14+$0x500];
	v9 =	vadd.s32 v15, v9  }
0x1c8: {  	v15 =	vld [tilespmem:s14+$0x510];
	v10 =	vadd.s32 v10, v7  }
0x1c9: {  	v8 =	vadd.s32 v11, v8;
	v11 =	vld [tilespmem:s14+$0x520]  }
0x1ca: {  	v16 =	vld [tilespmem:s14+$0x600];
	v13 =	vadd.s32 v13, v9  }
.Ltmp7:
0x1cb: {  	v7 =	vld [tilespmem:s14+$0x610];
	v12 =	vadd.s32 v12, v10;
	(pc) =	sbr.rel @p1 .LBB2_14-.Ltmp7, $4  }
0x1cc: {  	v14 =	vadd.s32 v14, v8;
	v8 =	vld [tilespmem:s14+$0x620]  }
0x1cd: {  	v9 =	vld [tilespmem:s14+$0x700];
	v13 =	vadd.s32 v15, v13  }
0x1ce: {  	v10 =	vld [tilespmem:s14+$0x710];
	v12 =	vadd.s32 v11, v12  }
0x1cf: {  	s15 =	sadd.s32 $0x40, s15;
	v14 =	vadd.s32 v16, v14;
	v11 =	vld [tilespmem:s14+$0x720];
	s14 =	sadd.s32 $0x40, s14  }
0x1d0: {  	v6 =	vnsel vm0, $0x0, v6  }
0x1d1: {  	v5 =	vnsel vm0, $0x0, v5;
	(xrf0) =	vadd.scan.msk.s32 $0xffff, v6  }
0x1d2: {  	(xrf0) =	vadd.scan.msk.s32 $0xffff, v5;
	_ =	sdelay $0x4  }
0x1d3: {  	v5, _, _ =	vpop (xrf0)  }
0x1d4: {  	(v2sf) =	vpush v5, $0xF;
	v5, _, _ =	vpop (xrf0)  }
0x1d5: {  	(v2sf) =	vpush v5, $0xF;
	_ =	sdelay $0xb  }
0x1d6: {  	v7 =	vadd.s32 v7, v13;
	v9 =	vadd.s32 v9, v14  }
0x1d7: {  	v8 =	vadd.s32 v8, v12;
	[tilespmem:s12+$0xFFFFFFF0] =	vst v9;
	v7 =	vadd.s32 v10, v7  }
0x1d8: {  	[tilespmem:s12+$0x0] =	vst v7;
	v7 =	vadd.s32 v11, v8;
	s13 =	spop (v2sf)  }
0x1d9: {  	[tilespmem:s12+$0x10] =	vst v7;
	s12 =	spop (v2sf)  }
0x1da: {  	s13 =	ssub.s32 s12, s13  }
0x1db: {  	s17 =	sadd.s32 $0x400, s13  }
0x1dc: {  	s17 =	simm.s32 @!p0 $0x400  }
0x1dd: {  	s15 =	simm.s32 $0x0;
	s16 =	simm.s32 $0x190F0;
	s13 =	simm.s32 $0xFFFFFEF1;
	v9 =	vmov s17  }
.LBB2_16:
0x1de: {  	v8 =	vld [tilespmem:s16+$0x0];
	_ =	sdelay $0x4  }
0x1df: {  	v6 =	vperm.xlane v8, v4;
	_ =	sdelay $0x1  }
0x1e0: {  	(xrf0) =	vadd.scan.msk.s32 $0xffff, v6;
	_ =	sdelay $0x5  }
0x1e1: {  	v7, _, _ =	vpop (xrf0)  }
0x1e2: {  	v7 =	vadd.s32 s15, v7  }
0x1e3: {  	vm0 =	vge.s32 v7, v9  }
0x1e4: {  	v10 =	vsel vm0, $0x1, v1  }
0x1e5: {  	(xrf0) =	vadd.scan.msk.s32 $0xffff, v10;
	_ =	sdelay $0x5  }
0x1e6: {  	(xrf0) =	vadd.scan.msk.s32 $0xffff, v8;
	v8, _, _ =	vpop (xrf0)  }
0x1e7: {  	(v2sf) =	vpush v8, $0xF;
	_ =	sdelay $0x4  }
0x1e8: {  	v10, _, _ =	vpop (xrf0)  }
0x1e9: {  	(v2sf) =	vpush v10, $0xF;
	_ =	sdelay $0x8  }
0x1ea: {  	p0 =	seq.s32 s13, $0xFFFFFFE1;
	s14 =	spop (v2sf)  }
0x1eb: {  	p1 =	slt.s32 @!p0 s14, $0x1  }
0x1ec: {  	p1 =	por p0, !p1  }
.Ltmp8:
0x1ed: {  	_ = 	snop;
	(pc) =	sbr.rel @!p1 .LBB2_16-.Ltmp8, $3  }
0x1ee: {  	_ =	sdelay $0x1  }
0x1ef: {  	s18 =	spop (v2sf)  }
0x1f0: {  	s13 =	sadd.s32 $0x10, s13;
	s16 =	sadd.s32 $0xFFFFFFF0, s16;
	s15 =	sadd.s32 s15, s18  }
0x1f1: {  	s15 =	simm.s32 $0x18040;
	s16 =	simm.s32 $0xFFFFFFF8  }
0x1f2: {  	s15 =	simm.s32 @p0 $0x18040;
	s16 =	simm.s32 @p0 $0xFFFFFFF8  }
0x1f3: {  	[tilespmem:s15+$0xFFFFFFC0] =	vst v1;
	s16 =	sadd.s32 $0x8, s16  }
0x1f4: {  	[tilespmem:s15+$0x30] =	vst v1;
	p0 =	slt.u32 s16, $0xF8  }
.Ltmp9:
0x1f5: {  	[tilespmem:s15+$0x20] =	vst v1;
	(pc) =	sbr.rel @!p0 .LBB2_19-.Ltmp9, $4  }
0x1f6: {  	[tilespmem:s15+$0x10] =	vst v1  }
0x1f7: {  	[tilespmem:s15+$0x0] =	vst v1  }
0x1f8: {  	[tilespmem:s15+$0xFFFFFFF0] =	vst v1  }
0x1f9: {  	[tilespmem:s15+$0xFFFFFFE0] =	vst v1  }
.LBB2_18:
0x1fa: {  	s16 =	sadd.s32 $0x8, s16;
	[tilespmem:s15+$0xFFFFFFD0] =	vst v1;
	s15 =	sadd.s32 $0x80, s15  }
0x1fb: {  	[tilespmem:s15+$0xFFFFFFC0] =	vst v1;
	p0 =	slt.u32 s16, $0xF8  }
0x1fc: {  	[tilespmem:s15+$0x30] =	vst v1  }
.Ltmp10:
0x1fd: {  	[tilespmem:s15+$0x20] =	vst v1;
	(pc) =	sbr.rel @p0 .LBB2_18-.Ltmp10, $4  }
0x1fe: {  	[tilespmem:s15+$0x10] =	vst v1  }
0x1ff: {  	[tilespmem:s15+$0x0] =	vst v1  }
0x200: {  	[tilespmem:s15+$0xFFFFFFF0] =	vst v1  }
0x201: {  	[tilespmem:s15+$0xFFFFFFE0] =	vst v1  }
.LBB2_19:
0x202: {  	vm1 =	veq.s32 v8, $0x1  }
0x203: {  	vm0 =	vmand vm0, vm1  }
0x204: {  	v7 =	vnsel vm0, $0x0, v7  }
0x205: {  	v6 =	vnsel vm0, $0x0, v6;
	(xrf0) =	vadd.scan.msk.s32 $0xffff, v7  }
0x206: {  	(xrf0) =	vadd.scan.msk.s32 $0xffff, v6;
	v6 =	vnsel vm0, $0x0, v0  }
0x207: {  	(xrf0) =	vadd.scan.msk.s32 $0xffff, v6;
	_ =	sdelay $0x3  }
0x208: {  	v6, _, _ =	vpop (xrf0)  }
0x209: {  	v7, _, _ =	vpop (xrf0);
	(v2sf) =	vpush v6, $0xF  }
0x20a: {  	(v2sf) =	vpush v7, $0xF;
	v6, _, _ =	vpop (xrf0)  }
0x20b: {  	(v2sf) =	vpush v6, $0xF;
	_ =	sdelay $0xc  }
0x20c: {  	s12 =	sadd.s32 $0xF, s12;
	s19 =	spop (v2sf)  }
0x20d: {  	s12 =	sshra.s32 s12, $0x4;
	s20 =	spop (v2sf)  }
0x20e: {  	s18 =	sshrl.u32 s12, $0x1E;
	s16 =	spop (v2sf)  }
0x20f: {  	s31 =	sadd.s32 s18, s12;
	s13 =	sadd.s32 s13, s16  }
0x210: {  	s18 =	ssub.s32 $0x0, s13;
	s13 =	sand.u32 $0xFFFFFFFC, s31  }
0x211: {  	p1 =	slt.s32 s13, $0x1  }
.Ltmp11:
0x212: {  	_ = 	snop;
	(pc) =	sbr.rel @p1 .LBB2_23-.Ltmp11, $4  }
0x213: {  	_ = 	snop  }
0x214: {  	p2 =	sgt.s32 s14, $0x0  }
0x215: {  	s18 =	simm.s32 @!p2 $0x0  }
0x216: {  	[tilespmem:s15+$0xFFFFFFD0] =	vst v1;
	v5 =	vbroadcast v5, $0xF;
	v6 =	vmov s18  }
0x217: {  	s15 =	simm.s32 $0x10020  }
0x218: {  	v8 =	vld [tilespmem:s15+$0x10];
	_ =	sdelay $0x1  }
0x219: {  	v11 =	vld [tilespmem:s15+$0xFFFFFFF0]  }
0x21a: {  	v16 =	vld [tilespmem:s15+$0x0]  }
0x21b: {  	s31 =	simm.s32 $0x30;
	v10 =	vld [tilespmem:s15+$0xFFFFFFE0]  }
0x21c: {  	s14 =	simm.s32 $0x0;
	v13 =	vor.u32 s31, v0;
	v9 =	vshrl.u32 v8, $0x10  }
0x21d: {  	p0 =	sgt.s32 s13, $0x4;
	v7 =	vor.u32 s14, v0;
	vm0 =	vlt.s32 v13, v5;
	v9 =	vand.u32 $0xFF, v9  }
.Ltmp12:
0x21e: {  	v12 =	vshrl.u32 v11, $0x10;
	v8 =	vshrl.u32 v8, $0x8;
	vm1 =	veq.s32 v9, v6;
	(pc) =	sbr.rel @!p0 .LBB2_22-.Ltmp12, $4  }
0x21f: {  	v13 =	vshrl.u32 v16, $0x10;
	v8 =	vand.u32 $0xFF, v8;
	vm0 =	vmand vm0, vm1  }
0x220: {  	v14 =	vshrl.u32 v10, $0x10;
	v15 =	vshrl.u32 v11, $0x8;
	v8 =	vor.u32 v2, v8  }
0x221: {  	s16 =	simm.s32 $0x10;
	v11 =	vshrl.u32 v16, $0x8;
	v14 =	vand.u32 $0xFF, v14;
	v9 =	vand.u32 $0xFF, v12  }
0x222: {  	s21 =	simm.s32 $0x20;
	s15 =	simm.s32 $0x4;
	v12 =	vshrl.u32 v10, $0x8;
	v10 =	vand.u32 $0xFF, v13;
	v13 =	vor.u32 s16, v0;
	s16 =	simm.s32 $0x10060  }
.LBB2_21:
0x223: {  	v16 =	vld [tilespmem:s16+$0x10];
	s15 =	sadd.s32 $0x4, s15;
	vm2 =	veq.s32 v14, v6;
	vm1 =	veq.s32 v9, v6;
	v9 =	vor.u32 s21, v0  }
0x224: {  	v12 =	vand.u32 $0xFF, v12;
	v14 =	vand.u32 $0xFF, v15;
	vm3 =	veq.s32 v10, v6;
	v17 =	vld [tilespmem:s16+$0xFFFFFFF0];
	p0 =	slt.s32 s15, s13  }
0x225: {  	vm4 =	vlt.s32 v13, v5;
	vm5 =	vlt.s32 v9, v5;
	v9 =	vand.u32 $0xFF, v11;
	[tilespmem:v8+s7+$0x0] =	vst.idx.add.s32.msk vm0, v3  }
0x226: {  	vm4 =	vmand vm4, vm1;
	vm0 =	vlt.s32 v7, v5;
	vm1 =	vmand vm5, vm3;
	v11 =	vld [tilespmem:s16+$0x0]  }
0x227: {  	s14 =	sadd.s32 $0x40, s14;
	v13 =	vor.u32 v2, v12;
	v12 =	vor.u32 v2, v14;
	vm2 =	vmand vm0, vm2;
	v10 =	vld [tilespmem:s16+$0xFFFFFFE0]  }
0x228: {  	s22 =	sadd.s32 $0x10, s14;
	s21 =	sadd.s32 $0x20, s14;
	s23 =	sadd.s32 $0x30, s14;
	v7 =	vor.u32 s14, v0;
	v18 =	vor.u32 v2, v9;
	v8 =	vshrl.u32 v16, $0x10  }
0x229: {  	v14 =	vor.u32 s23, v0;
	v9 =	vshrl.u32 v17, $0x10;
	v8 =	vand.u32 $0xFF, v8  }
.Ltmp13:
0x22a: {  	vm0 =	vlt.s32 v14, v5;
	vm3 =	veq.s32 v8, v6;
	v8 =	vshrl.u32 v16, $0x8;
	(pc) =	sbr.rel @p0 .LBB2_21-.Ltmp13, $4  }
0x22b: {  	v15 =	vshrl.u32 v11, $0x10;
	vm0 =	vmand vm0, vm3;
	v8 =	vand.u32 $0xFF, v8  }
0x22c: {  	v9 =	vand.u32 $0xFF, v9;
	v14 =	vshrl.u32 v10, $0x10;
	v8 =	vor.u32 v2, v8;
	[tilespmem:v12+s7+$0x0] =	vst.idx.add.s32.msk vm4, v3  }
0x22d: {  	v12 =	vshrl.u32 v10, $0x8;
	v10 =	vand.u32 $0xFF, v15;
	v14 =	vand.u32 $0xFF, v14;
	[tilespmem:v13+s7+$0x0] =	vst.idx.add.s32.msk vm2, v3  }
0x22e: {  	s16 =	sadd.s32 $0x40, s16;
	v11 =	vshrl.u32 v11, $0x8;
	v15 =	vshrl.u32 v17, $0x8;
	v13 =	vor.u32 s22, v0;
	[tilespmem:v18+s7+$0x0] =	vst.idx.add.s32.msk vm1, v3  }
.LBB2_22:
0x22f: {  	vm1 =	veq.s32 v14, v6;
	vm2 =	veq.s32 v9, v6;
	v60 =	vor.u32 s21, v0  }
0x230: {  	v12 =	vand.u32 $0xFF, v12;
	v61 =	vand.u32 $0xFF, v15;
	vm3 =	vlt.s32 v13, v5  }
0x231: {  	vm4 =	veq.s32 v10, v6;
	vm5 =	vlt.s32 v7, v5;
	vm2 =	vmand vm3, vm2  }
0x232: {  	vm15 =	vlt.s32 v60, v5;
	vm1 =	vmand vm5, vm1;
	v7 =	vor.u32 v2, v61  }
0x233: {  	v62 =	vand.u32 $0xFF, v11;
	v63 =	vor.u32 v2, v12;
	vm3 =	vmand vm15, vm4  }
0x234: {  	v9 =	vor.u32 v2, v62;
	_ =	sdelay $0x1  }
0x235: {  	[tilespmem:v8+s7+$0x0] =	vst.idx.add.s32.msk vm0, v3  }
0x236: {  	[tilespmem:v7+s7+$0x0] =	vst.idx.add.s32.msk vm2, v3  }
0x237: {  	[tilespmem:v63+s7+$0x0] =	vst.idx.add.s32.msk vm1, v3  }
0x238: {  	[tilespmem:v9+s7+$0x0] =	vst.idx.add.s32.msk vm3, v3  }
.LBB2_23:
0x239: {  	s14 =	ssub.s32 s12, s13  }
0x23a: {  	p0 =	sgt.s32 s14, $0x0  }
.Ltmp14:
0x23b: {  	_ = 	snop;
	(pc) =	sbr.rel @!p0 .LBB2_24-.Ltmp14, $3  }
0x23c: {  	_ =	sdelay $0x1  }
0x23d: {  	s15 =	sshll.u32 s12, $0x6;
	s16 =	sshll.u32 s14, $0x6  }
0x23e: {  	s16 =	ssub.s32 s15, s16;
	s15 =	sshll.u32 s12, $0x4  }
0x23f: {  	s21 =	sshra.s32 s16, $0x2;
	s22 =	sshll.u32 s14, $0x4  }
0x240: {  	s23 =	smov.u32 s13;
	s21 =	sadd.s32 $0x10000, s21;
	s22 =	ssub.s32 s15, s22  }
.LBB2_34:
0x241: {  	v7 =	vld [tilespmem:s21+$0x0];
	_ =	sdelay $0x4  }
0x242: {  	v8 =	vshrl.u32 v7, $0x10  }
0x243: {  	v9 =	vor.u32 s22, v0;
	v8 =	vand.u32 $0xFF, v8  }
0x244: {  	vm0 =	vlt.s32 v9, v5;
	v7 =	vshrl.u32 v7, $0x8;
	vm1 =	veq.s32 v8, v6  }
0x245: {  	s23 =	sadd.s32 $0x1, s23;
	v7 =	vand.u32 $0xFF, v7;
	vm0 =	vmand vm0, vm1  }
0x246: {  	p3 =	slt.s32 s23, s12;
	v7 =	vor.u32 v2, v7  }
.Ltmp15:
0x247: {  	_ = 	snop;
	(pc) =	sbr.rel @p3 .LBB2_34-.Ltmp15, $2  }
0x248: {  	_ =	sdelay $0x2  }
0x249: {  	s21 =	sadd.s32 $0x10, s21;
	s22 =	sadd.s32 $0x10, s22;
	[tilespmem:v7+s7+$0x0] =	vst.idx.add.s32.msk vm0, v3  }
.LBB2_24:
0x24a: {  	s21 =	simm.s32 $0x18810  }
0x24b: {  	v6 =	vld [tilespmem:s21+$0xFFFFF7F0]  }
0x24c: {  	v22 =	vld [tilespmem:s21+$0xFFFFF800]  }
0x24d: {  	v23 =	vld [tilespmem:s21+$0xFFFFF900]  }
0x24e: {  	v24 =	vld [tilespmem:s21+$0xFFFFF810]  }
0x24f: {  	v25 =	vld [tilespmem:s21+$0xFFFFF910]  }
0x250: {  	v26 =	vld [tilespmem:s21+$0xFFFFF820]  }
0x251: {  	v27 =	vld [tilespmem:s21+$0xFFFFF920]  }
0x252: {  	v28 =	vld [tilespmem:s21+$0xFFFFFA00]  }
0x253: {  	v29 =	vld [tilespmem:s21+$0xFFFFFA10]  }
0x254: {  	v30 =	vld [tilespmem:s21+$0xFFFFFA20]  }
0x255: {  	v31 =	vld [tilespmem:s21+$0xFFFFFB00]  }
0x256: {  	v32 =	vld [tilespmem:s21+$0xFFFFFB10]  }
0x257: {  	v33 =	vld [tilespmem:s21+$0xFFFFFB20]  }
0x258: {  	v34 =	vld [tilespmem:s21+$0xFFFFFC00]  }
0x259: {  	v35 =	vld [tilespmem:s21+$0xFFFFFC10]  }
0x25a: {  	v36 =	vld [tilespmem:s21+$0xFFFFFC20]  }
0x25b: {  	v37 =	vld [tilespmem:s21+$0xFFFFFD00]  }
0x25c: {  	v38 =	vld [tilespmem:s21+$0xFFFFFD10]  }
0x25d: {  	v39 =	vld [tilespmem:s21+$0xFFFFFD20]  }
0x25e: {  	v40 =	vld [tilespmem:s21+$0xFFFFFE00]  }
0x25f: {  	v41 =	vld [tilespmem:s21+$0xFFFFFE10]  }
0x260: {  	v50 =	vld [tilespmem:s21+$0x120]  }
0x261: {  	v51 =	vld [tilespmem:s21+$0x200]  }
0x262: {  	v52 =	vld [tilespmem:s21+$0x210]  }
0x263: {  	v53 =	vld [tilespmem:s21+$0x220]  }
0x264: {  	v54 =	vld [tilespmem:s21+$0x300]  }
0x265: {  	v55 =	vld [tilespmem:s21+$0x310]  }
0x266: {  	v58 =	vld [tilespmem:s21+$0x320]  }
0x267: {  	v59 =	vld [tilespmem:s21+$0x400]  }
0x268: {  	s31 =	simm.s32 $0x0;
	v60 =	vld [tilespmem:s21+$0x410]  }
0x269: {  	s19 =	ssub.s32 s20, s19;
	s20 =	sand.u32 $0xC0, s31;
	v61 =	vld [tilespmem:s21+$0x420]  }
0x26a: {  	v7 =	vld [tilespmem:s20+$0x18100]  }
0x26b: {  	v8 =	vld [tilespmem:s20+$0x18200]  }
0x26c: {  	v9 =	vld [tilespmem:s20+$0x18300]  }
0x26d: {  	v10 =	vld [tilespmem:s20+$0x18400]  }
0x26e: {  	v11 =	vld [tilespmem:s20+$0x18500]  }
0x26f: {  	v12 =	vld [tilespmem:s20+$0x18600];
	v6 =	vadd.s32 v6, v7  }
0x270: {  	v13 =	vld [tilespmem:s20+$0x18700];
	v6 =	vadd.s32 v8, v6  }
0x271: {  	v14 =	vld [tilespmem:s20+$0x18800];
	v6 =	vadd.s32 v9, v6  }
0x272: {  	v15 =	vld [tilespmem:s20+$0x18900];
	v6 =	vadd.s32 v10, v6  }
0x273: {  	v16 =	vld [tilespmem:s20+$0x18A00];
	v6 =	vadd.s32 v11, v6  }
0x274: {  	v17 =	vld [tilespmem:s20+$0x18B00];
	v6 =	vadd.s32 v12, v6  }
0x275: {  	v18 =	vld [tilespmem:s20+$0x18C00];
	v6 =	vadd.s32 v13, v6  }
0x276: {  	v19 =	vld [tilespmem:s20+$0x18D00];
	v6 =	vadd.s32 v14, v6  }
0x277: {  	v20 =	vld [tilespmem:s20+$0x18E00];
	v6 =	vadd.s32 v15, v6  }
0x278: {  	v21 =	vld [tilespmem:s20+$0x18F00];
	v6 =	vadd.s32 v16, v6  }
0x279: {  	v7 =	vld [tilespmem:s21+$0xFFFFFE20];
	v6 =	vadd.s32 v17, v6  }
0x27a: {  	v8 =	vld [tilespmem:s21+$0xFFFFFF00];
	v6 =	vadd.s32 v18, v6  }
0x27b: {  	v9 =	vld [tilespmem:s21+$0xFFFFFF10];
	v6 =	vadd.s32 v19, v6  }
0x27c: {  	v10 =	vld [tilespmem:s21+$0xFFFFFF20];
	v6 =	vadd.s32 v20, v6  }
0x27d: {  	v11 =	vld [tilespmem:s21+$0x0];
	v21 =	vadd.s32 v21, v6;
	v6 =	vadd.s32 v22, v23  }
0x27e: {  	v56 =	vadd.s32 v24, v25;
	v57 =	vadd.s32 v26, v27;
	v12 =	vld [tilespmem:s21+$0x10];
	v6 =	vadd.s32 v28, v6  }
0x27f: {  	v24 =	vadd.s32 v30, v57;
	v13 =	vld [tilespmem:s21+$0x20];
	v23 =	vadd.s32 v29, v56;
	v6 =	vadd.s32 v31, v6  }
0x280: {  	v24 =	vadd.s32 v33, v24;
	v14 =	vld [tilespmem:s21+$0x100];
	v23 =	vadd.s32 v32, v23;
	v6 =	vadd.s32 v34, v6  }
0x281: {  	v24 =	vadd.s32 v36, v24;
	v15 =	vld [tilespmem:s21+$0x110];
	v23 =	vadd.s32 v35, v23;
	v6 =	vadd.s32 v37, v6  }
0x282: {  	v62 =	vld [tilespmem:s21+$0x500];
	v24 =	vadd.s32 v39, v24;
	v23 =	vadd.s32 v38, v23;
	v6 =	vadd.s32 v40, v6  }
0x283: {  	v63 =	vld [tilespmem:s21+$0x510];
	v7 =	vadd.s32 v7, v24;
	v23 =	vadd.s32 v41, v23;
	v6 =	vadd.s32 v8, v6  }
0x284: {  	v7 =	vadd.s32 v10, v7;
	v10 =	vld [tilespmem:s21+$0x520];
	v8 =	vadd.s32 v9, v23;
	v6 =	vadd.s32 v11, v6  }
0x285: {  	v7 =	vadd.s32 v13, v7;
	v13 =	vld [tilespmem:s21+$0x600];
	v8 =	vadd.s32 v12, v8;
	v6 =	vadd.s32 v14, v6  }
0x286: {  	v7 =	vadd.s32 v50, v7;
	v8 =	vadd.s32 v15, v8;
	v9 =	vadd.s32 v51, v6;
	v6 =	vld [tilespmem:s21+$0x610]  }
0x287: {  	v11 =	vadd.s32 v53, v7;
	v7 =	vld [tilespmem:s21+$0x620];
	v8 =	vadd.s32 v52, v8;
	v9 =	vadd.s32 v54, v9  }
0x288: {  	s19 =	simm.s32 @!p2 $0x0;
	v11 =	vadd.s32 v58, v11;
	v12 =	vadd.s32 v55, v8;
	v8 =	vld [tilespmem:s21+$0x700];
	v9 =	vadd.s32 v59, v9  }
0x289: {  	s17 =	sadd.s32 s17, s19;
	s19 =	simm.s32 $0x19020;
	v11 =	vadd.s32 v61, v11;
	v12 =	vadd.s32 v60, v12;
	v14 =	vadd.s32 v62, v9;
	v9 =	vld [tilespmem:s21+$0x710]  }
0x28a: {  	s22 =	simm.s32 $0x40;
	s20 =	simm.s32 $0x0;
	[tilespmem:s19+$0xFFFFFFE0] =	vst v21;
	v11 =	vadd.s32 v10, v11;
	v10 =	vld [tilespmem:s21+$0x720];
	v12 =	vadd.s32 v63, v12;
	s21 =	simm.s32 $0x18850;
	v13 =	vadd.s32 v13, v14  }
.LBB2_25:
0x28b: {  	v14 =	vld [tilespmem:s21+$0xFFFFF7F0];
	s23 =	sand.u32 $0xC0, s22;
	s20 =	sadd.s32 $0x4, s20;
	v6 =	vadd.s32 v6, v12  }
0x28c: {  	v12 =	vld [tilespmem:s23+$0x18100];
	p2 =	slt.u32 s20, $0xC;
	v7 =	vadd.s32 v7, v11  }
0x28d: {  	v11 =	vld [tilespmem:s23+$0x18200];
	v8 =	vadd.s32 v8, v13  }
0x28e: {  	v13 =	vld [tilespmem:s23+$0x18300];
	[tilespmem:s19+$0xFFFFFFF0] =	vst v8;
	v6 =	vadd.s32 v9, v6  }
0x28f: {  	v8 =	vld [tilespmem:s23+$0x18400];
	[tilespmem:s19+$0x0] =	vst v6;
	v6 =	vadd.s32 v10, v7  }
0x290: {  	v7 =	vld [tilespmem:s23+$0x18500];
	[tilespmem:s19+$0x10] =	vst v6  }
0x291: {  	v6 =	vadd.s32 v14, v12;
	v9 =	vld [tilespmem:s23+$0x18600]  }
0x292: {  	v6 =	vadd.s32 v11, v6;
	v10 =	vld [tilespmem:s23+$0x18700]  }
0x293: {  	v6 =	vadd.s32 v13, v6;
	v11 =	vld [tilespmem:s23+$0x18800]  }
0x294: {  	v6 =	vadd.s32 v8, v6;
	v8 =	vld [tilespmem:s23+$0x18900]  }
0x295: {  	v6 =	vadd.s32 v7, v6;
	v7 =	vld [tilespmem:s23+$0x18A00]  }
0x296: {  	v6 =	vadd.s32 v9, v6;
	v9 =	vld [tilespmem:s23+$0x18B00]  }
0x297: {  	v6 =	vadd.s32 v10, v6;
	v10 =	vld [tilespmem:s23+$0x18C00]  }
0x298: {  	v6 =	vadd.s32 v11, v6;
	v11 =	vld [tilespmem:s23+$0x18D00]  }
0x299: {  	v6 =	vadd.s32 v8, v6;
	v8 =	vld [tilespmem:s23+$0x18E00]  }
0x29a: {  	v6 =	vadd.s32 v7, v6;
	v7 =	vld [tilespmem:s23+$0x18F00]  }
0x29b: {  	v6 =	vadd.s32 v9, v6;
	v9 =	vld [tilespmem:s21+$0xFFFFF800]  }
0x29c: {  	v6 =	vadd.s32 v10, v6;
	v10 =	vld [tilespmem:s21+$0xFFFFF900]  }
0x29d: {  	v6 =	vadd.s32 v11, v6;
	v11 =	vld [tilespmem:s21+$0xFFFFF810]  }
0x29e: {  	v6 =	vadd.s32 v8, v6;
	v8 =	vld [tilespmem:s21+$0xFFFFF910]  }
0x29f: {  	s19 =	sadd.s32 $0x40, s19;
	v6 =	vadd.s32 v7, v6;
	v7 =	vld [tilespmem:s21+$0xFFFFF820]  }
0x2a0: {  	[tilespmem:s19+$0xFFFFFFE0] =	vst v6;
	v6 =	vld [tilespmem:s21+$0xFFFFF920]  }
0x2a1: {  	v9 =	vadd.s32 v9, v10;
	v10 =	vld [tilespmem:s21+$0xFFFFFA00]  }
0x2a2: {  	v12 =	vld [tilespmem:s21+$0xFFFFFA10]  }
0x2a3: {  	v8 =	vadd.s32 v11, v8;
	v11 =	vld [tilespmem:s21+$0xFFFFFA20]  }
0x2a4: {  	v13 =	vld [tilespmem:s21+$0xFFFFFB00]  }
0x2a5: {  	v14 =	vld [tilespmem:s21+$0xFFFFFB10];
	v6 =	vadd.s32 v7, v6  }
0x2a6: {  	v7 =	vadd.s32 v10, v9;
	v9 =	vld [tilespmem:s21+$0xFFFFFB20]  }
0x2a7: {  	v10 =	vld [tilespmem:s21+$0xFFFFFC00];
	v8 =	vadd.s32 v12, v8  }
0x2a8: {  	v12 =	vld [tilespmem:s21+$0xFFFFFC10];
	v6 =	vadd.s32 v11, v6  }
0x2a9: {  	v7 =	vadd.s32 v13, v7;
	v11 =	vld [tilespmem:s21+$0xFFFFFC20]  }
0x2aa: {  	v13 =	vld [tilespmem:s21+$0xFFFFFD00];
	v8 =	vadd.s32 v14, v8  }
0x2ab: {  	v14 =	vld [tilespmem:s21+$0xFFFFFD10];
	v6 =	vadd.s32 v9, v6  }
0x2ac: {  	v7 =	vadd.s32 v10, v7;
	v9 =	vld [tilespmem:s21+$0xFFFFFD20]  }
0x2ad: {  	v10 =	vld [tilespmem:s21+$0xFFFFFE00];
	v8 =	vadd.s32 v12, v8  }
0x2ae: {  	v12 =	vld [tilespmem:s21+$0xFFFFFE10];
	v6 =	vadd.s32 v11, v6  }
0x2af: {  	v7 =	vadd.s32 v13, v7;
	v11 =	vld [tilespmem:s21+$0xFFFFFE20]  }
0x2b0: {  	v13 =	vld [tilespmem:s21+$0xFFFFFF00];
	v8 =	vadd.s32 v14, v8  }
0x2b1: {  	v14 =	vld [tilespmem:s21+$0xFFFFFF10];
	v6 =	vadd.s32 v9, v6  }
0x2b2: {  	v7 =	vadd.s32 v10, v7;
	v9 =	vld [tilespmem:s21+$0xFFFFFF20]  }
0x2b3: {  	v10 =	vld [tilespmem:s21+$0x0];
	v8 =	vadd.s32 v12, v8  }
0x2b4: {  	v12 =	vld [tilespmem:s21+$0x10];
	v6 =	vadd.s32 v11, v6  }
0x2b5: {  	v7 =	vadd.s32 v13, v7;
	v11 =	vld [tilespmem:s21+$0x20]  }
0x2b6: {  	v13 =	vld [tilespmem:s21+$0x100];
	v8 =	vadd.s32 v14, v8  }
0x2b7: {  	v14 =	vld [tilespmem:s21+$0x110];
	v6 =	vadd.s32 v9, v6  }
0x2b8: {  	v7 =	vadd.s32 v10, v7;
	v9 =	vld [tilespmem:s21+$0x120]  }
0x2b9: {  	v10 =	vld [tilespmem:s21+$0x200];
	v8 =	vadd.s32 v12, v8  }
0x2ba: {  	v12 =	vld [tilespmem:s21+$0x210];
	v6 =	vadd.s32 v11, v6  }
0x2bb: {  	v7 =	vadd.s32 v13, v7;
	v11 =	vld [tilespmem:s21+$0x220]  }
0x2bc: {  	v13 =	vld [tilespmem:s21+$0x300];
	v8 =	vadd.s32 v14, v8  }
0x2bd: {  	v14 =	vld [tilespmem:s21+$0x310];
	v6 =	vadd.s32 v9, v6  }
0x2be: {  	v7 =	vadd.s32 v10, v7;
	v9 =	vld [tilespmem:s21+$0x320]  }
0x2bf: {  	v10 =	vld [tilespmem:s21+$0x400];
	v8 =	vadd.s32 v12, v8  }
0x2c0: {  	v12 =	vld [tilespmem:s21+$0x410];
	v6 =	vadd.s32 v11, v6  }
0x2c1: {  	v7 =	vadd.s32 v13, v7;
	v11 =	vld [tilespmem:s21+$0x420]  }
0x2c2: {  	v13 =	vld [tilespmem:s21+$0x500];
	v8 =	vadd.s32 v14, v8  }
0x2c3: {  	v14 =	vld [tilespmem:s21+$0x510];
	v9 =	vadd.s32 v9, v6  }
0x2c4: {  	v7 =	vadd.s32 v10, v7;
	v10 =	vld [tilespmem:s21+$0x520]  }
0x2c5: {  	v15 =	vld [tilespmem:s21+$0x600];
	v12 =	vadd.s32 v12, v8  }
.Ltmp16:
0x2c6: {  	v6 =	vld [tilespmem:s21+$0x610];
	v11 =	vadd.s32 v11, v9;
	(pc) =	sbr.rel @p2 .LBB2_25-.Ltmp16, $4  }
0x2c7: {  	v13 =	vadd.s32 v13, v7;
	v7 =	vld [tilespmem:s21+$0x620]  }
0x2c8: {  	v8 =	vld [tilespmem:s21+$0x700];
	v12 =	vadd.s32 v14, v12  }
0x2c9: {  	v9 =	vld [tilespmem:s21+$0x710];
	v11 =	vadd.s32 v10, v11  }
0x2ca: {  	s22 =	sadd.s32 $0x40, s22;
	v13 =	vadd.s32 v15, v13;
	v10 =	vld [tilespmem:s21+$0x720];
	s21 =	sadd.s32 $0x40, s21  }
0x2cb: {  	_ =	sdelay $0x1  }
0x2cc: {  	v6 =	vadd.s32 v6, v12;
	v8 =	vadd.s32 v8, v13  }
0x2cd: {  	v7 =	vadd.s32 v7, v11;
	[tilespmem:s19+$0xFFFFFFF0] =	vst v8;
	v6 =	vadd.s32 v9, v6  }
0x2ce: {  	[tilespmem:s19+$0x0] =	vst v6;
	v6 =	vadd.s32 v10, v7  }
0x2cf: {  	s21 =	simm.s32 $0xFFFFFEF1;
	s20 =	simm.s32 $0x190F0;
	v9 =	vmov s17;
	[tilespmem:s19+$0x10] =	vst v6;
	s19 =	simm.s32 $0x0  }
.LBB2_27:
0x2d0: {  	v8 =	vld [tilespmem:s20+$0x0];
	_ =	sdelay $0x4  }
0x2d1: {  	v6 =	vperm.xlane v8, v4;
	_ =	sdelay $0x1  }
0x2d2: {  	(xrf0) =	vadd.scan.msk.s32 $0xffff, v6;
	_ =	sdelay $0x5  }
0x2d3: {  	v7, _, _ =	vpop (xrf0)  }
0x2d4: {  	v7 =	vadd.s32 s19, v7  }
0x2d5: {  	vm0 =	vge.s32 v7, v9  }
0x2d6: {  	v10 =	vsel vm0, $0x1, v1  }
0x2d7: {  	(xrf0) =	vadd.scan.msk.s32 $0xffff, v10;
	_ =	sdelay $0x5  }
0x2d8: {  	(xrf0) =	vadd.scan.msk.s32 $0xffff, v8;
	v8, _, _ =	vpop (xrf0)  }
0x2d9: {  	(v2sf) =	vpush v8, $0xF;
	_ =	sdelay $0x4  }
0x2da: {  	v10, _, _ =	vpop (xrf0)  }
0x2db: {  	(v2sf) =	vpush v10, $0xF;
	_ =	sdelay $0x8  }
0x2dc: {  	p2 =	seq.s32 s21, $0xFFFFFFE1;
	s22 =	spop (v2sf)  }
0x2dd: {  	p3 =	sgt.s32 @!p2 s22, $0x0  }
0x2de: {  	p3 =	por p2, p3  }
.Ltmp17:
0x2df: {  	_ = 	snop;
	(pc) =	sbr.rel @!p3 .LBB2_27-.Ltmp17, $3  }
0x2e0: {  	_ =	sdelay $0x1  }
0x2e1: {  	s23 =	spop (v2sf)  }
0x2e2: {  	s21 =	sadd.s32 $0x10, s21;
	s20 =	sadd.s32 $0xFFFFFFF0, s20;
	s19 =	sadd.s32 s19, s23  }
0x2e3: {  	s19 =	simm.s32 $0x18040;
	s20 =	simm.s32 $0xFFFFFFF8  }
0x2e4: {  	s19 =	simm.s32 @p2 $0x18040;
	s20 =	simm.s32 @p2 $0xFFFFFFF8  }
0x2e5: {  	[tilespmem:s19+$0xFFFFFFC0] =	vst v1;
	s20 =	sadd.s32 $0x8, s20  }
0x2e6: {  	[tilespmem:s19+$0x30] =	vst v1;
	p2 =	slt.u32 s20, $0xF8  }
.Ltmp18:
0x2e7: {  	[tilespmem:s19+$0x20] =	vst v1;
	(pc) =	sbr.rel @!p2 .LBB2_30-.Ltmp18, $4  }
0x2e8: {  	[tilespmem:s19+$0x10] =	vst v1  }
0x2e9: {  	[tilespmem:s19+$0x0] =	vst v1  }
0x2ea: {  	[tilespmem:s19+$0xFFFFFFF0] =	vst v1  }
0x2eb: {  	[tilespmem:s19+$0xFFFFFFE0] =	vst v1  }
.LBB2_29:
0x2ec: {  	s20 =	sadd.s32 $0x8, s20;
	[tilespmem:s19+$0xFFFFFFD0] =	vst v1;
	s19 =	sadd.s32 $0x80, s19  }
0x2ed: {  	[tilespmem:s19+$0xFFFFFFC0] =	vst v1;
	p2 =	slt.u32 s20, $0xF8  }
0x2ee: {  	[tilespmem:s19+$0x30] =	vst v1  }
.Ltmp19:
0x2ef: {  	[tilespmem:s19+$0x20] =	vst v1;
	(pc) =	sbr.rel @p2 .LBB2_29-.Ltmp19, $4  }
0x2f0: {  	[tilespmem:s19+$0x10] =	vst v1  }
0x2f1: {  	[tilespmem:s19+$0x0] =	vst v1  }
0x2f2: {  	[tilespmem:s19+$0xFFFFFFF0] =	vst v1  }
0x2f3: {  	[tilespmem:s19+$0xFFFFFFE0] =	vst v1  }
.LBB2_30:
0x2f4: {  	vm1 =	veq.s32 v8, $0x1  }
0x2f5: {  	vm0 =	vmand vm0, vm1  }
0x2f6: {  	v7 =	vnsel vm0, $0x0, v7  }
0x2f7: {  	v6 =	vnsel vm0, $0x0, v6;
	(xrf0) =	vadd.scan.msk.s32 $0xffff, v7  }
0x2f8: {  	(xrf0) =	vadd.scan.msk.s32 $0xffff, v6;
	v6 =	vnsel vm0, $0x0, v0  }
0x2f9: {  	(xrf0) =	vadd.scan.msk.s32 $0xffff, v6;
	_ =	sdelay $0x3  }
0x2fa: {  	v6, _, _ =	vpop (xrf0)  }
0x2fb: {  	v7, _, _ =	vpop (xrf0);
	(v2sf) =	vpush v6, $0xF  }
0x2fc: {  	(v2sf) =	vpush v7, $0xF;
	v6, _, _ =	vpop (xrf0)  }
0x2fd: {  	(v2sf) =	vpush v6, $0xF;
	_ =	sdelay $0xc  }
0x2fe: {  	[tilespmem:s19+$0xFFFFFFD0] =	vst v1;
	s19 =	spop (v2sf)  }
0x2ff: {  	s20 =	spop (v2sf)  }
0x300: {  	s23 =	spop (v2sf)  }
.Ltmp20:
0x301: {  	s21 =	sadd.s32 s21, s23;
	(pc) =	sbr.rel @p1 .LBB2_35-.Ltmp20, $4  }
0x302: {  	p2 =	sgt.s32 s22, $0x0;
	s21 =	ssub.s32 $0x0, s21  }
0x303: {  	s18 =	sshll.u32 s18, $0x8;
	s21 =	simm.s32 @!p2 $0x0  }
0x304: {  	s18 =	sor.u32 s18, s21  }
0x305: {  	v6 =	vmov s18  }
0x306: {  	s22 =	simm.s32 $0x10020  }
0x307: {  	v10 =	vld [tilespmem:s22+$0x10]  }
0x308: {  	v17 =	vld [tilespmem:s22+$0xFFFFFFF0]  }
0x309: {  	v7 =	vld [tilespmem:s22+$0x0];
	_ =	sdelay $0x1  }
0x30a: {  	s21 =	simm.s32 $0x0;
	s29 =	simm.s32 $0x30;
	v8 =	vld [tilespmem:s22+$0xFFFFFFE0]  }
0x30b: {  	p3 =	sgt.s32 s13, $0x4;
	s31 =	simm.s32 $0x20;
	v9 =	vor.u32 s21, v0;
	v13 =	vor.u32 s29, v0  }
.Ltmp21:
0x30c: {  	v15 =	vor.u32 s31, v0;
	vm0 =	vlt.s32 v13, v5;
	v11 =	vshrl.u32 v10, $0x8;
	(pc) =	sbr.rel @!p3 .LBB2_32-.Ltmp21, $4  }
0x30d: {  	v12 =	vshrl.u32 v17, $0x8;
	v14 =	vshrl.u32 v7, $0x8;
	v10 =	vand.u32 $0xFF, v10  }
0x30e: {  	v11 =	vand.u32 $0xFFFF, v11;
	v13 =	vand.u32 $0xFFFF, v12;
	v16 =	vand.u32 $0xFFFF, v14  }
0x30f: {  	s30 =	simm.s32 $0x10;
	v12 =	vor.u32 v2, v10;
	vm1 =	veq.s32 v11, v6;
	v11 =	vshrl.u32 v8, $0x8  }
0x310: {  	p1 =	por $0x0, $0x0;
	s21 =	simm.s32 $0x10060;
	v14 =	vor.u32 s30, v0;
	vm0 =	vmand vm0, vm1;
	v18 =	vand.u32 $0xFFFF, v11  }
0x311: {  	v19 =	vld [tilespmem:s21+$0x10];
	vm1 =	veq.s32 v18, v6;
	vm2 =	veq.s32 v13, v6;
	vm3 =	veq.s32 v16, v6  }
0x312: {  	v11 =	vld [tilespmem:s21+$0xFFFFFFF0];
	v10 =	vand.u32 $0xFF, v8;
	v13 =	vand.u32 $0xFF, v17;
	v16 =	vand.u32 $0xFF, v7  }
0x313: {  	v7 =	vld [tilespmem:s21+$0x0];
	vm4 =	vlt.s32 v9, v5;
	vm5 =	vlt.s32 v14, v5;
	vm6 =	vlt.s32 v15, v5  }
0x314: {  	vm4 =	vmand vm4, vm1;
	vm2 =	vmand vm5, vm2;
	vm1 =	vmand vm6, vm3  }
0x315: {  	v8 =	vld [tilespmem:s21+$0xFFFFFFE0];
	s21 =	simm.s32 $0x40;
	s22 =	simm.s32 $0x70;
	v14 =	vor.u32 v2, v10;
	v17 =	vor.u32 v2, v13;
	v10 =	vor.u32 v2, v16  }
0x316: {  	p3 =	sgt.s32 s13, $0x8;
	v9 =	vor.u32 s21, v0;
	v16 =	vor.u32 s22, v0;
	v13 =	vshrl.u32 v19, $0x8  }
.Ltmp22:
0x317: {  	[tilespmem:v12+s7+$0x0] =	vst.idx.add.s32.msk vm0, v3;
	vm1 =	vmmov vm1;
	vm0 =	vlt.s32 v16, v5;
	v13 =	vand.u32 $0xFFFF, v13;
	(pc) =	sbr.rel @!p3 .LBB2_45-.Ltmp22, $4  }
0x318: {  	v15 =	vshrl.u32 v11, $0x8;
	v12 =	vshrl.u32 v7, $0x8;
	vm3 =	veq.s32 v13, v6  }
0x319: {  	v13 =	vand.u32 $0xFFFF, v15;
	v15 =	vand.u32 $0xFF, v19;
	vm0 =	vmand vm0, vm3  }
0x31a: {  	s23 =	simm.s32 $0x50;
	s24 =	simm.s32 $0x60;
	v18 =	vshrl.u32 v8, $0x8;
	v16 =	vand.u32 $0xFFFF, v12;
	[tilespmem:v14+s7+$0x0] =	vst.idx.add.s32.msk vm4, v3;
	v12 =	vor.u32 v2, v15  }
0x31b: {  	p1 =	por $0x1, $0x1;
	s22 =	simm.s32 $0x8;
	v18 =	vand.u32 $0xFFFF, v18;
	v14 =	vor.u32 s23, v0;
	s23 =	simm.s32 $0x100A0;
	[tilespmem:v17+s7+$0x0] =	vst.idx.add.s32.msk vm2, v3;
	v15 =	vor.u32 s24, v0  }
.LBB2_46:
0x31c: {  	v17 =	vld [tilespmem:s23+$0x10];
	s22 =	sadd.s32 $0x4, s22;
	vm2 =	veq.s32 v18, v6;
	vm4 =	veq.s32 v13, v6;
	vm5 =	veq.s32 v16, v6  }
0x31d: {  	v13 =	vand.u32 $0xFF, v8;
	v16 =	vand.u32 $0xFF, v11;
	v18 =	vand.u32 $0xFF, v7;
	p3 =	slt.s32 s22, s13;
	v11 =	vld [tilespmem:s23+$0xFFFFFFF0]  }
0x31e: {  	vm3 =	vlt.s32 v9, v5;
	vm6 =	vlt.s32 v14, v5;
	vm7 =	vlt.s32 v15, v5;
	v7 =	vld [tilespmem:s23+$0x0]  }
0x31f: {  	vm3 =	vmand vm3, vm2;
	vm2 =	vmand vm6, vm4;
	vm4 =	vmand vm7, vm5;
	[tilespmem:v12+s7+$0x0] =	vst.idx.add.s32.msk vm0, v3  }
0x320: {  	s21 =	sadd.s32 $0x40, s21;
	v14 =	vor.u32 v2, v13;
	v19 =	vor.u32 v2, v16;
	v12 =	vor.u32 v2, v18;
	v8 =	vld [tilespmem:s23+$0xFFFFFFE0]  }
0x321: {  	v9 =	vor.u32 s21, v0;
	s24 =	sadd.s32 $0x10, s21;
	s25 =	sadd.s32 $0x20, s21;
	s26 =	sadd.s32 $0x30, s21;
	v13 =	vshrl.u32 v17, $0x8;
	[tilespmem:v10+s7+$0x0] =	vst.idx.add.s32.msk vm1, v3;
	v10 =	vmovc v12;
	vm1 =	vmmov vm4  }
.Ltmp23:
0x322: {  	v15 =	vor.u32 s26, v0;
	v12 =	vshrl.u32 v11, $0x8;
	v13 =	vand.u32 $0xFFFF, v13;
	(pc) =	sbr.rel @p3 .LBB2_46-.Ltmp23, $4  }
0x323: {  	vm0 =	vlt.s32 v15, v5;
	v16 =	vshrl.u32 v7, $0x8;
	vm4 =	veq.s32 v13, v6  }
0x324: {  	v13 =	vand.u32 $0xFFFF, v12;
	v12 =	vand.u32 $0xFF, v17;
	vm0 =	vmand vm0, vm4  }
0x325: {  	v16 =	vand.u32 $0xFFFF, v16;
	v12 =	vor.u32 v2, v12;
	v15 =	vshrl.u32 v8, $0x8;
	[tilespmem:v14+s7+$0x0] =	vst.idx.add.s32.msk vm3, v3  }
0x326: {  	s23 =	sadd.s32 $0x40, s23;
	v14 =	vor.u32 s24, v0;
	v18 =	vand.u32 $0xFFFF, v15;
	v15 =	vor.u32 s25, v0;
	[tilespmem:v19+s7+$0x0] =	vst.idx.add.s32.msk vm2, v3  }
0x327: {  	v17 =	vmov v11  }
.LBB2_48:
0x328: {  	vm2 =	veq.s32 v18, v6;
	vm3 =	veq.s32 v13, v6;
	vm4 =	veq.s32 v16, v6  }
0x329: {  	v8 =	vand.u32 $0xFF, v8;
	v11 =	vand.u32 $0xFF, v17;
	vm5 =	vlt.s32 v9, v5  }
0x32a: {  	vm6 =	vlt.s32 v14, v5;
	vm7 =	vlt.s32 v15, v5;
	vm2 =	vmand vm5, vm2  }
0x32b: {  	vm3 =	vmand vm6, vm3;
	vm4 =	vmand vm7, vm4;
	v8 =	vor.u32 v2, v8  }
0x32c: {  	v7 =	vand.u32 $0xFF, v7;
	v63 =	vor.u32 v2, v11;
	vm4 =	vmmov vm4  }
0x32d: {  	v7 =	vor.u32 v2, v7  }
0x32e: {  	[tilespmem:v12+s7+$0x0] =	vst.idx.add.s32.msk vm0, v3  }
0x32f: {  	[tilespmem:v10+s7+$0x0] =	vst.idx.add.s32.msk @p1 vm1, v3  }
0x330: {  	[tilespmem:v8+s7+$0x0] =	vst.idx.add.s32.msk vm2, v3  }
0x331: {  	[tilespmem:v63+s7+$0x0] =	vst.idx.add.s32.msk vm3, v3  }
0x332: {  	[tilespmem:v7+s7+$0x0] =	vst.idx.add.s32.msk vm4, v3  }
.LBB2_35:
.Ltmp24:
0x333: {  	(pc) =	sbr.rel @!p0 .LBB2_36-.Ltmp24, $1  }
0x334: {  	_ =	sdelay $0x3  }
0x335: {  	s16 =	sshra.s32 s16, $0x2;
	s21 =	sshll.u32 s14, $0x4  }
0x336: {  	s14 =	sadd.s32 $0x10000, s16;
	s15 =	ssub.s32 s15, s21  }
.LBB2_50:
0x337: {  	v7 =	vld [tilespmem:s14+$0x0];
	_ =	sdelay $0x4  }
0x338: {  	v8 =	vshrl.u32 v7, $0x8  }
0x339: {  	v9 =	vor.u32 s15, v0;
	v8 =	vand.u32 $0xFFFF, v8  }
0x33a: {  	vm0 =	vlt.s32 v9, v5;
	vm1 =	veq.s32 v8, v6  }
0x33b: {  	s13 =	sadd.s32 $0x1, s13;
	v7 =	vand.u32 $0xFF, v7;
	vm0 =	vmand vm0, vm1  }
0x33c: {  	p0 =	slt.s32 s13, s12;
	v7 =	vor.u32 v2, v7  }
.Ltmp25:
0x33d: {  	_ = 	snop;
	(pc) =	sbr.rel @p0 .LBB2_50-.Ltmp25, $2  }
0x33e: {  	_ =	sdelay $0x2  }
0x33f: {  	s14 =	sadd.s32 $0x10, s14;
	s15 =	sadd.s32 $0x10, s15;
	[tilespmem:v7+s7+$0x0] =	vst.idx.add.s32.msk vm0, v3  }
.LBB2_36:
0x340: {  	s15 =	simm.s32 $0x18810  }
0x341: {  	v5 =	vld [tilespmem:s15+$0xFFFFF7F0]  }
0x342: {  	v21 =	vld [tilespmem:s15+$0xFFFFF800]  }
0x343: {  	v22 =	vld [tilespmem:s15+$0xFFFFF900]  }
0x344: {  	v23 =	vld [tilespmem:s15+$0xFFFFF810]  }
0x345: {  	v24 =	vld [tilespmem:s15+$0xFFFFF910]  }
0x346: {  	v25 =	vld [tilespmem:s15+$0xFFFFF820]  }
0x347: {  	v26 =	vld [tilespmem:s15+$0xFFFFF920]  }
0x348: {  	v27 =	vld [tilespmem:s15+$0xFFFFFA00]  }
0x349: {  	v28 =	vld [tilespmem:s15+$0xFFFFFA10]  }
0x34a: {  	v29 =	vld [tilespmem:s15+$0xFFFFFA20]  }
0x34b: {  	v30 =	vld [tilespmem:s15+$0xFFFFFB00]  }
0x34c: {  	v31 =	vld [tilespmem:s15+$0xFFFFFB10]  }
0x34d: {  	v32 =	vld [tilespmem:s15+$0xFFFFFB20]  }
0x34e: {  	v33 =	vld [tilespmem:s15+$0xFFFFFC00]  }
0x34f: {  	v34 =	vld [tilespmem:s15+$0xFFFFFC10]  }
0x350: {  	v35 =	vld [tilespmem:s15+$0xFFFFFC20]  }
0x351: {  	v36 =	vld [tilespmem:s15+$0xFFFFFD00]  }
0x352: {  	v37 =	vld [tilespmem:s15+$0xFFFFFD10]  }
0x353: {  	v38 =	vld [tilespmem:s15+$0xFFFFFD20]  }
0x354: {  	v39 =	vld [tilespmem:s15+$0xFFFFFE00]  }
0x355: {  	v40 =	vld [tilespmem:s15+$0xFFFFFE10]  }
0x356: {  	v51 =	vld [tilespmem:s15+$0x200]  }
0x357: {  	v52 =	vld [tilespmem:s15+$0x210]  }
0x358: {  	v53 =	vld [tilespmem:s15+$0x220]  }
0x359: {  	v54 =	vld [tilespmem:s15+$0x300]  }
0x35a: {  	v55 =	vld [tilespmem:s15+$0x310]  }
0x35b: {  	v58 =	vld [tilespmem:s15+$0x320]  }
0x35c: {  	v59 =	vld [tilespmem:s15+$0x400]  }
0x35d: {  	s14 =	simm.s32 $0x0;
	v60 =	vld [tilespmem:s15+$0x410]  }
0x35e: {  	s14 =	sand.u32 $0xC0, s14;
	v61 =	vld [tilespmem:s15+$0x420]  }
0x35f: {  	v6 =	vld [tilespmem:s14+$0x18100]  }
0x360: {  	v7 =	vld [tilespmem:s14+$0x18200]  }
0x361: {  	v8 =	vld [tilespmem:s14+$0x18300]  }
0x362: {  	v9 =	vld [tilespmem:s14+$0x18400]  }
0x363: {  	v10 =	vld [tilespmem:s14+$0x18500]  }
0x364: {  	v11 =	vld [tilespmem:s14+$0x18600]  }
0x365: {  	v12 =	vld [tilespmem:s14+$0x18700];
	v5 =	vadd.s32 v5, v6  }
0x366: {  	v13 =	vld [tilespmem:s14+$0x18800];
	v5 =	vadd.s32 v7, v5  }
0x367: {  	v14 =	vld [tilespmem:s14+$0x18900];
	v5 =	vadd.s32 v8, v5  }
0x368: {  	v15 =	vld [tilespmem:s14+$0x18A00];
	v5 =	vadd.s32 v9, v5  }
0x369: {  	v16 =	vld [tilespmem:s14+$0x18B00];
	v5 =	vadd.s32 v10, v5  }
0x36a: {  	v17 =	vld [tilespmem:s14+$0x18C00];
	v5 =	vadd.s32 v11, v5  }
0x36b: {  	v18 =	vld [tilespmem:s14+$0x18D00];
	v5 =	vadd.s32 v12, v5  }
0x36c: {  	v19 =	vld [tilespmem:s14+$0x18E00];
	v5 =	vadd.s32 v13, v5  }
0x36d: {  	v20 =	vld [tilespmem:s14+$0x18F00];
	v5 =	vadd.s32 v14, v5  }
0x36e: {  	v6 =	vld [tilespmem:s15+$0xFFFFFE20];
	v5 =	vadd.s32 v15, v5  }
0x36f: {  	v7 =	vld [tilespmem:s15+$0xFFFFFF00];
	v5 =	vadd.s32 v16, v5  }
0x370: {  	v8 =	vld [tilespmem:s15+$0xFFFFFF10];
	v5 =	vadd.s32 v17, v5  }
0x371: {  	v9 =	vld [tilespmem:s15+$0xFFFFFF20];
	v5 =	vadd.s32 v18, v5  }
0x372: {  	v10 =	vld [tilespmem:s15+$0x0];
	v5 =	vadd.s32 v19, v5  }
0x373: {  	v11 =	vld [tilespmem:s15+$0x10];
	v20 =	vadd.s32 v20, v5;
	v5 =	vadd.s32 v21, v22  }
0x374: {  	v56 =	vadd.s32 v23, v24;
	v57 =	vadd.s32 v25, v26;
	v12 =	vld [tilespmem:s15+$0x20];
	v5 =	vadd.s32 v27, v5  }
0x375: {  	v23 =	vadd.s32 v29, v57;
	v13 =	vld [tilespmem:s15+$0x100];
	v22 =	vadd.s32 v28, v56;
	v5 =	vadd.s32 v30, v5  }
0x376: {  	v23 =	vadd.s32 v32, v23;
	v14 =	vld [tilespmem:s15+$0x110];
	v22 =	vadd.s32 v31, v22;
	v5 =	vadd.s32 v33, v5  }
0x377: {  	v23 =	vadd.s32 v35, v23;
	v15 =	vld [tilespmem:s15+$0x120];
	v22 =	vadd.s32 v34, v22;
	v5 =	vadd.s32 v36, v5  }
0x378: {  	v62 =	vld [tilespmem:s15+$0x500];
	v23 =	vadd.s32 v38, v23;
	v22 =	vadd.s32 v37, v22;
	v5 =	vadd.s32 v39, v5  }
0x379: {  	v63 =	vld [tilespmem:s15+$0x510];
	v6 =	vadd.s32 v6, v23;
	v22 =	vadd.s32 v40, v22;
	v5 =	vadd.s32 v7, v5  }
0x37a: {  	v6 =	vadd.s32 v9, v6;
	v9 =	vld [tilespmem:s15+$0x520];
	v7 =	vadd.s32 v8, v22;
	v5 =	vadd.s32 v10, v5  }
0x37b: {  	v6 =	vadd.s32 v12, v6;
	v12 =	vld [tilespmem:s15+$0x600];
	v7 =	vadd.s32 v11, v7;
	v5 =	vadd.s32 v13, v5  }
0x37c: {  	v6 =	vadd.s32 v15, v6;
	v7 =	vadd.s32 v14, v7;
	v8 =	vadd.s32 v51, v5;
	v5 =	vld [tilespmem:s15+$0x610]  }
0x37d: {  	v10 =	vadd.s32 v53, v6;
	v6 =	vld [tilespmem:s15+$0x620];
	v7 =	vadd.s32 v52, v7;
	v8 =	vadd.s32 v54, v8  }
0x37e: {  	s12 =	ssub.s32 s20, s19;
	v10 =	vadd.s32 v58, v10;
	v11 =	vadd.s32 v55, v7;
	v7 =	vld [tilespmem:s15+$0x700];
	v8 =	vadd.s32 v59, v8  }
0x37f: {  	s13 =	simm.s32 $0x19020;
	s16 =	simm.s32 $0x40;
	s12 =	simm.s32 @!p2 $0x0;
	v10 =	vadd.s32 v61, v10;
	v11 =	vadd.s32 v60, v11;
	v13 =	vadd.s32 v62, v8;
	v8 =	vld [tilespmem:s15+$0x710]  }
0x380: {  	s12 =	sadd.s32 s17, s12;
	s14 =	simm.s32 $0x0;
	[tilespmem:s13+$0xFFFFFFE0] =	vst v20;
	v10 =	vadd.s32 v9, v10;
	v9 =	vld [tilespmem:s15+$0x720];
	v11 =	vadd.s32 v63, v11;
	s15 =	simm.s32 $0x18850;
	v12 =	vadd.s32 v12, v13  }
.LBB2_37:
0x381: {  	v13 =	vld [tilespmem:s15+$0xFFFFF7F0];
	s17 =	sand.u32 $0xC0, s16;
	s14 =	sadd.s32 $0x4, s14;
	v5 =	vadd.s32 v5, v11  }
0x382: {  	v11 =	vld [tilespmem:s17+$0x18100];
	p0 =	slt.u32 s14, $0xC;
	v6 =	vadd.s32 v6, v10  }
0x383: {  	v10 =	vld [tilespmem:s17+$0x18200];
	v7 =	vadd.s32 v7, v12  }
0x384: {  	v12 =	vld [tilespmem:s17+$0x18300];
	[tilespmem:s13+$0xFFFFFFF0] =	vst v7;
	v5 =	vadd.s32 v8, v5  }
0x385: {  	v7 =	vld [tilespmem:s17+$0x18400];
	[tilespmem:s13+$0x0] =	vst v5;
	v5 =	vadd.s32 v9, v6  }
0x386: {  	v6 =	vld [tilespmem:s17+$0x18500];
	[tilespmem:s13+$0x10] =	vst v5  }
0x387: {  	v5 =	vadd.s32 v13, v11;
	v8 =	vld [tilespmem:s17+$0x18600]  }
0x388: {  	v5 =	vadd.s32 v10, v5;
	v9 =	vld [tilespmem:s17+$0x18700]  }
0x389: {  	v5 =	vadd.s32 v12, v5;
	v10 =	vld [tilespmem:s17+$0x18800]  }
0x38a: {  	v5 =	vadd.s32 v7, v5;
	v7 =	vld [tilespmem:s17+$0x18900]  }
0x38b: {  	v5 =	vadd.s32 v6, v5;
	v6 =	vld [tilespmem:s17+$0x18A00]  }
0x38c: {  	v5 =	vadd.s32 v8, v5;
	v8 =	vld [tilespmem:s17+$0x18B00]  }
0x38d: {  	v5 =	vadd.s32 v9, v5;
	v9 =	vld [tilespmem:s17+$0x18C00]  }
0x38e: {  	v5 =	vadd.s32 v10, v5;
	v10 =	vld [tilespmem:s17+$0x18D00]  }
0x38f: {  	v5 =	vadd.s32 v7, v5;
	v7 =	vld [tilespmem:s17+$0x18E00]  }
0x390: {  	v5 =	vadd.s32 v6, v5;
	v6 =	vld [tilespmem:s17+$0x18F00]  }
0x391: {  	v5 =	vadd.s32 v8, v5;
	v8 =	vld [tilespmem:s15+$0xFFFFF800]  }
0x392: {  	v5 =	vadd.s32 v9, v5;
	v9 =	vld [tilespmem:s15+$0xFFFFF900]  }
0x393: {  	v5 =	vadd.s32 v10, v5;
	v10 =	vld [tilespmem:s15+$0xFFFFF810]  }
0x394: {  	v5 =	vadd.s32 v7, v5;
	v7 =	vld [tilespmem:s15+$0xFFFFF910]  }
0x395: {  	s13 =	sadd.s32 $0x40, s13;
	v5 =	vadd.s32 v6, v5;
	v6 =	vld [tilespmem:s15+$0xFFFFF820]  }
0x396: {  	[tilespmem:s13+$0xFFFFFFE0] =	vst v5;
	v5 =	vld [tilespmem:s15+$0xFFFFF920]  }
0x397: {  	v8 =	vadd.s32 v8, v9;
	v9 =	vld [tilespmem:s15+$0xFFFFFA00]  }
0x398: {  	v11 =	vld [tilespmem:s15+$0xFFFFFA10]  }
0x399: {  	v7 =	vadd.s32 v10, v7;
	v10 =	vld [tilespmem:s15+$0xFFFFFA20]  }
0x39a: {  	v12 =	vld [tilespmem:s15+$0xFFFFFB00]  }
0x39b: {  	v13 =	vld [tilespmem:s15+$0xFFFFFB10];
	v5 =	vadd.s32 v6, v5  }
0x39c: {  	v6 =	vadd.s32 v9, v8;
	v8 =	vld [tilespmem:s15+$0xFFFFFB20]  }
0x39d: {  	v9 =	vld [tilespmem:s15+$0xFFFFFC00];
	v7 =	vadd.s32 v11, v7  }
0x39e: {  	v11 =	vld [tilespmem:s15+$0xFFFFFC10];
	v5 =	vadd.s32 v10, v5  }
0x39f: {  	v6 =	vadd.s32 v12, v6;
	v10 =	vld [tilespmem:s15+$0xFFFFFC20]  }
0x3a0: {  	v12 =	vld [tilespmem:s15+$0xFFFFFD00];
	v7 =	vadd.s32 v13, v7  }
0x3a1: {  	v13 =	vld [tilespmem:s15+$0xFFFFFD10];
	v5 =	vadd.s32 v8, v5  }
0x3a2: {  	v6 =	vadd.s32 v9, v6;
	v8 =	vld [tilespmem:s15+$0xFFFFFD20]  }
0x3a3: {  	v9 =	vld [tilespmem:s15+$0xFFFFFE00];
	v7 =	vadd.s32 v11, v7  }
0x3a4: {  	v11 =	vld [tilespmem:s15+$0xFFFFFE10];
	v5 =	vadd.s32 v10, v5  }
0x3a5: {  	v6 =	vadd.s32 v12, v6;
	v10 =	vld [tilespmem:s15+$0xFFFFFE20]  }
0x3a6: {  	v12 =	vld [tilespmem:s15+$0xFFFFFF00];
	v7 =	vadd.s32 v13, v7  }
0x3a7: {  	v13 =	vld [tilespmem:s15+$0xFFFFFF10];
	v5 =	vadd.s32 v8, v5  }
0x3a8: {  	v6 =	vadd.s32 v9, v6;
	v8 =	vld [tilespmem:s15+$0xFFFFFF20]  }
0x3a9: {  	v9 =	vld [tilespmem:s15+$0x0];
	v7 =	vadd.s32 v11, v7  }
0x3aa: {  	v11 =	vld [tilespmem:s15+$0x10];
	v5 =	vadd.s32 v10, v5  }
0x3ab: {  	v6 =	vadd.s32 v12, v6;
	v10 =	vld [tilespmem:s15+$0x20]  }
0x3ac: {  	v12 =	vld [tilespmem:s15+$0x100];
	v7 =	vadd.s32 v13, v7  }
0x3ad: {  	v13 =	vld [tilespmem:s15+$0x110];
	v5 =	vadd.s32 v8, v5  }
0x3ae: {  	v6 =	vadd.s32 v9, v6;
	v8 =	vld [tilespmem:s15+$0x120]  }
0x3af: {  	v9 =	vld [tilespmem:s15+$0x200];
	v7 =	vadd.s32 v11, v7  }
0x3b0: {  	v11 =	vld [tilespmem:s15+$0x210];
	v5 =	vadd.s32 v10, v5  }
0x3b1: {  	v6 =	vadd.s32 v12, v6;
	v10 =	vld [tilespmem:s15+$0x220]  }
0x3b2: {  	v12 =	vld [tilespmem:s15+$0x300];
	v7 =	vadd.s32 v13, v7  }
0x3b3: {  	v13 =	vld [tilespmem:s15+$0x310];
	v5 =	vadd.s32 v8, v5  }
0x3b4: {  	v6 =	vadd.s32 v9, v6;
	v8 =	vld [tilespmem:s15+$0x320]  }
0x3b5: {  	v9 =	vld [tilespmem:s15+$0x400];
	v7 =	vadd.s32 v11, v7  }
0x3b6: {  	v11 =	vld [tilespmem:s15+$0x410];
	v5 =	vadd.s32 v10, v5  }
0x3b7: {  	v6 =	vadd.s32 v12, v6;
	v10 =	vld [tilespmem:s15+$0x420]  }
0x3b8: {  	v12 =	vld [tilespmem:s15+$0x500];
	v7 =	vadd.s32 v13, v7  }
0x3b9: {  	v13 =	vld [tilespmem:s15+$0x510];
	v8 =	vadd.s32 v8, v5  }
0x3ba: {  	v6 =	vadd.s32 v9, v6;
	v9 =	vld [tilespmem:s15+$0x520]  }
0x3bb: {  	v14 =	vld [tilespmem:s15+$0x600];
	v11 =	vadd.s32 v11, v7  }
.Ltmp26:
0x3bc: {  	v5 =	vld [tilespmem:s15+$0x610];
	v10 =	vadd.s32 v10, v8;
	(pc) =	sbr.rel @p0 .LBB2_37-.Ltmp26, $4  }
0x3bd: {  	v12 =	vadd.s32 v12, v6;
	v6 =	vld [tilespmem:s15+$0x620]  }
0x3be: {  	v7 =	vld [tilespmem:s15+$0x700];
	v11 =	vadd.s32 v13, v11  }
0x3bf: {  	v8 =	vld [tilespmem:s15+$0x710];
	v10 =	vadd.s32 v9, v10  }
0x3c0: {  	s16 =	sadd.s32 $0x40, s16;
	v12 =	vadd.s32 v14, v12;
	v9 =	vld [tilespmem:s15+$0x720];
	s15 =	sadd.s32 $0x40, s15  }
0x3c1: {  	_ =	sdelay $0x1  }
0x3c2: {  	v5 =	vadd.s32 v5, v11;
	v7 =	vadd.s32 v7, v12  }
0x3c3: {  	v6 =	vadd.s32 v6, v10;
	[tilespmem:s13+$0xFFFFFFF0] =	vst v7;
	v5 =	vadd.s32 v8, v5  }
0x3c4: {  	[tilespmem:s13+$0x0] =	vst v5;
	v5 =	vadd.s32 v9, v6  }
0x3c5: {  	s15 =	simm.s32 $0x190F0;
	[tilespmem:s13+$0x10] =	vst v5;
	v5 =	vmov s12;
	s13 =	simm.s32 $0x0;
	s12 =	simm.s32 $0xFFFFFEF1  }
.LBB2_39:
0x3c6: {  	v6 =	vld [tilespmem:s15+$0x0];
	_ =	sdelay $0x4  }
0x3c7: {  	v7 =	vperm.xlane v6, v4;
	_ =	sdelay $0x1  }
0x3c8: {  	(xrf0) =	vadd.scan.msk.s32 $0xffff, v7;
	_ =	sdelay $0x5  }
0x3c9: {  	v7, _, _ =	vpop (xrf0)  }
0x3ca: {  	v7 =	vadd.s32 s13, v7  }
0x3cb: {  	vm0 =	vge.s32 v7, v5  }
0x3cc: {  	v7 =	vsel vm0, $0x1, v1  }
0x3cd: {  	(xrf0) =	vadd.scan.msk.s32 $0xffff, v7;
	_ =	sdelay $0x5  }
0x3ce: {  	(xrf0) =	vadd.scan.msk.s32 $0xffff, v6;
	v6, _, _ =	vpop (xrf0)  }
0x3cf: {  	(v2sf) =	vpush v6, $0xF;
	_ =	sdelay $0x4  }
0x3d0: {  	v7, _, _ =	vpop (xrf0)  }
0x3d1: {  	(v2sf) =	vpush v7, $0xF;
	_ =	sdelay $0x8  }
0x3d2: {  	p0 =	seq.s32 s12, $0xFFFFFFE1;
	s14 =	spop (v2sf)  }
0x3d3: {  	p1 =	slt.s32 @!p0 s14, $0x1  }
0x3d4: {  	p0 =	por p0, !p1  }
.Ltmp27:
0x3d5: {  	_ = 	snop;
	(pc) =	sbr.rel @!p0 .LBB2_39-.Ltmp27, $3  }
0x3d6: {  	_ =	sdelay $0x1  }
0x3d7: {  	s16 =	spop (v2sf)  }
0x3d8: {  	s12 =	sadd.s32 $0x10, s12;
	s15 =	sadd.s32 $0xFFFFFFF0, s15;
	s13 =	sadd.s32 s13, s16  }
0x3d9: {  	vm1 =	veq.s32 v6, $0x1  }
0x3da: {  	vm0 =	vmand vm0, vm1  }
0x3db: {  	v5 =	vnsel vm0, $0x0, v0  }
0x3dc: {  	(xrf0) =	vadd.scan.msk.s32 $0xffff, v5;
	_ =	sdelay $0x5  }
0x3dd: {  	v5, _, _ =	vpop (xrf0)  }
0x3de: {  	(v2sf) =	vpush v5, $0xF;
	_ =	sdelay $0x7  }
0x3df: {  	s13 =	simm.s32 $0x8040  }
0x3e0: {  	v6 =	vld [tilespmem:s13+$0x30]  }
0x3e1: {  	v8 =	vld [tilespmem:s13+$0xFFFFFFD0]  }
0x3e2: {  	v9 =	vld [tilespmem:s13+$0xFFFFFFE0]  }
0x3e3: {  	v10 =	vld [tilespmem:s13+$0xFFFFFFF0]  }
0x3e4: {  	v11 =	vld [tilespmem:s13+$0x0]  }
0x3e5: {  	v12 =	vld [tilespmem:s13+$0x10]  }
0x3e6: {  	v13 =	vld [tilespmem:s13+$0x20];
	s15 =	spop (v2sf)  }
0x3e7: {  	p0 =	sgt.s32 s14, $0x0;
	v14 =	vld [tilespmem:s13+$0xFFFFFFC0];
	s30 =	sadd.s32 s12, s15;
	s12 =	simm.s32 $0x40  }
0x3e8: {  	s11 =	sshll.u32 s11, $0x18;
	s31 =	sshll.u32 s18, $0x8;
	s13 =	ssub.s32 $0x0, s30;
	v15 =	vld [tilespmem:s12+$0x30]  }
0x3e9: {  	s11 =	sor.u32 s11, s31;
	v16 =	vld [tilespmem:s12+$0xFFFFFFC0];
	s13 =	simm.s32 @!p0 $0x0  }
0x3ea: {  	v17 =	vld [tilespmem:s12+$0xFFFFFFD0];
	s11 =	sor.u32 s13, s11  }
0x3eb: {  	v7 =	vld [tilespmem:s12+$0xFFFFFFE0];
	v5 =	vmov s11  }
0x3ec: {  	vm0 =	vlt.u32 v6, v5;
	vm5 =	vlt.u32 v8, v5;
	v6 =	vld [tilespmem:s12+$0xFFFFFFF0]  }
0x3ed: {  	vm3 =	vlt.u32 v9, v5;
	v8 =	vld [tilespmem:s12+$0x0];
	v9 =	vsel vm0, $0x0, v15;
	vm0 =	vlt.u32 v14, v5  }
0x3ee: {  	vm4 =	vlt.u32 v10, v5;
	vm1 =	vlt.u32 v11, v5;
	[tilespmem:s12+$0x30] =	vst v9;
	v10 =	vsel vm0, $0x0, v16;
	v9 =	vld [tilespmem:s12+$0x10]  }
0x3ef: {  	s14 =	simm.s32 $0x40;
	s13 =	simm.s32 $0x80C0;
	s11 =	simm.s32 $0x0;
	vm2 =	vlt.u32 v12, v5;
	v11 =	vsel vm5, $0x0, v17;
	vm0 =	vlt.u32 v13, v5;
	[tilespmem:s12+$0xFFFFFFC0] =	vst v10;
	v10 =	vld [tilespmem:s12+$0x20]  }
.LBB2_41:
0x3f0: {  	v12 =	vld [tilespmem:s13+$0x30];
	s11 =	sadd.s32 $0x8, s11;
	[tilespmem:s12+$0xFFFFFFD0] =	vst v11;
	v7 =	vsel vm3, $0x0, v7;
	s14 =	sadd.s32 $0x80, s14  }
0x3f1: {  	v11 =	vld [tilespmem:s14+$0x30];
	p0 =	slt.u32 s11, $0x7F8;
	[tilespmem:s12+$0xFFFFFFE0] =	vst v7;
	v6 =	vsel vm4, $0x0, v6  }
0x3f2: {  	v7 =	vld [tilespmem:s13+$0xFFFFFFD0];
	[tilespmem:s12+$0xFFFFFFF0] =	vst v6;
	v6 =	vsel vm1, $0x0, v8  }
0x3f3: {  	v8 =	vld [tilespmem:s13+$0xFFFFFFE0];
	[tilespmem:s12+$0x0] =	vst v6;
	v6 =	vsel vm2, $0x0, v9  }
0x3f4: {  	v9 =	vld [tilespmem:s13+$0xFFFFFFF0];
	[tilespmem:s12+$0x10] =	vst v6;
	v6 =	vsel vm0, $0x0, v10  }
0x3f5: {  	v10 =	vld [tilespmem:s13+$0x0];
	vm0 =	vlt.u32 v12, v5;
	[tilespmem:s12+$0x20] =	vst v6;
	s12 =	smov.u32 s14  }
0x3f6: {  	v6 =	vld [tilespmem:s13+$0x10];
	v11 =	vsel vm0, $0x0, v11  }
0x3f7: {  	vm5 =	vlt.u32 v7, v5;
	v12 =	vld [tilespmem:s13+$0x20];
	[tilespmem:s14+$0x30] =	vst v11  }
0x3f8: {  	v11 =	vld [tilespmem:s13+$0xFFFFFFC0];
	vm3 =	vlt.u32 v8, v5  }
0x3f9: {  	v13 =	vld [tilespmem:s14+$0xFFFFFFC0];
	vm4 =	vlt.u32 v9, v5  }
0x3fa: {  	v14 =	vld [tilespmem:s14+$0xFFFFFFD0];
	vm1 =	vlt.u32 v10, v5  }
.Ltmp28:
0x3fb: {  	v7 =	vld [tilespmem:s14+$0xFFFFFFE0];
	vm2 =	vlt.u32 v6, v5;
	(pc) =	sbr.rel @p0 .LBB2_41-.Ltmp28, $4  }
0x3fc: {  	v6 =	vld [tilespmem:s14+$0xFFFFFFF0];
	vm0 =	vlt.u32 v12, v5  }
0x3fd: {  	vm6 =	vlt.u32 v11, v5;
	v8 =	vld [tilespmem:s14+$0x0]  }
0x3fe: {  	v10 =	vsel vm6, $0x0, v13;
	v9 =	vld [tilespmem:s14+$0x10]  }
0x3ff: {  	s13 =	sadd.s32 $0x80, s13;
	[tilespmem:s14+$0xFFFFFFC0] =	vst v10;
	v11 =	vsel vm5, $0x0, v14;
	v10 =	vld [tilespmem:s14+$0x20]  }
0x400: {  	[tilespmem:s12+$0xFFFFFFD0] =	vst v11;
	v5 =	vsel vm3, $0x0, v7  }
0x401: {  	[tilespmem:s12+$0xFFFFFFE0] =	vst v5;
	v5 =	vsel vm4, $0x0, v6  }
0x402: {  	[tilespmem:s12+$0xFFFFFFF0] =	vst v5;
	v5 =	vsel vm1, $0x0, v8  }
0x403: {  	[tilespmem:s12+$0x0] =	vst v5;
	v5 =	vsel vm2, $0x0, v9  }
0x404: {  	s10 =	sadd.s32 $0x1, s10;
	[tilespmem:s12+$0x10] =	vst v5;
	v5 =	vsel vm0, $0x0, v10  }
0x405: {  	p0 =	sne.s32 s10, s5;
	[tilespmem:s12+$0x20] =	vst v5  }
0x406: {  	[hbm4b:s4+s2] =	stream.linear.scatter [tilespmem:s2], [sflag:$0x1], $0x8000, $0x38;
	[tilespmem:$0x19100] =	vst v63  }
.Ltmp29:
0x407: {  	_ = 	snop;
	(pc) =	sbr.rel @p0 .LBB2_1-.Ltmp29, $4  }
.Ltmp30:
0x408: {  	_ = 	snop;
	(pc) =	sbr.rel @!p0 .LBB2_43-.Ltmp30, $4  }
0x409: {  	_ =	swait.ge [sflag:s6], $0x8000  }
0x40a: {  	[sflag:s6] =	ssyncset.done $0x0  }
0x40b: {  	[sflag:s6] =	ssyncadd.s32 $0xFFFF8000  }
0x40c: {  	_ = 	snop  }
.LBB2_32:
.Ltmp31:
0x40d: {  	(pc) =	sbr.rel .LBB2_48-.Ltmp31, $2  }
0x40e: {  	_ =	sdelay $0x2  }
0x40f: {  	_ = 	snop  }
.LBB2_45:
.Ltmp32:
0x410: {  	(pc) =	sbr.rel .LBB2_48-.Ltmp32, $2  }
0x411: {  	_ =	sdelay $0x2  }
0x412: {  	v17 =	vmov v11  }
.LBB2_43:
0x413: {  	_ =	sfence.sel $0x180000  }
0x414: {  	[bflag:$0x0] =	sbarrier.arrive $0xFFFF  }
0x415: {  	p0 =	sne.s32 s1, $0x0;
	_ =	strace $0x90000047  }
0x416: {  	s0 =	sadd.s32 @!p0 $0x100000, s0;
	[bflag:$0x2] =	sbarrier.arrive $0xFFFF  }
0x417: {  	[sflag:s0] =	ssyncadd.tile.s32 @!p0 $0x1;
	_ =	shalt  }
.Lfunc_end2:
_tile_overlayer_lowered:
.L_overlay_start_2:
0x418: {  	(tag) =	ssettag $0x2  }
0x419: {  	s0 =	rddreg [dreg:$0x0];
	s2 =	stileid.u32  }
0x41a: {  	s1 =	rddreg [dreg:$0x1];
	p0 =	sne.s32 s2, $0x0  }
0x41b: {  	s3 =	rddreg [dreg:$0x2];
	[bflag:$0x3] =	sbarrier.arrive $0xFFFF;
	s2 =	simm.s32 @!p0 $0x1C01  }
0x41c: {  	[timem:s3], [sflag:s2] =	dma.local @!p0 [hbm:s0], s1  }
0x41d: {  	s0 =	simm.s32 @!p0 $0x1  }
0x41e: {  	_ =	swait.ge @!p0 [sflag:s0], s1  }
0x41f: {  	s1 =	ssub.s32 @!p0 $0x0, s1;
	[sflag:s0] =	ssyncset.done @!p0 $0x0  }
0x420: {  	[sflag:s0] =	ssyncadd.s32 @!p0 s1  }
0x421: {  	[bflag:$0x3] =	sbarrier.arrive $0xFFFF  }
0x422: {  	_ =	shalt  }

</sc_bundles>
